<compile_context>
chip_gen: v7x
topology: tpu7x:2x2x1
jax: 0.10.2.dev20260603
libtpu: 0.0.44.dev20260713+nightly
codegen_flags: <defaults>
</compile_context>

<pallas_src>
import functools

import jax
import jax.numpy as jnp
from jax import lax
from jax.experimental import pallas as pl
from jax.experimental.pallas import tpu as pltpu
from jax.experimental.pallas import tpu_sc as plsc

N = 10000
NPAD = 10240
E = 320000
D = 128
EPS = 1e-5

NC = 2
NS = 16
NW = NC * NS
C = 80
NCHUNK = 128
EPAD = NW * NCHUNK * C
ROWS_PT = NPAD // NS
DEGW = 128

_mesh = plsc.VectorSubcoreMesh(core_axis_name="c", subcore_axis_name="s",
                               num_cores=NC, num_subcores=NS)



@functools.partial(
    pl.kernel,
    out_type=jax.ShapeDtypeStruct((NC, NPAD, DEGW), jnp.float32),
    mesh=_mesh,
    scratch_types=[
        pltpu.VMEM((NCHUNK, C), jnp.int32),
        pltpu.VMEM((C, DEGW), jnp.float32),
        pltpu.VMEM_SHARED((NPAD, DEGW), jnp.float32),
    ],
)
def _deg_kernel(dst_hbm, ones_hbm, zeros_hbm, out_hbm, dst_v, ones_v, acc):
    cid = lax.axis_index("c")
    sid = lax.axis_index("s")
    wid = sid * NC + cid
    base = sid * ROWS_PT
    pltpu.sync_copy(dst_hbm.at[wid], dst_v)
    pltpu.sync_copy(ones_hbm, ones_v)
    pltpu.sync_copy(zeros_hbm.at[pl.ds(base, ROWS_PT)],
                    acc.at[pl.ds(base, ROWS_PT)])
    plsc.subcore_barrier()

    @pl.loop(0, NCHUNK)
    def _scatter(j):
        pltpu.sync_copy(ones_v, acc.at[dst_v.at[j]], add=True)

    plsc.subcore_barrier()
    pltpu.sync_copy(acc.at[pl.ds(base, ROWS_PT)],
                    out_hbm.at[cid, pl.ds(base, ROWS_PT)])


WCH = 16
NWIN = NCHUNK // WCH
NBUF = 2


@functools.partial(
    pl.kernel,
    out_type=jax.ShapeDtypeStruct((NC, NPAD, D), jnp.float32),
    mesh=_mesh,
    scratch_types=[
        pltpu.VMEM((WCH, C), jnp.int32),
        pltpu.VMEM((WCH, C), jnp.int32),
        [pltpu.VMEM((C, D), jnp.float32)] * NBUF,
        [pltpu.SemaphoreType.DMA] * NBUF,
        pltpu.VMEM_SHARED((NPAD, D), jnp.float32),
    ],
)
def _agg_kernel(h_hbm, src_hbm, dst_hbm, out_hbm,
                src_v, dst_v, bufs, gsems, acc):
    cid = lax.axis_index("c")
    sid = lax.axis_index("s")
    wid = sid * NC + cid
    base = sid * ROWS_PT
    pltpu.sync_copy(h_hbm.at[pl.ds(base, ROWS_PT)],
                    acc.at[pl.ds(base, ROWS_PT)])
    plsc.subcore_barrier()

    def _wait_g(k):
        pltpu.make_async_copy(h_hbm.at[pl.ds(0, C)], bufs[k], gsems[k]).wait()

    @pl.loop(0, NWIN)
    def _outer(w):
        pltpu.sync_copy(src_hbm.at[wid, pl.ds(w * WCH, WCH)], src_v)
        pltpu.sync_copy(dst_hbm.at[wid, pl.ds(w * WCH, WCH)], dst_v)
        for k in range(NBUF):
            pltpu.async_copy(h_hbm.at[src_v.at[k]], bufs[k], gsems[k])

        @pl.loop(0, WCH - NBUF, step=NBUF)
        def _inner(j):
            for k in range(NBUF):
                _wait_g(k)
                pltpu.sync_copy(bufs[k], acc.at[dst_v.at[j + k]], add=True)
                pltpu.async_copy(h_hbm.at[src_v.at[j + NBUF + k]],
                                 bufs[k], gsems[k])

        for k in range(NBUF):
            _wait_g(k)
            pltpu.sync_copy(bufs[k], acc.at[dst_v.at[WCH - NBUF + k]],
                            add=True)

    plsc.subcore_barrier()
    pltpu.sync_copy(acc.at[pl.ds(base, ROWS_PT)],
                    out_hbm.at[cid, pl.ds(base, ROWS_PT)])



def _dot(a, b):
    return lax.dot_general(a, b, (((1,), (0,)), ((), ())),
                           precision=lax.Precision.HIGHEST,
                           preferred_element_type=jnp.float32)


def _mm_body(x_ref, w_ref, o_ref):
    o_ref[...] = _dot(x_ref[...], w_ref[...])


def _scale_body(deg_ref, h_ref, hp_ref, dinv_ref):
    deg = deg_ref[0, :, 0:1] + deg_ref[1, :, 0:1] + 1.0
    row = lax.broadcasted_iota(jnp.int32, (NPAD, 1), 0)
    dinv = jnp.where(row < N, lax.rsqrt(deg), 0.0)
    dinv_ref[...] = dinv
    hp_ref[...] = h_ref[...] * dinv


def _mid_body(acc_ref, hprev_ref, dinv_ref, b_ref, g_ref, be_ref, w_ref,
              o_ref):
    dinv = dinv_ref[...]
    raw = acc_ref[0] + acc_ref[1] - hprev_ref[...]
    z = raw * dinv + b_ref[...]
    row = lax.broadcasted_iota(jnp.int32, (NPAD, 1), 0)
    m = row < N
    zm = jnp.where(m, z, 0.0)
    mean = jnp.sum(zm, axis=0, keepdims=True) * (1.0 / N)
    dev = jnp.where(m, z - mean, 0.0)
    var = jnp.sum(dev * dev, axis=0, keepdims=True) * (1.0 / N)
    bn = (z - mean) * lax.rsqrt(var + EPS) * g_ref[...] + be_ref[...]
    r = jnp.maximum(bn, 0.0)
    h = _dot(r, w_ref[...]) * dinv
    o_ref[...] = jnp.where(m, h, 0.0)


def _out_body(acc_ref, hprev_ref, dinv_ref, b_ref, o_ref):
    raw = acc_ref[0] + acc_ref[1] - hprev_ref[...]
    o_ref[...] = raw * dinv_ref[...] + b_ref[...]


_f32 = lambda *s: jax.ShapeDtypeStruct(s, jnp.float32)
_CP = pltpu.CompilerParams(vmem_limit_bytes=60 * 1024 * 1024)

_mm = pl.pallas_call(_mm_body, out_shape=_f32(NPAD, D), compiler_params=_CP)
_scale = pl.pallas_call(_scale_body, out_shape=(_f32(NPAD, D), _f32(NPAD, 1)),
                        compiler_params=_CP)
_mid = pl.pallas_call(_mid_body, out_shape=_f32(NPAD, D), compiler_params=_CP)
_last = pl.pallas_call(_out_body, out_shape=_f32(NPAD, D), compiler_params=_CP)


def kernel(x, edge_index, W1, b1, g1, be1, W2, b2, g2, be2, W3, b3):
    src = edge_index[0].astype(jnp.int32)
    dst = edge_index[1].astype(jnp.int32)
    pad = jnp.full((EPAD - E,), NPAD - 1, jnp.int32)
    srcg = jnp.concatenate([src, pad]).reshape(NW, NCHUNK, C)
    dstg = jnp.concatenate([dst, pad]).reshape(NW, NCHUNK, C)
    xp = jnp.pad(x, ((0, NPAD - N), (0, 0)))

    ones_c = jnp.ones((C, DEGW), jnp.float32)
    zeros_c = jnp.zeros((NPAD, DEGW), jnp.float32)
    degp = _deg_kernel(dstg, ones_c, zeros_c)
    h1_raw = _mm(xp, W1)
    h1p, dinv = _scale(degp, h1_raw)

    b1r, g1r, be1r = b1.reshape(1, D), g1.reshape(1, D), be1.reshape(1, D)
    b2r, g2r, be2r = b2.reshape(1, D), g2.reshape(1, D), be2.reshape(1, D)

    a1 = _agg_kernel(h1p, srcg, dstg)
    h2p = _mid(a1, h1p, dinv, b1r, g1r, be1r, W2)
    a2 = _agg_kernel(h2p, srcg, dstg)
    h3p = _mid(a2, h2p, dinv, b2r, g2r, be2r, W3)
    a3 = _agg_kernel(h3p, srcg, dstg)
    outp = _last(a3, h3p, dinv, b3.reshape(1, D))
    return outp[:N]

# --- scband reference (transcript-rebuilt; emitter-appended) ---
"""Pipeline reference for scband-gcn-64579128262992 (READ-ONLY COPY).

The authoritative reference and input builder live on the scoring server;
editing this copy changes nothing except your own understanding.
"""

import jax, jax.numpy as jnp
import numpy as np

N = 10000
E = 320000
D_IN = 128
D_HID = 128
D_OUT = 128
EPS = 1e-5


def setup_inputs(seed: int = 0) -> dict:
    key = jax.random.key(seed)
    ks = jax.random.split(key, 12)
    x = jax.random.normal(ks[0], (N, D_IN), dtype=jnp.float32)
    edge_index = jax.random.randint(ks[1], (2, E), 0, N, dtype=jnp.int64)
    s1 = 1.0 / np.sqrt(D_IN)
    s2 = 1.0 / np.sqrt(D_HID)
    W1 = jax.random.uniform(ks[2], (D_IN, D_HID), jnp.float32, -s1, s1)
    b1 = jnp.zeros((D_HID,), jnp.float32)
    g1 = jnp.ones((D_HID,), jnp.float32)
    be1 = jnp.zeros((D_HID,), jnp.float32)
    W2 = jax.random.uniform(ks[3], (D_HID, D_HID), jnp.float32, -s2, s2)
    b2 = jnp.zeros((D_HID,), jnp.float32)
    g2 = jnp.ones((D_HID,), jnp.float32)
    be2 = jnp.zeros((D_HID,), jnp.float32)
    W3 = jax.random.uniform(ks[4], (D_HID, D_OUT), jnp.float32, -s2, s2)
    b3 = jnp.zeros((D_OUT,), jnp.float32)
    return {"x": x, "edge_index": edge_index, "W1": W1, "b1": b1, "g1": g1,
            "be1": be1, "W2": W2, "b2": b2, "g2": g2, "be2": be2,
            "W3": W3, "b3": b3}


def _gcn_norm(edge_index, num_nodes):
    loop = jnp.arange(num_nodes, dtype=edge_index.dtype)
    src = jnp.concatenate([edge_index[0], loop])
    dst = jnp.concatenate([edge_index[1], loop])
    ones = jnp.ones_like(src, dtype=jnp.float32)
    deg = jax.ops.segment_sum(ones, dst, num_segments=num_nodes)
    dinv = jnp.where(deg > 0, 1.0 / jnp.sqrt(deg), 0.0)
    norm = dinv[src] * dinv[dst]
    return src, dst, norm


def _gcn_conv(x, src, dst, norm, W, b):
    h = x @ W
    msg = h[src] * norm[:, None]
    out = jax.ops.segment_sum(msg, dst, num_segments=x.shape[0])
    return out + b


def _bn(x, gamma, beta):
    mean = jnp.mean(x, axis=0)
    var = jnp.mean((x - mean) ** 2, axis=0)
    return (x - mean) / jnp.sqrt(var + EPS) * gamma + beta


def reference(x, edge_index, W1, b1, g1, be1, W2, b2, g2, be2, W3, b3):
    src, dst, norm = _gcn_norm(edge_index, N)
    h = _gcn_conv(x, src, dst, norm, W1, b1)
    h = _bn(h, g1, be1)
    h = jax.nn.relu(h)
    h = _gcn_conv(h, src, dst, norm, W2, b2)
    h = _bn(h, g2, be2)
    h = jax.nn.relu(h)
    out = _gcn_conv(h, src, dst, norm, W3, b3)
    return out

if __name__ == "__main__":
    import jax
    _d = setup_inputs()
    print(jax.jit(kernel)(*tuple(_d.values())))

</pallas_src>

<mosaic_0001>
#map = affine_map<(d0, d1) -> (0, 0, 0)>
#map1 = affine_map<(d0, d1) -> (0, 0)>
module attributes {stable_mosaic.version = 14 : i64} {
  func.func @_deg_kernel(%arg0: i32, %arg1: i32, %arg2: memref<32x128x80xi32, #tpu.memory_space<hbm>>, %arg3: memref<80x128xf32, #tpu.memory_space<hbm>>, %arg4: memref<10240x128xf32, #tpu.memory_space<hbm>>, %arg5: memref<2x10240x128xf32, #tpu.memory_space<hbm>>, %arg6: memref<128x80xi32, #tpu.memory_space<vmem>>, %arg7: memref<80x128xf32, #tpu.memory_space<vmem>>, %arg8: memref<10240x128xf32, #tpu.memory_space<vmem_shared>>) attributes {dimension_semantics = [#tpu.dimension_semantics<core_parallel>, #tpu.dimension_semantics<subcore_parallel>], iteration_bounds = array<i64: 2, 16>, scalar_prefetch = 0 : i64, scratch_operands = 3 : i64, tpu.core_type = #tpu.core_type<sc_vector_subcore>, window_params = [{transform_indices = #map}, {transform_indices = #map1}, {transform_indices = #map1}, {transform_indices = #map}]} {
    %mul3A = arith.constant 2 : i32
    %mul3A_0 = arith.muli %arg1, %mul3A : i32
    %add3A = arith.addi %mul3A_0, %arg0 : i32
    %mul3A_1 = arith.constant 640 : i32
    %mul3A_2 = arith.muli %arg1, %mul3A_1 : i32
    "tpu.region"() ({
      %run_scoped3A = tpu.sem_alloc : memref<!tpu.dma_semaphore, #tpu.memory_space<semaphore_mem>>
      %dma_start3A = arith.constant 0 : i32
      %dma_start3A_8 = arith.constant 0 : i32
      %dma_start3A_9 = tpu.memref_slice %arg2[%add3A, %dma_start3A, %dma_start3A_8] : memref<32x128x80xi32, #tpu.memory_space<hbm>> -> memref<1x128x80xi32, #tpu.memory_space<hbm>>
      %dma_start3A_10 = tpu.memref_squeeze %dma_start3A_9 : memref<1x128x80xi32, #tpu.memory_space<hbm>> -> memref<128x80xi32, #tpu.memory_space<hbm>>
      %dma_start3A_11 = arith.constant 0 : i32
      %dma_start3A_12 = arith.constant 0 : i32
      %dma_start3A_13 = tpu.memref_slice %arg2[%add3A, %dma_start3A_11, %dma_start3A_12] : memref<32x128x80xi32, #tpu.memory_space<hbm>> -> memref<1x128x80xi32, #tpu.memory_space<hbm>>
      %dma_start3A_14 = tpu.memref_squeeze %dma_start3A_13 : memref<1x128x80xi32, #tpu.memory_space<hbm>> -> memref<128x80xi32, #tpu.memory_space<hbm>>
      tpu.enqueue_dma source(%dma_start3A_14 : memref<128x80xi32, #tpu.memory_space<hbm>>) target(%arg6 : memref<128x80xi32, #tpu.memory_space<vmem>>) target_semaphore(%run_scoped3A : memref<!tpu.dma_semaphore, #tpu.memory_space<semaphore_mem>>)
      %dma_wait3A = arith.constant 0 : i32
      %dma_wait3A_15 = arith.constant 0 : i32
      %dma_wait3A_16 = tpu.memref_slice %arg2[%add3A, %dma_wait3A, %dma_wait3A_15] : memref<32x128x80xi32, #tpu.memory_space<hbm>> -> memref<1x128x80xi32, #tpu.memory_space<hbm>>
      %dma_wait3A_17 = tpu.memref_squeeze %dma_wait3A_16 : memref<1x128x80xi32, #tpu.memory_space<hbm>> -> memref<128x80xi32, #tpu.memory_space<hbm>>
      %dma_wait3A_18 = arith.constant 0 : i32
      %dma_wait3A_19 = arith.constant 0 : i32
      %dma_wait3A_20 = tpu.memref_slice %arg2[%add3A, %dma_wait3A_18, %dma_wait3A_19] : memref<32x128x80xi32, #tpu.memory_space<hbm>> -> memref<1x128x80xi32, #tpu.memory_space<hbm>>
      %dma_wait3A_21 = tpu.memref_squeeze %dma_wait3A_20 : memref<1x128x80xi32, #tpu.memory_space<hbm>> -> memref<128x80xi32, #tpu.memory_space<hbm>>
      tpu.wait_dma2 semaphore(%run_scoped3A : memref<!tpu.dma_semaphore, #tpu.memory_space<semaphore_mem>>) src(%dma_wait3A_21 : memref<128x80xi32, #tpu.memory_space<hbm>>) dst(%arg6 : memref<128x80xi32, #tpu.memory_space<vmem>>)
      tpu.yield
    }) : () -> ()
    "tpu.region"() ({
      %run_scoped3A = tpu.sem_alloc : memref<!tpu.dma_semaphore, #tpu.memory_space<semaphore_mem>>
      tpu.enqueue_dma source(%arg3 : memref<80x128xf32, #tpu.memory_space<hbm>>) target(%arg7 : memref<80x128xf32, #tpu.memory_space<vmem>>) target_semaphore(%run_scoped3A : memref<!tpu.dma_semaphore, #tpu.memory_space<semaphore_mem>>)
      tpu.wait_dma2 semaphore(%run_scoped3A : memref<!tpu.dma_semaphore, #tpu.memory_space<semaphore_mem>>) src(%arg3 : memref<80x128xf32, #tpu.memory_space<hbm>>) dst(%arg7 : memref<80x128xf32, #tpu.memory_space<vmem>>)
      tpu.yield
    }) : () -> ()
    "tpu.region"() ({
      %run_scoped3A = tpu.sem_alloc : memref<!tpu.dma_semaphore, #tpu.memory_space<semaphore_mem>>
      %dma_start3A = arith.constant 0 : i32
      %dma_start3A_8 = tpu.memref_slice %arg8[%mul3A_2, %dma_start3A] : memref<10240x128xf32, #tpu.memory_space<vmem_shared>> -> memref<640x128xf32, #tpu.memory_space<vmem_shared>>
      %dma_start3A_9 = arith.constant 0 : i32
      %dma_start3A_10 = tpu.memref_slice %arg4[%mul3A_2, %dma_start3A_9] : memref<10240x128xf32, #tpu.memory_space<hbm>> -> memref<640x128xf32, #tpu.memory_space<hbm>>
      tpu.enqueue_dma source(%dma_start3A_10 : memref<640x128xf32, #tpu.memory_space<hbm>>) target(%dma_start3A_8 : memref<640x128xf32, #tpu.memory_space<vmem_shared>>) target_semaphore(%run_scoped3A : memref<!tpu.dma_semaphore, #tpu.memory_space<semaphore_mem>>)
      %dma_wait3A = arith.constant 0 : i32
      %dma_wait3A_11 = tpu.memref_slice %arg8[%mul3A_2, %dma_wait3A] : memref<10240x128xf32, #tpu.memory_space<vmem_shared>> -> memref<640x128xf32, #tpu.memory_space<vmem_shared>>
      %dma_wait3A_12 = arith.constant 0 : i32
      %dma_wait3A_13 = tpu.memref_slice %arg4[%mul3A_2, %dma_wait3A_12] : memref<10240x128xf32, #tpu.memory_space<hbm>> -> memref<640x128xf32, #tpu.memory_space<hbm>>
      tpu.wait_dma2 semaphore(%run_scoped3A : memref<!tpu.dma_semaphore, #tpu.memory_space<semaphore_mem>>) src(%dma_wait3A_13 : memref<640x128xf32, #tpu.memory_space<hbm>>) dst(%dma_wait3A_11 : memref<640x128xf32, #tpu.memory_space<vmem_shared>>)
      tpu.yield
    }) : () -> ()
    %barrier3A = arith.constant 0 : index
    tpu.barrier barrier_id(%barrier3A)
    %scan3A = arith.constant 0 : i32
    %scan3A_3 = arith.constant 128 : i32
    %scan3A_4 = arith.addi %scan3A, %scan3A_3 : i32
    %scan3A_5 = arith.constant 1 : i32
    scf.for %scan3A_8 = %scan3A to %scan3A_4 step %scan3A_5  : i32 {
      %mul3A_9 = arith.constant 1 : i32
      %mul3A_10 = arith.muli %scan3A_8, %mul3A_9 : i32
      %add3A_11 = arith.constant 0 : i32
      %add3A_12 = arith.addi %add3A_11, %mul3A_10 : i32
      "tpu.region"() ({
        %run_scoped3A = tpu.sem_alloc : memref<!tpu.dma_semaphore, #tpu.memory_space<semaphore_mem>>
        %dma_start3A = arith.constant 0 : i32
        %dma_start3A_13 = tpu.memref_slice %arg6[%add3A_12, %dma_start3A] : memref<128x80xi32, #tpu.memory_space<vmem>> -> memref<1x80xi32, #tpu.memory_space<vmem>>
        %dma_start3A_14 = tpu.memref_squeeze %dma_start3A_13 : memref<1x80xi32, #tpu.memory_space<vmem>> -> memref<80xi32, #tpu.memory_space<vmem>>
        %dma_start3A_15 = arith.constant 0 : i32
        %dma_start3A_16 = arith.constant 0 : i32
        %dma_start3A_17 = tpu.memref_slice %arg8[%dma_start3A_15, %dma_start3A_16] : memref<10240x128xf32, #tpu.memory_space<vmem_shared>> -> memref<10240x128xf32, #tpu.memory_space<vmem_shared>>
        tpu.enqueue_indirect_dma source(%arg7 : memref<80x128xf32, #tpu.memory_space<vmem>>) target(%dma_start3A_17 : memref<10240x128xf32, #tpu.memory_space<vmem_shared>>) offsets(%dma_start3A_14 : memref<80xi32, #tpu.memory_space<vmem>>) semaphore(%run_scoped3A : memref<!tpu.dma_semaphore, #tpu.memory_space<semaphore_mem>>) {add = true}
        %dma_wait3A = arith.constant 0 : i32
        %dma_wait3A_18 = tpu.memref_slice %arg6[%add3A_12, %dma_wait3A] : memref<128x80xi32, #tpu.memory_space<vmem>> -> memref<1x80xi32, #tpu.memory_space<vmem>>
        %dma_wait3A_19 = tpu.memref_squeeze %dma_wait3A_18 : memref<1x80xi32, #tpu.memory_space<vmem>> -> memref<80xi32, #tpu.memory_space<vmem>>
        %dma_wait3A_20 = arith.constant 0 : i32
        %dma_wait3A_21 = arith.constant 0 : i32
        %dma_wait3A_22 = tpu.memref_slice %arg8[%dma_wait3A_20, %dma_wait3A_21] : memref<10240x128xf32, #tpu.memory_space<vmem_shared>> -> memref<10240x128xf32, #tpu.memory_space<vmem_shared>>
        tpu.wait_indirect_dma semaphore(%run_scoped3A : memref<!tpu.dma_semaphore, #tpu.memory_space<semaphore_mem>>) src(%arg7 : memref<80x128xf32, #tpu.memory_space<vmem>>) dst(%dma_wait3A_22 : memref<10240x128xf32, #tpu.memory_space<vmem_shared>>)
        tpu.yield
      }) : () -> ()
    }
    %scan3A_6 = arith.constant 128 : i32
    %barrier3A_7 = arith.constant 0 : index
    tpu.barrier barrier_id(%barrier3A_7)
    "tpu.region"() ({
      %run_scoped3A = tpu.sem_alloc : memref<!tpu.dma_semaphore, #tpu.memory_space<semaphore_mem>>
      %dma_start3A = arith.constant 0 : i32
      %dma_start3A_8 = tpu.memref_slice %arg5[%arg0, %mul3A_2, %dma_start3A] : memref<2x10240x128xf32, #tpu.memory_space<hbm>> -> memref<1x640x128xf32, #tpu.memory_space<hbm>>
      %dma_start3A_9 = tpu.memref_squeeze %dma_start3A_8 : memref<1x640x128xf32, #tpu.memory_space<hbm>> -> memref<640x128xf32, #tpu.memory_space<hbm>>
      %dma_start3A_10 = arith.constant 0 : i32
      %dma_start3A_11 = tpu.memref_slice %arg8[%mul3A_2, %dma_start3A_10] : memref<10240x128xf32, #tpu.memory_space<vmem_shared>> -> memref<640x128xf32, #tpu.memory_space<vmem_shared>>
      tpu.enqueue_dma source(%dma_start3A_11 : memref<640x128xf32, #tpu.memory_space<vmem_shared>>) target(%dma_start3A_9 : memref<640x128xf32, #tpu.memory_space<hbm>>) target_semaphore(%run_scoped3A : memref<!tpu.dma_semaphore, #tpu.memory_space<semaphore_mem>>)
      %dma_wait3A = arith.constant 0 : i32
      %dma_wait3A_12 = tpu.memref_slice %arg5[%arg0, %mul3A_2, %dma_wait3A] : memref<2x10240x128xf32, #tpu.memory_space<hbm>> -> memref<1x640x128xf32, #tpu.memory_space<hbm>>
      %dma_wait3A_13 = tpu.memref_squeeze %dma_wait3A_12 : memref<1x640x128xf32, #tpu.memory_space<hbm>> -> memref<640x128xf32, #tpu.memory_space<hbm>>
      %dma_wait3A_14 = arith.constant 0 : i32
      %dma_wait3A_15 = tpu.memref_slice %arg8[%mul3A_2, %dma_wait3A_14] : memref<10240x128xf32, #tpu.memory_space<vmem_shared>> -> memref<640x128xf32, #tpu.memory_space<vmem_shared>>
      tpu.wait_dma2 semaphore(%run_scoped3A : memref<!tpu.dma_semaphore, #tpu.memory_space<semaphore_mem>>) src(%dma_wait3A_15 : memref<640x128xf32, #tpu.memory_space<vmem_shared>>) dst(%dma_wait3A_13 : memref<640x128xf32, #tpu.memory_space<hbm>>)
      tpu.yield
    }) : () -> ()
    return
  }
}

#map = affine_map<(d0, d1) -> (0, 0)>
#map1 = affine_map<(d0, d1) -> (0, 0, 0)>
module attributes {stable_mosaic.version = 14 : i64} {
  func.func @_agg_kernel(%arg0: i32, %arg1: i32, %arg2: memref<10240x128xf32, #tpu.memory_space<hbm>>, %arg3: memref<32x128x80xi32, #tpu.memory_space<hbm>>, %arg4: memref<32x128x80xi32, #tpu.memory_space<hbm>>, %arg5: memref<2x10240x128xf32, #tpu.memory_space<hbm>>, %arg6: memref<16x80xi32, #tpu.memory_space<vmem>>, %arg7: memref<16x80xi32, #tpu.memory_space<vmem>>, %arg8: memref<80x128xf32, #tpu.memory_space<vmem>>, %arg9: memref<80x128xf32, #tpu.memory_space<vmem>>, %arg10: memref<!tpu.dma_semaphore, #tpu.memory_space<semaphore_mem>>, %arg11: memref<!tpu.dma_semaphore, #tpu.memory_space<semaphore_mem>>, %arg12: memref<10240x128xf32, #tpu.memory_space<vmem_shared>>) attributes {dimension_semantics = [#tpu.dimension_semantics<core_parallel>, #tpu.dimension_semantics<subcore_parallel>], iteration_bounds = array<i64: 2, 16>, scalar_prefetch = 0 : i64, scratch_operands = 7 : i64, tpu.core_type = #tpu.core_type<sc_vector_subcore>, window_params = [{transform_indices = #map}, {transform_indices = #map1}, {transform_indices = #map1}, {transform_indices = #map1}]} {
    %mul3A = arith.constant 2 : i32
    %mul3A_0 = arith.muli %arg1, %mul3A : i32
    %add3A = arith.addi %mul3A_0, %arg0 : i32
    %mul3A_1 = arith.constant 640 : i32
    %mul3A_2 = arith.muli %arg1, %mul3A_1 : i32
    "tpu.region"() ({
      %run_scoped3A = tpu.sem_alloc : memref<!tpu.dma_semaphore, #tpu.memory_space<semaphore_mem>>
      %dma_start3A = arith.constant 0 : i32
      %dma_start3A_8 = tpu.memref_slice %arg12[%mul3A_2, %dma_start3A] : memref<10240x128xf32, #tpu.memory_space<vmem_shared>> -> memref<640x128xf32, #tpu.memory_space<vmem_shared>>
      %dma_start3A_9 = arith.constant 0 : i32
      %dma_start3A_10 = tpu.memref_slice %arg2[%mul3A_2, %dma_start3A_9] : memref<10240x128xf32, #tpu.memory_space<hbm>> -> memref<640x128xf32, #tpu.memory_space<hbm>>
      tpu.enqueue_dma source(%dma_start3A_10 : memref<640x128xf32, #tpu.memory_space<hbm>>) target(%dma_start3A_8 : memref<640x128xf32, #tpu.memory_space<vmem_shared>>) target_semaphore(%run_scoped3A : memref<!tpu.dma_semaphore, #tpu.memory_space<semaphore_mem>>)
      %dma_wait3A = arith.constant 0 : i32
      %dma_wait3A_11 = tpu.memref_slice %arg12[%mul3A_2, %dma_wait3A] : memref<10240x128xf32, #tpu.memory_space<vmem_shared>> -> memref<640x128xf32, #tpu.memory_space<vmem_shared>>
      %dma_wait3A_12 = arith.constant 0 : i32
      %dma_wait3A_13 = tpu.memref_slice %arg2[%mul3A_2, %dma_wait3A_12] : memref<10240x128xf32, #tpu.memory_space<hbm>> -> memref<640x128xf32, #tpu.memory_space<hbm>>
      tpu.wait_dma2 semaphore(%run_scoped3A : memref<!tpu.dma_semaphore, #tpu.memory_space<semaphore_mem>>) src(%dma_wait3A_13 : memref<640x128xf32, #tpu.memory_space<hbm>>) dst(%dma_wait3A_11 : memref<640x128xf32, #tpu.memory_space<vmem_shared>>)
      tpu.yield
    }) : () -> ()
    %barrier3A = arith.constant 0 : index
    tpu.barrier barrier_id(%barrier3A)
    %scan3A = arith.constant 0 : i32
    %scan3A_3 = arith.constant 8 : i32
    %scan3A_4 = arith.addi %scan3A, %scan3A_3 : i32
    %scan3A_5 = arith.constant 1 : i32
    scf.for %scan3A_8 = %scan3A to %scan3A_4 step %scan3A_5  : i32 {
      %mul3A_9 = arith.constant 1 : i32
      %mul3A_10 = arith.muli %scan3A_8, %mul3A_9 : i32
      %add3A_11 = arith.constant 0 : i32
      %add3A_12 = arith.addi %add3A_11, %mul3A_10 : i32
      %mul3A_13 = arith.constant 16 : i32
      %mul3A_14 = arith.muli %add3A_12, %mul3A_13 : i32
      "tpu.region"() ({
        %run_scoped3A_47 = tpu.sem_alloc : memref<!tpu.dma_semaphore, #tpu.memory_space<semaphore_mem>>
        %dma_start3A_48 = arith.constant 0 : i32
        %dma_start3A_49 = tpu.memref_slice %arg3[%add3A, %mul3A_14, %dma_start3A_48] : memref<32x128x80xi32, #tpu.memory_space<hbm>> -> memref<1x16x80xi32, #tpu.memory_space<hbm>>
        %dma_start3A_50 = tpu.memref_squeeze %dma_start3A_49 : memref<1x16x80xi32, #tpu.memory_space<hbm>> -> memref<16x80xi32, #tpu.memory_space<hbm>>
        %dma_start3A_51 = arith.constant 0 : i32
        %dma_start3A_52 = tpu.memref_slice %arg3[%add3A, %mul3A_14, %dma_start3A_51] : memref<32x128x80xi32, #tpu.memory_space<hbm>> -> memref<1x16x80xi32, #tpu.memory_space<hbm>>
        %dma_start3A_53 = tpu.memref_squeeze %dma_start3A_52 : memref<1x16x80xi32, #tpu.memory_space<hbm>> -> memref<16x80xi32, #tpu.memory_space<hbm>>
        tpu.enqueue_dma source(%dma_start3A_53 : memref<16x80xi32, #tpu.memory_space<hbm>>) target(%arg6 : memref<16x80xi32, #tpu.memory_space<vmem>>) target_semaphore(%run_scoped3A_47 : memref<!tpu.dma_semaphore, #tpu.memory_space<semaphore_mem>>)
        %dma_wait3A_54 = arith.constant 0 : i32
        %dma_wait3A_55 = tpu.memref_slice %arg3[%add3A, %mul3A_14, %dma_wait3A_54] : memref<32x128x80xi32, #tpu.memory_space<hbm>> -> memref<1x16x80xi32, #tpu.memory_space<hbm>>
        %dma_wait3A_56 = tpu.memref_squeeze %dma_wait3A_55 : memref<1x16x80xi32, #tpu.memory_space<hbm>> -> memref<16x80xi32, #tpu.memory_space<hbm>>
        %dma_wait3A_57 = arith.constant 0 : i32
        %dma_wait3A_58 = tpu.memref_slice %arg3[%add3A, %mul3A_14, %dma_wait3A_57] : memref<32x128x80xi32, #tpu.memory_space<hbm>> -> memref<1x16x80xi32, #tpu.memory_space<hbm>>
        %dma_wait3A_59 = tpu.memref_squeeze %dma_wait3A_58 : memref<1x16x80xi32, #tpu.memory_space<hbm>> -> memref<16x80xi32, #tpu.memory_space<hbm>>
        tpu.wait_dma2 semaphore(%run_scoped3A_47 : memref<!tpu.dma_semaphore, #tpu.memory_space<semaphore_mem>>) src(%dma_wait3A_59 : memref<16x80xi32, #tpu.memory_space<hbm>>) dst(%arg6 : memref<16x80xi32, #tpu.memory_space<vmem>>)
        tpu.yield
      }) : () -> ()
      %mul3A_15 = arith.constant 16 : i32
      %mul3A_16 = arith.muli %add3A_12, %mul3A_15 : i32
      "tpu.region"() ({
        %run_scoped3A_47 = tpu.sem_alloc : memref<!tpu.dma_semaphore, #tpu.memory_space<semaphore_mem>>
        %dma_start3A_48 = arith.constant 0 : i32
        %dma_start3A_49 = tpu.memref_slice %arg4[%add3A, %mul3A_16, %dma_start3A_48] : memref<32x128x80xi32, #tpu.memory_space<hbm>> -> memref<1x16x80xi32, #tpu.memory_space<hbm>>
        %dma_start3A_50 = tpu.memref_squeeze %dma_start3A_49 : memref<1x16x80xi32, #tpu.memory_space<hbm>> -> memref<16x80xi32, #tpu.memory_space<hbm>>
        %dma_start3A_51 = arith.constant 0 : i32
        %dma_start3A_52 = tpu.memref_slice %arg4[%add3A, %mul3A_16, %dma_start3A_51] : memref<32x128x80xi32, #tpu.memory_space<hbm>> -> memref<1x16x80xi32, #tpu.memory_space<hbm>>
        %dma_start3A_53 = tpu.memref_squeeze %dma_start3A_52 : memref<1x16x80xi32, #tpu.memory_space<hbm>> -> memref<16x80xi32, #tpu.memory_space<hbm>>
        tpu.enqueue_dma source(%dma_start3A_53 : memref<16x80xi32, #tpu.memory_space<hbm>>) target(%arg7 : memref<16x80xi32, #tpu.memory_space<vmem>>) target_semaphore(%run_scoped3A_47 : memref<!tpu.dma_semaphore, #tpu.memory_space<semaphore_mem>>)
        %dma_wait3A_54 = arith.constant 0 : i32
        %dma_wait3A_55 = tpu.memref_slice %arg4[%add3A, %mul3A_16, %dma_wait3A_54] : memref<32x128x80xi32, #tpu.memory_space<hbm>> -> memref<1x16x80xi32, #tpu.memory_space<hbm>>
        %dma_wait3A_56 = tpu.memref_squeeze %dma_wait3A_55 : memref<1x16x80xi32, #tpu.memory_space<hbm>> -> memref<16x80xi32, #tpu.memory_space<hbm>>
        %dma_wait3A_57 = arith.constant 0 : i32
        %dma_wait3A_58 = tpu.memref_slice %arg4[%add3A, %mul3A_16, %dma_wait3A_57] : memref<32x128x80xi32, #tpu.memory_space<hbm>> -> memref<1x16x80xi32, #tpu.memory_space<hbm>>
        %dma_wait3A_59 = tpu.memref_squeeze %dma_wait3A_58 : memref<1x16x80xi32, #tpu.memory_space<hbm>> -> memref<16x80xi32, #tpu.memory_space<hbm>>
        tpu.wait_dma2 semaphore(%run_scoped3A_47 : memref<!tpu.dma_semaphore, #tpu.memory_space<semaphore_mem>>) src(%dma_wait3A_59 : memref<16x80xi32, #tpu.memory_space<hbm>>) dst(%arg7 : memref<16x80xi32, #tpu.memory_space<vmem>>)
        tpu.yield
      }) : () -> ()
      %dma_start3A = arith.constant 0 : i32
      %dma_start3A_17 = arith.constant 0 : i32
      %dma_start3A_18 = tpu.memref_slice %arg6[%dma_start3A, %dma_start3A_17] : memref<16x80xi32, #tpu.memory_space<vmem>> -> memref<1x80xi32, #tpu.memory_space<vmem>>
      %dma_start3A_19 = tpu.memref_squeeze %dma_start3A_18 : memref<1x80xi32, #tpu.memory_space<vmem>> -> memref<80xi32, #tpu.memory_space<vmem>>
      %dma_start3A_20 = arith.constant 0 : i32
      %dma_start3A_21 = arith.constant 0 : i32
      %dma_start3A_22 = tpu.memref_slice %arg2[%dma_start3A_20, %dma_start3A_21] : memref<10240x128xf32, #tpu.memory_space<hbm>> -> memref<10240x128xf32, #tpu.memory_space<hbm>>
      tpu.enqueue_indirect_dma source(%dma_start3A_22 : memref<10240x128xf32, #tpu.memory_space<hbm>>) target(%arg8 : memref<80x128xf32, #tpu.memory_space<vmem>>) offsets(%dma_start3A_19 : memref<80xi32, #tpu.memory_space<vmem>>) semaphore(%arg10 : memref<!tpu.dma_semaphore, #tpu.memory_space<semaphore_mem>>)
      %dma_start3A_23 = arith.constant 1 : i32
      %dma_start3A_24 = arith.constant 0 : i32
      %dma_start3A_25 = tpu.memref_slice %arg6[%dma_start3A_23, %dma_start3A_24] : memref<16x80xi32, #tpu.memory_space<vmem>> -> memref<1x80xi32, #tpu.memory_space<vmem>>
      %dma_start3A_26 = tpu.memref_squeeze %dma_start3A_25 : memref<1x80xi32, #tpu.memory_space<vmem>> -> memref<80xi32, #tpu.memory_space<vmem>>
      %dma_start3A_27 = arith.constant 0 : i32
      %dma_start3A_28 = arith.constant 0 : i32
      %dma_start3A_29 = tpu.memref_slice %arg2[%dma_start3A_27, %dma_start3A_28] : memref<10240x128xf32, #tpu.memory_space<hbm>> -> memref<10240x128xf32, #tpu.memory_space<hbm>>
      tpu.enqueue_indirect_dma source(%dma_start3A_29 : memref<10240x128xf32, #tpu.memory_space<hbm>>) target(%arg9 : memref<80x128xf32, #tpu.memory_space<vmem>>) offsets(%dma_start3A_26 : memref<80xi32, #tpu.memory_space<vmem>>) semaphore(%arg11 : memref<!tpu.dma_semaphore, #tpu.memory_space<semaphore_mem>>)
      %scan3A_30 = arith.constant 0 : i32
      %scan3A_31 = arith.constant 7 : i32
      %scan3A_32 = arith.addi %scan3A_30, %scan3A_31 : i32
      %scan3A_33 = arith.constant 1 : i32
      scf.for %scan3A_47 = %scan3A_30 to %scan3A_32 step %scan3A_33  : i32 {
        %mul3A_48 = arith.constant 2 : i32
        %mul3A_49 = arith.muli %scan3A_47, %mul3A_48 : i32
        %add3A_50 = arith.constant 0 : i32
        %add3A_51 = arith.addi %add3A_50, %mul3A_49 : i32
        %dma_wait3A_52 = arith.constant 0 : i32
        %dma_wait3A_53 = arith.constant 0 : i32
        %dma_wait3A_54 = tpu.memref_slice %arg2[%dma_wait3A_52, %dma_wait3A_53] : memref<10240x128xf32, #tpu.memory_space<hbm>> -> memref<80x128xf32, #tpu.memory_space<hbm>>
        %dma_wait3A_55 = arith.constant 0 : i32
        %dma_wait3A_56 = arith.constant 0 : i32
        %dma_wait3A_57 = tpu.memref_slice %arg2[%dma_wait3A_55, %dma_wait3A_56] : memref<10240x128xf32, #tpu.memory_space<hbm>> -> memref<80x128xf32, #tpu.memory_space<hbm>>
        tpu.wait_dma2 semaphore(%arg10 : memref<!tpu.dma_semaphore, #tpu.memory_space<semaphore_mem>>) src(%dma_wait3A_57 : memref<80x128xf32, #tpu.memory_space<hbm>>) dst(%arg8 : memref<80x128xf32, #tpu.memory_space<vmem>>)
        %add3A_58 = arith.constant 0 : i32
        %add3A_59 = arith.addi %add3A_51, %add3A_58 : i32
        "tpu.region"() ({
          %run_scoped3A_88 = tpu.sem_alloc : memref<!tpu.dma_semaphore, #tpu.memory_space<semaphore_mem>>
          %dma_start3A_89 = arith.constant 0 : i32
          %dma_start3A_90 = tpu.memref_slice %arg7[%add3A_59, %dma_start3A_89] : memref<16x80xi32, #tpu.memory_space<vmem>> -> memref<1x80xi32, #tpu.memory_space<vmem>>
          %dma_start3A_91 = tpu.memref_squeeze %dma_start3A_90 : memref<1x80xi32, #tpu.memory_space<vmem>> -> memref<80xi32, #tpu.memory_space<vmem>>
          %dma_start3A_92 = arith.constant 0 : i32
          %dma_start3A_93 = arith.constant 0 : i32
          %dma_start3A_94 = tpu.memref_slice %arg12[%dma_start3A_92, %dma_start3A_93] : memref<10240x128xf32, #tpu.memory_space<vmem_shared>> -> memref<10240x128xf32, #tpu.memory_space<vmem_shared>>
          tpu.enqueue_indirect_dma source(%arg8 : memref<80x128xf32, #tpu.memory_space<vmem>>) target(%dma_start3A_94 : memref<10240x128xf32, #tpu.memory_space<vmem_shared>>) offsets(%dma_start3A_91 : memref<80xi32, #tpu.memory_space<vmem>>) semaphore(%run_scoped3A_88 : memref<!tpu.dma_semaphore, #tpu.memory_space<semaphore_mem>>) {add = true}
          %dma_wait3A_95 = arith.constant 0 : i32
          %dma_wait3A_96 = tpu.memref_slice %arg7[%add3A_59, %dma_wait3A_95] : memref<16x80xi32, #tpu.memory_space<vmem>> -> memref<1x80xi32, #tpu.memory_space<vmem>>
          %dma_wait3A_97 = tpu.memref_squeeze %dma_wait3A_96 : memref<1x80xi32, #tpu.memory_space<vmem>> -> memref<80xi32, #tpu.memory_space<vmem>>
          %dma_wait3A_98 = arith.constant 0 : i32
          %dma_wait3A_99 = arith.constant 0 : i32
          %dma_wait3A_100 = tpu.memref_slice %arg12[%dma_wait3A_98, %dma_wait3A_99] : memref<10240x128xf32, #tpu.memory_space<vmem_shared>> -> memref<10240x128xf32, #tpu.memory_space<vmem_shared>>
          tpu.wait_indirect_dma semaphore(%run_scoped3A_88 : memref<!tpu.dma_semaphore, #tpu.memory_space<semaphore_mem>>) src(%arg8 : memref<80x128xf32, #tpu.memory_space<vmem>>) dst(%dma_wait3A_100 : memref<10240x128xf32, #tpu.memory_space<vmem_shared>>)
          tpu.yield
        }) : () -> ()
        %add3A_60 = arith.constant 2 : i32
        %add3A_61 = arith.addi %add3A_51, %add3A_60 : i32
        %add3A_62 = arith.constant 0 : i32
        %add3A_63 = arith.addi %add3A_61, %add3A_62 : i32
        %dma_start3A_64 = arith.constant 0 : i32
        %dma_start3A_65 = tpu.memref_slice %arg6[%add3A_63, %dma_start3A_64] : memref<16x80xi32, #tpu.memory_space<vmem>> -> memref<1x80xi32, #tpu.memory_space<vmem>>
        %dma_start3A_66 = tpu.memref_squeeze %dma_start3A_65 : memref<1x80xi32, #tpu.memory_space<vmem>> -> memref<80xi32, #tpu.memory_space<vmem>>
        %dma_start3A_67 = arith.constant 0 : i32
        %dma_start3A_68 = arith.constant 0 : i32
        %dma_start3A_69 = tpu.memref_slice %arg2[%dma_start3A_67, %dma_start3A_68] : memref<10240x128xf32, #tpu.memory_space<hbm>> -> memref<10240x128xf32, #tpu.memory_space<hbm>>
        tpu.enqueue_indirect_dma source(%dma_start3A_69 : memref<10240x128xf32, #tpu.memory_space<hbm>>) target(%arg8 : memref<80x128xf32, #tpu.memory_space<vmem>>) offsets(%dma_start3A_66 : memref<80xi32, #tpu.memory_space<vmem>>) semaphore(%arg10 : memref<!tpu.dma_semaphore, #tpu.memory_space<semaphore_mem>>)
        %dma_wait3A_70 = arith.constant 0 : i32
        %dma_wait3A_71 = arith.constant 0 : i32
        %dma_wait3A_72 = tpu.memref_slice %arg2[%dma_wait3A_70, %dma_wait3A_71] : memref<10240x128xf32, #tpu.memory_space<hbm>> -> memref<80x128xf32, #tpu.memory_space<hbm>>
        %dma_wait3A_73 = arith.constant 0 : i32
        %dma_wait3A_74 = arith.constant 0 : i32
        %dma_wait3A_75 = tpu.memref_slice %arg2[%dma_wait3A_73, %dma_wait3A_74] : memref<10240x128xf32, #tpu.memory_space<hbm>> -> memref<80x128xf32, #tpu.memory_space<hbm>>
        tpu.wait_dma2 semaphore(%arg11 : memref<!tpu.dma_semaphore, #tpu.memory_space<semaphore_mem>>) src(%dma_wait3A_75 : memref<80x128xf32, #tpu.memory_space<hbm>>) dst(%arg9 : memref<80x128xf32, #tpu.memory_space<vmem>>)
        %add3A_76 = arith.constant 1 : i32
        %add3A_77 = arith.addi %add3A_51, %add3A_76 : i32
        "tpu.region"() ({
          %run_scoped3A_88 = tpu.sem_alloc : memref<!tpu.dma_semaphore, #tpu.memory_space<semaphore_mem>>
          %dma_start3A_89 = arith.constant 0 : i32
          %dma_start3A_90 = tpu.memref_slice %arg7[%add3A_77, %dma_start3A_89] : memref<16x80xi32, #tpu.memory_space<vmem>> -> memref<1x80xi32, #tpu.memory_space<vmem>>
          %dma_start3A_91 = tpu.memref_squeeze %dma_start3A_90 : memref<1x80xi32, #tpu.memory_space<vmem>> -> memref<80xi32, #tpu.memory_space<vmem>>
          %dma_start3A_92 = arith.constant 0 : i32
          %dma_start3A_93 = arith.constant 0 : i32
          %dma_start3A_94 = tpu.memref_slice %arg12[%dma_start3A_92, %dma_start3A_93] : memref<10240x128xf32, #tpu.memory_space<vmem_shared>> -> memref<10240x128xf32, #tpu.memory_space<vmem_shared>>
          tpu.enqueue_indirect_dma source(%arg9 : memref<80x128xf32, #tpu.memory_space<vmem>>) target(%dma_start3A_94 : memref<10240x128xf32, #tpu.memory_space<vmem_shared>>) offsets(%dma_start3A_91 : memref<80xi32, #tpu.memory_space<vmem>>) semaphore(%run_scoped3A_88 : memref<!tpu.dma_semaphore, #tpu.memory_space<semaphore_mem>>) {add = true}
          %dma_wait3A_95 = arith.constant 0 : i32
          %dma_wait3A_96 = tpu.memref_slice %arg7[%add3A_77, %dma_wait3A_95] : memref<16x80xi32, #tpu.memory_space<vmem>> -> memref<1x80xi32, #tpu.memory_space<vmem>>
          %dma_wait3A_97 = tpu.memref_squeeze %dma_wait3A_96 : memref<1x80xi32, #tpu.memory_space<vmem>> -> memref<80xi32, #tpu.memory_space<vmem>>
          %dma_wait3A_98 = arith.constant 0 : i32
          %dma_wait3A_99 = arith.constant 0 : i32
          %dma_wait3A_100 = tpu.memref_slice %arg12[%dma_wait3A_98, %dma_wait3A_99] : memref<10240x128xf32, #tpu.memory_space<vmem_shared>> -> memref<10240x128xf32, #tpu.memory_space<vmem_shared>>
          tpu.wait_indirect_dma semaphore(%run_scoped3A_88 : memref<!tpu.dma_semaphore, #tpu.memory_space<semaphore_mem>>) src(%arg9 : memref<80x128xf32, #tpu.memory_space<vmem>>) dst(%dma_wait3A_100 : memref<10240x128xf32, #tpu.memory_space<vmem_shared>>)
          tpu.yield
        }) : () -> ()
        %add3A_78 = arith.constant 2 : i32
        %add3A_79 = arith.addi %add3A_51, %add3A_78 : i32
        %add3A_80 = arith.constant 1 : i32
        %add3A_81 = arith.addi %add3A_79, %add3A_80 : i32
        %dma_start3A_82 = arith.constant 0 : i32
        %dma_start3A_83 = tpu.memref_slice %arg6[%add3A_81, %dma_start3A_82] : memref<16x80xi32, #tpu.memory_space<vmem>> -> memref<1x80xi32, #tpu.memory_space<vmem>>
        %dma_start3A_84 = tpu.memref_squeeze %dma_start3A_83 : memref<1x80xi32, #tpu.memory_space<vmem>> -> memref<80xi32, #tpu.memory_space<vmem>>
        %dma_start3A_85 = arith.constant 0 : i32
        %dma_start3A_86 = arith.constant 0 : i32
        %dma_start3A_87 = tpu.memref_slice %arg2[%dma_start3A_85, %dma_start3A_86] : memref<10240x128xf32, #tpu.memory_space<hbm>> -> memref<10240x128xf32, #tpu.memory_space<hbm>>
        tpu.enqueue_indirect_dma source(%dma_start3A_87 : memref<10240x128xf32, #tpu.memory_space<hbm>>) target(%arg9 : memref<80x128xf32, #tpu.memory_space<vmem>>) offsets(%dma_start3A_84 : memref<80xi32, #tpu.memory_space<vmem>>) semaphore(%arg11 : memref<!tpu.dma_semaphore, #tpu.memory_space<semaphore_mem>>)
      }
      %scan3A_34 = arith.constant 7 : i32
      %dma_wait3A = arith.constant 0 : i32
      %dma_wait3A_35 = arith.constant 0 : i32
      %dma_wait3A_36 = tpu.memref_slice %arg2[%dma_wait3A, %dma_wait3A_35] : memref<10240x128xf32, #tpu.memory_space<hbm>> -> memref<80x128xf32, #tpu.memory_space<hbm>>
      %dma_wait3A_37 = arith.constant 0 : i32
      %dma_wait3A_38 = arith.constant 0 : i32
      %dma_wait3A_39 = tpu.memref_slice %arg2[%dma_wait3A_37, %dma_wait3A_38] : memref<10240x128xf32, #tpu.memory_space<hbm>> -> memref<80x128xf32, #tpu.memory_space<hbm>>
      tpu.wait_dma2 semaphore(%arg10 : memref<!tpu.dma_semaphore, #tpu.memory_space<semaphore_mem>>) src(%dma_wait3A_39 : memref<80x128xf32, #tpu.memory_space<hbm>>) dst(%arg8 : memref<80x128xf32, #tpu.memory_space<vmem>>)
      %run_scoped3A = arith.constant 14 : i32
      "tpu.region"() ({
        %run_scoped3A_47 = tpu.sem_alloc : memref<!tpu.dma_semaphore, #tpu.memory_space<semaphore_mem>>
        %dma_start3A_48 = arith.constant 0 : i32
        %dma_start3A_49 = tpu.memref_slice %arg7[%run_scoped3A, %dma_start3A_48] : memref<16x80xi32, #tpu.memory_space<vmem>> -> memref<1x80xi32, #tpu.memory_space<vmem>>
        %dma_start3A_50 = tpu.memref_squeeze %dma_start3A_49 : memref<1x80xi32, #tpu.memory_space<vmem>> -> memref<80xi32, #tpu.memory_space<vmem>>
        %dma_start3A_51 = arith.constant 0 : i32
        %dma_start3A_52 = arith.constant 0 : i32
        %dma_start3A_53 = tpu.memref_slice %arg12[%dma_start3A_51, %dma_start3A_52] : memref<10240x128xf32, #tpu.memory_space<vmem_shared>> -> memref<10240x128xf32, #tpu.memory_space<vmem_shared>>
        tpu.enqueue_indirect_dma source(%arg8 : memref<80x128xf32, #tpu.memory_space<vmem>>) target(%dma_start3A_53 : memref<10240x128xf32, #tpu.memory_space<vmem_shared>>) offsets(%dma_start3A_50 : memref<80xi32, #tpu.memory_space<vmem>>) semaphore(%run_scoped3A_47 : memref<!tpu.dma_semaphore, #tpu.memory_space<semaphore_mem>>) {add = true}
        %dma_wait3A_54 = arith.constant 0 : i32
        %dma_wait3A_55 = tpu.memref_slice %arg7[%run_scoped3A, %dma_wait3A_54] : memref<16x80xi32, #tpu.memory_space<vmem>> -> memref<1x80xi32, #tpu.memory_space<vmem>>
        %dma_wait3A_56 = tpu.memref_squeeze %dma_wait3A_55 : memref<1x80xi32, #tpu.memory_space<vmem>> -> memref<80xi32, #tpu.memory_space<vmem>>
        %dma_wait3A_57 = arith.constant 0 : i32
        %dma_wait3A_58 = arith.constant 0 : i32
        %dma_wait3A_59 = tpu.memref_slice %arg12[%dma_wait3A_57, %dma_wait3A_58] : memref<10240x128xf32, #tpu.memory_space<vmem_shared>> -> memref<10240x128xf32, #tpu.memory_space<vmem_shared>>
        tpu.wait_indirect_dma semaphore(%run_scoped3A_47 : memref<!tpu.dma_semaphore, #tpu.memory_space<semaphore_mem>>) src(%arg8 : memref<80x128xf32, #tpu.memory_space<vmem>>) dst(%dma_wait3A_59 : memref<10240x128xf32, #tpu.memory_space<vmem_shared>>)
        tpu.yield
      }) : () -> ()
      %dma_wait3A_40 = arith.constant 0 : i32
      %dma_wait3A_41 = arith.constant 0 : i32
      %dma_wait3A_42 = tpu.memref_slice %arg2[%dma_wait3A_40, %dma_wait3A_41] : memref<10240x128xf32, #tpu.memory_space<hbm>> -> memref<80x128xf32, #tpu.memory_space<hbm>>
      %dma_wait3A_43 = arith.constant 0 : i32
      %dma_wait3A_44 = arith.constant 0 : i32
      %dma_wait3A_45 = tpu.memref_slice %arg2[%dma_wait3A_43, %dma_wait3A_44] : memref<10240x128xf32, #tpu.memory_space<hbm>> -> memref<80x128xf32, #tpu.memory_space<hbm>>
      tpu.wait_dma2 semaphore(%arg11 : memref<!tpu.dma_semaphore, #tpu.memory_space<semaphore_mem>>) src(%dma_wait3A_45 : memref<80x128xf32, #tpu.memory_space<hbm>>) dst(%arg9 : memref<80x128xf32, #tpu.memory_space<vmem>>)
      %run_scoped3A_46 = arith.constant 15 : i32
      "tpu.region"() ({
        %run_scoped3A_47 = tpu.sem_alloc : memref<!tpu.dma_semaphore, #tpu.memory_space<semaphore_mem>>
        %dma_start3A_48 = arith.constant 0 : i32
        %dma_start3A_49 = tpu.memref_slice %arg7[%run_scoped3A_46, %dma_start3A_48] : memref<16x80xi32, #tpu.memory_space<vmem>> -> memref<1x80xi32, #tpu.memory_space<vmem>>
        %dma_start3A_50 = tpu.memref_squeeze %dma_start3A_49 : memref<1x80xi32, #tpu.memory_space<vmem>> -> memref<80xi32, #tpu.memory_space<vmem>>
        %dma_start3A_51 = arith.constant 0 : i32
        %dma_start3A_52 = arith.constant 0 : i32
        %dma_start3A_53 = tpu.memref_slice %arg12[%dma_start3A_51, %dma_start3A_52] : memref<10240x128xf32, #tpu.memory_space<vmem_shared>> -> memref<10240x128xf32, #tpu.memory_space<vmem_shared>>
        tpu.enqueue_indirect_dma source(%arg9 : memref<80x128xf32, #tpu.memory_space<vmem>>) target(%dma_start3A_53 : memref<10240x128xf32, #tpu.memory_space<vmem_shared>>) offsets(%dma_start3A_50 : memref<80xi32, #tpu.memory_space<vmem>>) semaphore(%run_scoped3A_47 : memref<!tpu.dma_semaphore, #tpu.memory_space<semaphore_mem>>) {add = true}
        %dma_wait3A_54 = arith.constant 0 : i32
        %dma_wait3A_55 = tpu.memref_slice %arg7[%run_scoped3A_46, %dma_wait3A_54] : memref<16x80xi32, #tpu.memory_space<vmem>> -> memref<1x80xi32, #tpu.memory_space<vmem>>
        %dma_wait3A_56 = tpu.memref_squeeze %dma_wait3A_55 : memref<1x80xi32, #tpu.memory_space<vmem>> -> memref<80xi32, #tpu.memory_space<vmem>>
        %dma_wait3A_57 = arith.constant 0 : i32
        %dma_wait3A_58 = arith.constant 0 : i32
        %dma_wait3A_59 = tpu.memref_slice %arg12[%dma_wait3A_57, %dma_wait3A_58] : memref<10240x128xf32, #tpu.memory_space<vmem_shared>> -> memref<10240x128xf32, #tpu.memory_space<vmem_shared>>
        tpu.wait_indirect_dma semaphore(%run_scoped3A_47 : memref<!tpu.dma_semaphore, #tpu.memory_space<semaphore_mem>>) src(%arg9 : memref<80x128xf32, #tpu.memory_space<vmem>>) dst(%dma_wait3A_59 : memref<10240x128xf32, #tpu.memory_space<vmem_shared>>)
        tpu.yield
      }) : () -> ()
    }
    %scan3A_6 = arith.constant 8 : i32
    %barrier3A_7 = arith.constant 0 : index
    tpu.barrier barrier_id(%barrier3A_7)
    "tpu.region"() ({
      %run_scoped3A = tpu.sem_alloc : memref<!tpu.dma_semaphore, #tpu.memory_space<semaphore_mem>>
      %dma_start3A = arith.constant 0 : i32
      %dma_start3A_8 = tpu.memref_slice %arg5[%arg0, %mul3A_2, %dma_start3A] : memref<2x10240x128xf32, #tpu.memory_space<hbm>> -> memref<1x640x128xf32, #tpu.memory_space<hbm>>
      %dma_start3A_9 = tpu.memref_squeeze %dma_start3A_8 : memref<1x640x128xf32, #tpu.memory_space<hbm>> -> memref<640x128xf32, #tpu.memory_space<hbm>>
      %dma_start3A_10 = arith.constant 0 : i32
      %dma_start3A_11 = tpu.memref_slice %arg12[%mul3A_2, %dma_start3A_10] : memref<10240x128xf32, #tpu.memory_space<vmem_shared>> -> memref<640x128xf32, #tpu.memory_space<vmem_shared>>
      tpu.enqueue_dma source(%dma_start3A_11 : memref<640x128xf32, #tpu.memory_space<vmem_shared>>) target(%dma_start3A_9 : memref<640x128xf32, #tpu.memory_space<hbm>>) target_semaphore(%run_scoped3A : memref<!tpu.dma_semaphore, #tpu.memory_space<semaphore_mem>>)
      %dma_wait3A = arith.constant 0 : i32
      %dma_wait3A_12 = tpu.memref_slice %arg5[%arg0, %mul3A_2, %dma_wait3A] : memref<2x10240x128xf32, #tpu.memory_space<hbm>> -> memref<1x640x128xf32, #tpu.memory_space<hbm>>
      %dma_wait3A_13 = tpu.memref_squeeze %dma_wait3A_12 : memref<1x640x128xf32, #tpu.memory_space<hbm>> -> memref<640x128xf32, #tpu.memory_space<hbm>>
      %dma_wait3A_14 = arith.constant 0 : i32
      %dma_wait3A_15 = tpu.memref_slice %arg12[%mul3A_2, %dma_wait3A_14] : memref<10240x128xf32, #tpu.memory_space<vmem_shared>> -> memref<640x128xf32, #tpu.memory_space<vmem_shared>>
      tpu.wait_dma2 semaphore(%run_scoped3A : memref<!tpu.dma_semaphore, #tpu.memory_space<semaphore_mem>>) src(%dma_wait3A_15 : memref<640x128xf32, #tpu.memory_space<vmem_shared>>) dst(%dma_wait3A_13 : memref<640x128xf32, #tpu.memory_space<hbm>>)
      tpu.yield
    }) : () -> ()
    return
  }
}

#map = affine_map<(d0, d1) -> (0, 0)>
#map1 = affine_map<(d0, d1) -> (0, 0, 0)>
module attributes {stable_mosaic.version = 14 : i64} {
  func.func @_agg_kernel(%arg0: i32, %arg1: i32, %arg2: memref<10240x128xf32, #tpu.memory_space<hbm>>, %arg3: memref<32x128x80xi32, #tpu.memory_space<hbm>>, %arg4: memref<32x128x80xi32, #tpu.memory_space<hbm>>, %arg5: memref<2x10240x128xf32, #tpu.memory_space<hbm>>, %arg6: memref<16x80xi32, #tpu.memory_space<vmem>>, %arg7: memref<16x80xi32, #tpu.memory_space<vmem>>, %arg8: memref<80x128xf32, #tpu.memory_space<vmem>>, %arg9: memref<80x128xf32, #tpu.memory_space<vmem>>, %arg10: memref<!tpu.dma_semaphore, #tpu.memory_space<semaphore_mem>>, %arg11: memref<!tpu.dma_semaphore, #tpu.memory_space<semaphore_mem>>, %arg12: memref<10240x128xf32, #tpu.memory_space<vmem_shared>>) attributes {dimension_semantics = [#tpu.dimension_semantics<core_parallel>, #tpu.dimension_semantics<subcore_parallel>], iteration_bounds = array<i64: 2, 16>, scalar_prefetch = 0 : i64, scratch_operands = 7 : i64, tpu.core_type = #tpu.core_type<sc_vector_subcore>, window_params = [{transform_indices = #map}, {transform_indices = #map1}, {transform_indices = #map1}, {transform_indices = #map1}]} {
    %mul3A = arith.constant 2 : i32
    %mul3A_0 = arith.muli %arg1, %mul3A : i32
    %add3A = arith.addi %mul3A_0, %arg0 : i32
    %mul3A_1 = arith.constant 640 : i32
    %mul3A_2 = arith.muli %arg1, %mul3A_1 : i32
    "tpu.region"() ({
      %run_scoped3A = tpu.sem_alloc : memref<!tpu.dma_semaphore, #tpu.memory_space<semaphore_mem>>
      %dma_start3A = arith.constant 0 : i32
      %dma_start3A_8 = tpu.memref_slice %arg12[%mul3A_2, %dma_start3A] : memref<10240x128xf32, #tpu.memory_space<vmem_shared>> -> memref<640x128xf32, #tpu.memory_space<vmem_shared>>
      %dma_start3A_9 = arith.constant 0 : i32
      %dma_start3A_10 = tpu.memref_slice %arg2[%mul3A_2, %dma_start3A_9] : memref<10240x128xf32, #tpu.memory_space<hbm>> -> memref<640x128xf32, #tpu.memory_space<hbm>>
      tpu.enqueue_dma source(%dma_start3A_10 : memref<640x128xf32, #tpu.memory_space<hbm>>) target(%dma_start3A_8 : memref<640x128xf32, #tpu.memory_space<vmem_shared>>) target_semaphore(%run_scoped3A : memref<!tpu.dma_semaphore, #tpu.memory_space<semaphore_mem>>)
      %dma_wait3A = arith.constant 0 : i32
      %dma_wait3A_11 = tpu.memref_slice %arg12[%mul3A_2, %dma_wait3A] : memref<10240x128xf32, #tpu.memory_space<vmem_shared>> -> memref<640x128xf32, #tpu.memory_space<vmem_shared>>
      %dma_wait3A_12 = arith.constant 0 : i32
      %dma_wait3A_13 = tpu.memref_slice %arg2[%mul3A_2, %dma_wait3A_12] : memref<10240x128xf32, #tpu.memory_space<hbm>> -> memref<640x128xf32, #tpu.memory_space<hbm>>
      tpu.wait_dma2 semaphore(%run_scoped3A : memref<!tpu.dma_semaphore, #tpu.memory_space<semaphore_mem>>) src(%dma_wait3A_13 : memref<640x128xf32, #tpu.memory_space<hbm>>) dst(%dma_wait3A_11 : memref<640x128xf32, #tpu.memory_space<vmem_shared>>)
      tpu.yield
    }) : () -> ()
    %barrier3A = arith.constant 0 : index
    tpu.barrier barrier_id(%barrier3A)
    %scan3A = arith.constant 0 : i32
    %scan3A_3 = arith.constant 8 : i32
    %scan3A_4 = arith.addi %scan3A, %scan3A_3 : i32
    %scan3A_5 = arith.constant 1 : i32
    scf.for %scan3A_8 = %scan3A to %scan3A_4 step %scan3A_5  : i32 {
      %mul3A_9 = arith.constant 1 : i32
      %mul3A_10 = arith.muli %scan3A_8, %mul3A_9 : i32
      %add3A_11 = arith.constant 0 : i32
      %add3A_12 = arith.addi %add3A_11, %mul3A_10 : i32
      %mul3A_13 = arith.constant 16 : i32
      %mul3A_14 = arith.muli %add3A_12, %mul3A_13 : i32
      "tpu.region"() ({
        %run_scoped3A_47 = tpu.sem_alloc : memref<!tpu.dma_semaphore, #tpu.memory_space<semaphore_mem>>
        %dma_start3A_48 = arith.constant 0 : i32
        %dma_start3A_49 = tpu.memref_slice %arg3[%add3A, %mul3A_14, %dma_start3A_48] : memref<32x128x80xi32, #tpu.memory_space<hbm>> -> memref<1x16x80xi32, #tpu.memory_space<hbm>>
        %dma_start3A_50 = tpu.memref_squeeze %dma_start3A_49 : memref<1x16x80xi32, #tpu.memory_space<hbm>> -> memref<16x80xi32, #tpu.memory_space<hbm>>
        %dma_start3A_51 = arith.constant 0 : i32
        %dma_start3A_52 = tpu.memref_slice %arg3[%add3A, %mul3A_14, %dma_start3A_51] : memref<32x128x80xi32, #tpu.memory_space<hbm>> -> memref<1x16x80xi32, #tpu.memory_space<hbm>>
        %dma_start3A_53 = tpu.memref_squeeze %dma_start3A_52 : memref<1x16x80xi32, #tpu.memory_space<hbm>> -> memref<16x80xi32, #tpu.memory_space<hbm>>
        tpu.enqueue_dma source(%dma_start3A_53 : memref<16x80xi32, #tpu.memory_space<hbm>>) target(%arg6 : memref<16x80xi32, #tpu.memory_space<vmem>>) target_semaphore(%run_scoped3A_47 : memref<!tpu.dma_semaphore, #tpu.memory_space<semaphore_mem>>)
        %dma_wait3A_54 = arith.constant 0 : i32
        %dma_wait3A_55 = tpu.memref_slice %arg3[%add3A, %mul3A_14, %dma_wait3A_54] : memref<32x128x80xi32, #tpu.memory_space<hbm>> -> memref<1x16x80xi32, #tpu.memory_space<hbm>>
        %dma_wait3A_56 = tpu.memref_squeeze %dma_wait3A_55 : memref<1x16x80xi32, #tpu.memory_space<hbm>> -> memref<16x80xi32, #tpu.memory_space<hbm>>
        %dma_wait3A_57 = arith.constant 0 : i32
        %dma_wait3A_58 = tpu.memref_slice %arg3[%add3A, %mul3A_14, %dma_wait3A_57] : memref<32x128x80xi32, #tpu.memory_space<hbm>> -> memref<1x16x80xi32, #tpu.memory_space<hbm>>
        %dma_wait3A_59 = tpu.memref_squeeze %dma_wait3A_58 : memref<1x16x80xi32, #tpu.memory_space<hbm>> -> memref<16x80xi32, #tpu.memory_space<hbm>>
        tpu.wait_dma2 semaphore(%run_scoped3A_47 : memref<!tpu.dma_semaphore, #tpu.memory_space<semaphore_mem>>) src(%dma_wait3A_59 : memref<16x80xi32, #tpu.memory_space<hbm>>) dst(%arg6 : memref<16x80xi32, #tpu.memory_space<vmem>>)
        tpu.yield
      }) : () -> ()
      %mul3A_15 = arith.constant 16 : i32
      %mul3A_16 = arith.muli %add3A_12, %mul3A_15 : i32
      "tpu.region"() ({
        %run_scoped3A_47 = tpu.sem_alloc : memref<!tpu.dma_semaphore, #tpu.memory_space<semaphore_mem>>
        %dma_start3A_48 = arith.constant 0 : i32
        %dma_start3A_49 = tpu.memref_slice %arg4[%add3A, %mul3A_16, %dma_start3A_48] : memref<32x128x80xi32, #tpu.memory_space<hbm>> -> memref<1x16x80xi32, #tpu.memory_space<hbm>>
        %dma_start3A_50 = tpu.memref_squeeze %dma_start3A_49 : memref<1x16x80xi32, #tpu.memory_space<hbm>> -> memref<16x80xi32, #tpu.memory_space<hbm>>
        %dma_start3A_51 = arith.constant 0 : i32
        %dma_start3A_52 = tpu.memref_slice %arg4[%add3A, %mul3A_16, %dma_start3A_51] : memref<32x128x80xi32, #tpu.memory_space<hbm>> -> memref<1x16x80xi32, #tpu.memory_space<hbm>>
        %dma_start3A_53 = tpu.memref_squeeze %dma_start3A_52 : memref<1x16x80xi32, #tpu.memory_space<hbm>> -> memref<16x80xi32, #tpu.memory_space<hbm>>
        tpu.enqueue_dma source(%dma_start3A_53 : memref<16x80xi32, #tpu.memory_space<hbm>>) target(%arg7 : memref<16x80xi32, #tpu.memory_space<vmem>>) target_semaphore(%run_scoped3A_47 : memref<!tpu.dma_semaphore, #tpu.memory_space<semaphore_mem>>)
        %dma_wait3A_54 = arith.constant 0 : i32
        %dma_wait3A_55 = tpu.memref_slice %arg4[%add3A, %mul3A_16, %dma_wait3A_54] : memref<32x128x80xi32, #tpu.memory_space<hbm>> -> memref<1x16x80xi32, #tpu.memory_space<hbm>>
        %dma_wait3A_56 = tpu.memref_squeeze %dma_wait3A_55 : memref<1x16x80xi32, #tpu.memory_space<hbm>> -> memref<16x80xi32, #tpu.memory_space<hbm>>
        %dma_wait3A_57 = arith.constant 0 : i32
        %dma_wait3A_58 = tpu.memref_slice %arg4[%add3A, %mul3A_16, %dma_wait3A_57] : memref<32x128x80xi32, #tpu.memory_space<hbm>> -> memref<1x16x80xi32, #tpu.memory_space<hbm>>
        %dma_wait3A_59 = tpu.memref_squeeze %dma_wait3A_58 : memref<1x16x80xi32, #tpu.memory_space<hbm>> -> memref<16x80xi32, #tpu.memory_space<hbm>>
        tpu.wait_dma2 semaphore(%run_scoped3A_47 : memref<!tpu.dma_semaphore, #tpu.memory_space<semaphore_mem>>) src(%dma_wait3A_59 : memref<16x80xi32, #tpu.memory_space<hbm>>) dst(%arg7 : memref<16x80xi32, #tpu.memory_space<vmem>>)
        tpu.yield
      }) : () -> ()
      %dma_start3A = arith.constant 0 : i32
      %dma_start3A_17 = arith.constant 0 : i32
      %dma_start3A_18 = tpu.memref_slice %arg6[%dma_start3A, %dma_start3A_17] : memref<16x80xi32, #tpu.memory_space<vmem>> -> memref<1x80xi32, #tpu.memory_space<vmem>>
      %dma_start3A_19 = tpu.memref_squeeze %dma_start3A_18 : memref<1x80xi32, #tpu.memory_space<vmem>> -> memref<80xi32, #tpu.memory_space<vmem>>
      %dma_start3A_20 = arith.constant 0 : i32
      %dma_start3A_21 = arith.constant 0 : i32
      %dma_start3A_22 = tpu.memref_slice %arg2[%dma_start3A_20, %dma_start3A_21] : memref<10240x128xf32, #tpu.memory_space<hbm>> -> memref<10240x128xf32, #tpu.memory_space<hbm>>
      tpu.enqueue_indirect_dma source(%dma_start3A_22 : memref<10240x128xf32, #tpu.memory_space<hbm>>) target(%arg8 : memref<80x128xf32, #tpu.memory_space<vmem>>) offsets(%dma_start3A_19 : memref<80xi32, #tpu.memory_space<vmem>>) semaphore(%arg10 : memref<!tpu.dma_semaphore, #tpu.memory_space<semaphore_mem>>)
      %dma_start3A_23 = arith.constant 1 : i32
      %dma_start3A_24 = arith.constant 0 : i32
      %dma_start3A_25 = tpu.memref_slice %arg6[%dma_start3A_23, %dma_start3A_24] : memref<16x80xi32, #tpu.memory_space<vmem>> -> memref<1x80xi32, #tpu.memory_space<vmem>>
      %dma_start3A_26 = tpu.memref_squeeze %dma_start3A_25 : memref<1x80xi32, #tpu.memory_space<vmem>> -> memref<80xi32, #tpu.memory_space<vmem>>
      %dma_start3A_27 = arith.constant 0 : i32
      %dma_start3A_28 = arith.constant 0 : i32
      %dma_start3A_29 = tpu.memref_slice %arg2[%dma_start3A_27, %dma_start3A_28] : memref<10240x128xf32, #tpu.memory_space<hbm>> -> memref<10240x128xf32, #tpu.memory_space<hbm>>
      tpu.enqueue_indirect_dma source(%dma_start3A_29 : memref<10240x128xf32, #tpu.memory_space<hbm>>) target(%arg9 : memref<80x128xf32, #tpu.memory_space<vmem>>) offsets(%dma_start3A_26 : memref<80xi32, #tpu.memory_space<vmem>>) semaphore(%arg11 : memref<!tpu.dma_semaphore, #tpu.memory_space<semaphore_mem>>)
      %scan3A_30 = arith.constant 0 : i32
      %scan3A_31 = arith.constant 7 : i32
      %scan3A_32 = arith.addi %scan3A_30, %scan3A_31 : i32
      %scan3A_33 = arith.constant 1 : i32
      scf.for %scan3A_47 = %scan3A_30 to %scan3A_32 step %scan3A_33  : i32 {
        %mul3A_48 = arith.constant 2 : i32
        %mul3A_49 = arith.muli %scan3A_47, %mul3A_48 : i32
        %add3A_50 = arith.constant 0 : i32
        %add3A_51 = arith.addi %add3A_50, %mul3A_49 : i32
        %dma_wait3A_52 = arith.constant 0 : i32
        %dma_wait3A_53 = arith.constant 0 : i32
        %dma_wait3A_54 = tpu.memref_slice %arg2[%dma_wait3A_52, %dma_wait3A_53] : memref<10240x128xf32, #tpu.memory_space<hbm>> -> memref<80x128xf32, #tpu.memory_space<hbm>>
        %dma_wait3A_55 = arith.constant 0 : i32
        %dma_wait3A_56 = arith.constant 0 : i32
        %dma_wait3A_57 = tpu.memref_slice %arg2[%dma_wait3A_55, %dma_wait3A_56] : memref<10240x128xf32, #tpu.memory_space<hbm>> -> memref<80x128xf32, #tpu.memory_space<hbm>>
        tpu.wait_dma2 semaphore(%arg10 : memref<!tpu.dma_semaphore, #tpu.memory_space<semaphore_mem>>) src(%dma_wait3A_57 : memref<80x128xf32, #tpu.memory_space<hbm>>) dst(%arg8 : memref<80x128xf32, #tpu.memory_space<vmem>>)
        %add3A_58 = arith.constant 0 : i32
        %add3A_59 = arith.addi %add3A_51, %add3A_58 : i32
        "tpu.region"() ({
          %run_scoped3A_88 = tpu.sem_alloc : memref<!tpu.dma_semaphore, #tpu.memory_space<semaphore_mem>>
          %dma_start3A_89 = arith.constant 0 : i32
          %dma_start3A_90 = tpu.memref_slice %arg7[%add3A_59, %dma_start3A_89] : memref<16x80xi32, #tpu.memory_space<vmem>> -> memref<1x80xi32, #tpu.memory_space<vmem>>
          %dma_start3A_91 = tpu.memref_squeeze %dma_start3A_90 : memref<1x80xi32, #tpu.memory_space<vmem>> -> memref<80xi32, #tpu.memory_space<vmem>>
          %dma_start3A_92 = arith.constant 0 : i32
          %dma_start3A_93 = arith.constant 0 : i32
          %dma_start3A_94 = tpu.memref_slice %arg12[%dma_start3A_92, %dma_start3A_93] : memref<10240x128xf32, #tpu.memory_space<vmem_shared>> -> memref<10240x128xf32, #tpu.memory_space<vmem_shared>>
          tpu.enqueue_indirect_dma source(%arg8 : memref<80x128xf32, #tpu.memory_space<vmem>>) target(%dma_start3A_94 : memref<10240x128xf32, #tpu.memory_space<vmem_shared>>) offsets(%dma_start3A_91 : memref<80xi32, #tpu.memory_space<vmem>>) semaphore(%run_scoped3A_88 : memref<!tpu.dma_semaphore, #tpu.memory_space<semaphore_mem>>) {add = true}
          %dma_wait3A_95 = arith.constant 0 : i32
          %dma_wait3A_96 = tpu.memref_slice %arg7[%add3A_59, %dma_wait3A_95] : memref<16x80xi32, #tpu.memory_space<vmem>> -> memref<1x80xi32, #tpu.memory_space<vmem>>
          %dma_wait3A_97 = tpu.memref_squeeze %dma_wait3A_96 : memref<1x80xi32, #tpu.memory_space<vmem>> -> memref<80xi32, #tpu.memory_space<vmem>>
          %dma_wait3A_98 = arith.constant 0 : i32
          %dma_wait3A_99 = arith.constant 0 : i32
          %dma_wait3A_100 = tpu.memref_slice %arg12[%dma_wait3A_98, %dma_wait3A_99] : memref<10240x128xf32, #tpu.memory_space<vmem_shared>> -> memref<10240x128xf32, #tpu.memory_space<vmem_shared>>
          tpu.wait_indirect_dma semaphore(%run_scoped3A_88 : memref<!tpu.dma_semaphore, #tpu.memory_space<semaphore_mem>>) src(%arg8 : memref<80x128xf32, #tpu.memory_space<vmem>>) dst(%dma_wait3A_100 : memref<10240x128xf32, #tpu.memory_space<vmem_shared>>)
          tpu.yield
        }) : () -> ()
        %add3A_60 = arith.constant 2 : i32
        %add3A_61 = arith.addi %add3A_51, %add3A_60 : i32
        %add3A_62 = arith.constant 0 : i32
        %add3A_63 = arith.addi %add3A_61, %add3A_62 : i32
        %dma_start3A_64 = arith.constant 0 : i32
        %dma_start3A_65 = tpu.memref_slice %arg6[%add3A_63, %dma_start3A_64] : memref<16x80xi32, #tpu.memory_space<vmem>> -> memref<1x80xi32, #tpu.memory_space<vmem>>
        %dma_start3A_66 = tpu.memref_squeeze %dma_start3A_65 : memref<1x80xi32, #tpu.memory_space<vmem>> -> memref<80xi32, #tpu.memory_space<vmem>>
        %dma_start3A_67 = arith.constant 0 : i32
        %dma_start3A_68 = arith.constant 0 : i32
        %dma_start3A_69 = tpu.memref_slice %arg2[%dma_start3A_67, %dma_start3A_68] : memref<10240x128xf32, #tpu.memory_space<hbm>> -> memref<10240x128xf32, #tpu.memory_space<hbm>>
        tpu.enqueue_indirect_dma source(%dma_start3A_69 : memref<10240x128xf32, #tpu.memory_space<hbm>>) target(%arg8 : memref<80x128xf32, #tpu.memory_space<vmem>>) offsets(%dma_start3A_66 : memref<80xi32, #tpu.memory_space<vmem>>) semaphore(%arg10 : memref<!tpu.dma_semaphore, #tpu.memory_space<semaphore_mem>>)
        %dma_wait3A_70 = arith.constant 0 : i32
        %dma_wait3A_71 = arith.constant 0 : i32
        %dma_wait3A_72 = tpu.memref_slice %arg2[%dma_wait3A_70, %dma_wait3A_71] : memref<10240x128xf32, #tpu.memory_space<hbm>> -> memref<80x128xf32, #tpu.memory_space<hbm>>
        %dma_wait3A_73 = arith.constant 0 : i32
        %dma_wait3A_74 = arith.constant 0 : i32
        %dma_wait3A_75 = tpu.memref_slice %arg2[%dma_wait3A_73, %dma_wait3A_74] : memref<10240x128xf32, #tpu.memory_space<hbm>> -> memref<80x128xf32, #tpu.memory_space<hbm>>
        tpu.wait_dma2 semaphore(%arg11 : memref<!tpu.dma_semaphore, #tpu.memory_space<semaphore_mem>>) src(%dma_wait3A_75 : memref<80x128xf32, #tpu.memory_space<hbm>>) dst(%arg9 : memref<80x128xf32, #tpu.memory_space<vmem>>)
        %add3A_76 = arith.constant 1 : i32
        %add3A_77 = arith.addi %add3A_51, %add3A_76 : i32
        "tpu.region"() ({
          %run_scoped3A_88 = tpu.sem_alloc : memref<!tpu.dma_semaphore, #tpu.memory_space<semaphore_mem>>
          %dma_start3A_89 = arith.constant 0 : i32
          %dma_start3A_90 = tpu.memref_slice %arg7[%add3A_77, %dma_start3A_89] : memref<16x80xi32, #tpu.memory_space<vmem>> -> memref<1x80xi32, #tpu.memory_space<vmem>>
          %dma_start3A_91 = tpu.memref_squeeze %dma_start3A_90 : memref<1x80xi32, #tpu.memory_space<vmem>> -> memref<80xi32, #tpu.memory_space<vmem>>
          %dma_start3A_92 = arith.constant 0 : i32
          %dma_start3A_93 = arith.constant 0 : i32
          %dma_start3A_94 = tpu.memref_slice %arg12[%dma_start3A_92, %dma_start3A_93] : memref<10240x128xf32, #tpu.memory_space<vmem_shared>> -> memref<10240x128xf32, #tpu.memory_space<vmem_shared>>
          tpu.enqueue_indirect_dma source(%arg9 : memref<80x128xf32, #tpu.memory_space<vmem>>) target(%dma_start3A_94 : memref<10240x128xf32, #tpu.memory_space<vmem_shared>>) offsets(%dma_start3A_91 : memref<80xi32, #tpu.memory_space<vmem>>) semaphore(%run_scoped3A_88 : memref<!tpu.dma_semaphore, #tpu.memory_space<semaphore_mem>>) {add = true}
          %dma_wait3A_95 = arith.constant 0 : i32
          %dma_wait3A_96 = tpu.memref_slice %arg7[%add3A_77, %dma_wait3A_95] : memref<16x80xi32, #tpu.memory_space<vmem>> -> memref<1x80xi32, #tpu.memory_space<vmem>>
          %dma_wait3A_97 = tpu.memref_squeeze %dma_wait3A_96 : memref<1x80xi32, #tpu.memory_space<vmem>> -> memref<80xi32, #tpu.memory_space<vmem>>
          %dma_wait3A_98 = arith.constant 0 : i32
          %dma_wait3A_99 = arith.constant 0 : i32
          %dma_wait3A_100 = tpu.memref_slice %arg12[%dma_wait3A_98, %dma_wait3A_99] : memref<10240x128xf32, #tpu.memory_space<vmem_shared>> -> memref<10240x128xf32, #tpu.memory_space<vmem_shared>>
          tpu.wait_indirect_dma semaphore(%run_scoped3A_88 : memref<!tpu.dma_semaphore, #tpu.memory_space<semaphore_mem>>) src(%arg9 : memref<80x128xf32, #tpu.memory_space<vmem>>) dst(%dma_wait3A_100 : memref<10240x128xf32, #tpu.memory_space<vmem_shared>>)
          tpu.yield
        }) : () -> ()
        %add3A_78 = arith.constant 2 : i32
        %add3A_79 = arith.addi %add3A_51, %add3A_78 : i32
        %add3A_80 = arith.constant 1 : i32
        %add3A_81 = arith.addi %add3A_79, %add3A_80 : i32
        %dma_start3A_82 = arith.constant 0 : i32
        %dma_start3A_83 = tpu.memref_slice %arg6[%add3A_81, %dma_start3A_82] : memref<16x80xi32, #tpu.memory_space<vmem>> -> memref<1x80xi32, #tpu.memory_space<vmem>>
        %dma_start3A_84 = tpu.memref_squeeze %dma_start3A_83 : memref<1x80xi32, #tpu.memory_space<vmem>> -> memref<80xi32, #tpu.memory_space<vmem>>
        %dma_start3A_85 = arith.constant 0 : i32
        %dma_start3A_86 = arith.constant 0 : i32
        %dma_start3A_87 = tpu.memref_slice %arg2[%dma_start3A_85, %dma_start3A_86] : memref<10240x128xf32, #tpu.memory_space<hbm>> -> memref<10240x128xf32, #tpu.memory_space<hbm>>
        tpu.enqueue_indirect_dma source(%dma_start3A_87 : memref<10240x128xf32, #tpu.memory_space<hbm>>) target(%arg9 : memref<80x128xf32, #tpu.memory_space<vmem>>) offsets(%dma_start3A_84 : memref<80xi32, #tpu.memory_space<vmem>>) semaphore(%arg11 : memref<!tpu.dma_semaphore, #tpu.memory_space<semaphore_mem>>)
      }
      %scan3A_34 = arith.constant 7 : i32
      %dma_wait3A = arith.constant 0 : i32
      %dma_wait3A_35 = arith.constant 0 : i32
      %dma_wait3A_36 = tpu.memref_slice %arg2[%dma_wait3A, %dma_wait3A_35] : memref<10240x128xf32, #tpu.memory_space<hbm>> -> memref<80x128xf32, #tpu.memory_space<hbm>>
      %dma_wait3A_37 = arith.constant 0 : i32
      %dma_wait3A_38 = arith.constant 0 : i32
      %dma_wait3A_39 = tpu.memref_slice %arg2[%dma_wait3A_37, %dma_wait3A_38] : memref<10240x128xf32, #tpu.memory_space<hbm>> -> memref<80x128xf32, #tpu.memory_space<hbm>>
      tpu.wait_dma2 semaphore(%arg10 : memref<!tpu.dma_semaphore, #tpu.memory_space<semaphore_mem>>) src(%dma_wait3A_39 : memref<80x128xf32, #tpu.memory_space<hbm>>) dst(%arg8 : memref<80x128xf32, #tpu.memory_space<vmem>>)
      %run_scoped3A = arith.constant 14 : i32
      "tpu.region"() ({
        %run_scoped3A_47 = tpu.sem_alloc : memref<!tpu.dma_semaphore, #tpu.memory_space<semaphore_mem>>
        %dma_start3A_48 = arith.constant 0 : i32
        %dma_start3A_49 = tpu.memref_slice %arg7[%run_scoped3A, %dma_start3A_48] : memref<16x80xi32, #tpu.memory_space<vmem>> -> memref<1x80xi32, #tpu.memory_space<vmem>>
        %dma_start3A_50 = tpu.memref_squeeze %dma_start3A_49 : memref<1x80xi32, #tpu.memory_space<vmem>> -> memref<80xi32, #tpu.memory_space<vmem>>
        %dma_start3A_51 = arith.constant 0 : i32
        %dma_start3A_52 = arith.constant 0 : i32
        %dma_start3A_53 = tpu.memref_slice %arg12[%dma_start3A_51, %dma_start3A_52] : memref<10240x128xf32, #tpu.memory_space<vmem_shared>> -> memref<10240x128xf32, #tpu.memory_space<vmem_shared>>
        tpu.enqueue_indirect_dma source(%arg8 : memref<80x128xf32, #tpu.memory_space<vmem>>) target(%dma_start3A_53 : memref<10240x128xf32, #tpu.memory_space<vmem_shared>>) offsets(%dma_start3A_50 : memref<80xi32, #tpu.memory_space<vmem>>) semaphore(%run_scoped3A_47 : memref<!tpu.dma_semaphore, #tpu.memory_space<semaphore_mem>>) {add = true}
        %dma_wait3A_54 = arith.constant 0 : i32
        %dma_wait3A_55 = tpu.memref_slice %arg7[%run_scoped3A, %dma_wait3A_54] : memref<16x80xi32, #tpu.memory_space<vmem>> -> memref<1x80xi32, #tpu.memory_space<vmem>>
        %dma_wait3A_56 = tpu.memref_squeeze %dma_wait3A_55 : memref<1x80xi32, #tpu.memory_space<vmem>> -> memref<80xi32, #tpu.memory_space<vmem>>
        %dma_wait3A_57 = arith.constant 0 : i32
        %dma_wait3A_58 = arith.constant 0 : i32
        %dma_wait3A_59 = tpu.memref_slice %arg12[%dma_wait3A_57, %dma_wait3A_58] : memref<10240x128xf32, #tpu.memory_space<vmem_shared>> -> memref<10240x128xf32, #tpu.memory_space<vmem_shared>>
        tpu.wait_indirect_dma semaphore(%run_scoped3A_47 : memref<!tpu.dma_semaphore, #tpu.memory_space<semaphore_mem>>) src(%arg8 : memref<80x128xf32, #tpu.memory_space<vmem>>) dst(%dma_wait3A_59 : memref<10240x128xf32, #tpu.memory_space<vmem_shared>>)
        tpu.yield
      }) : () -> ()
      %dma_wait3A_40 = arith.constant 0 : i32
      %dma_wait3A_41 = arith.constant 0 : i32
      %dma_wait3A_42 = tpu.memref_slice %arg2[%dma_wait3A_40, %dma_wait3A_41] : memref<10240x128xf32, #tpu.memory_space<hbm>> -> memref<80x128xf32, #tpu.memory_space<hbm>>
      %dma_wait3A_43 = arith.constant 0 : i32
      %dma_wait3A_44 = arith.constant 0 : i32
      %dma_wait3A_45 = tpu.memref_slice %arg2[%dma_wait3A_43, %dma_wait3A_44] : memref<10240x128xf32, #tpu.memory_space<hbm>> -> memref<80x128xf32, #tpu.memory_space<hbm>>
      tpu.wait_dma2 semaphore(%arg11 : memref<!tpu.dma_semaphore, #tpu.memory_space<semaphore_mem>>) src(%dma_wait3A_45 : memref<80x128xf32, #tpu.memory_space<hbm>>) dst(%arg9 : memref<80x128xf32, #tpu.memory_space<vmem>>)
      %run_scoped3A_46 = arith.constant 15 : i32
      "tpu.region"() ({
        %run_scoped3A_47 = tpu.sem_alloc : memref<!tpu.dma_semaphore, #tpu.memory_space<semaphore_mem>>
        %dma_start3A_48 = arith.constant 0 : i32
        %dma_start3A_49 = tpu.memref_slice %arg7[%run_scoped3A_46, %dma_start3A_48] : memref<16x80xi32, #tpu.memory_space<vmem>> -> memref<1x80xi32, #tpu.memory_space<vmem>>
        %dma_start3A_50 = tpu.memref_squeeze %dma_start3A_49 : memref<1x80xi32, #tpu.memory_space<vmem>> -> memref<80xi32, #tpu.memory_space<vmem>>
        %dma_start3A_51 = arith.constant 0 : i32
        %dma_start3A_52 = arith.constant 0 : i32
        %dma_start3A_53 = tpu.memref_slice %arg12[%dma_start3A_51, %dma_start3A_52] : memref<10240x128xf32, #tpu.memory_space<vmem_shared>> -> memref<10240x128xf32, #tpu.memory_space<vmem_shared>>
        tpu.enqueue_indirect_dma source(%arg9 : memref<80x128xf32, #tpu.memory_space<vmem>>) target(%dma_start3A_53 : memref<10240x128xf32, #tpu.memory_space<vmem_shared>>) offsets(%dma_start3A_50 : memref<80xi32, #tpu.memory_space<vmem>>) semaphore(%run_scoped3A_47 : memref<!tpu.dma_semaphore, #tpu.memory_space<semaphore_mem>>) {add = true}
        %dma_wait3A_54 = arith.constant 0 : i32
        %dma_wait3A_55 = tpu.memref_slice %arg7[%run_scoped3A_46, %dma_wait3A_54] : memref<16x80xi32, #tpu.memory_space<vmem>> -> memref<1x80xi32, #tpu.memory_space<vmem>>
        %dma_wait3A_56 = tpu.memref_squeeze %dma_wait3A_55 : memref<1x80xi32, #tpu.memory_space<vmem>> -> memref<80xi32, #tpu.memory_space<vmem>>
        %dma_wait3A_57 = arith.constant 0 : i32
        %dma_wait3A_58 = arith.constant 0 : i32
        %dma_wait3A_59 = tpu.memref_slice %arg12[%dma_wait3A_57, %dma_wait3A_58] : memref<10240x128xf32, #tpu.memory_space<vmem_shared>> -> memref<10240x128xf32, #tpu.memory_space<vmem_shared>>
        tpu.wait_indirect_dma semaphore(%run_scoped3A_47 : memref<!tpu.dma_semaphore, #tpu.memory_space<semaphore_mem>>) src(%arg9 : memref<80x128xf32, #tpu.memory_space<vmem>>) dst(%dma_wait3A_59 : memref<10240x128xf32, #tpu.memory_space<vmem_shared>>)
        tpu.yield
      }) : () -> ()
    }
    %scan3A_6 = arith.constant 8 : i32
    %barrier3A_7 = arith.constant 0 : index
    tpu.barrier barrier_id(%barrier3A_7)
    "tpu.region"() ({
      %run_scoped3A = tpu.sem_alloc : memref<!tpu.dma_semaphore, #tpu.memory_space<semaphore_mem>>
      %dma_start3A = arith.constant 0 : i32
      %dma_start3A_8 = tpu.memref_slice %arg5[%arg0, %mul3A_2, %dma_start3A] : memref<2x10240x128xf32, #tpu.memory_space<hbm>> -> memref<1x640x128xf32, #tpu.memory_space<hbm>>
      %dma_start3A_9 = tpu.memref_squeeze %dma_start3A_8 : memref<1x640x128xf32, #tpu.memory_space<hbm>> -> memref<640x128xf32, #tpu.memory_space<hbm>>
      %dma_start3A_10 = arith.constant 0 : i32
      %dma_start3A_11 = tpu.memref_slice %arg12[%mul3A_2, %dma_start3A_10] : memref<10240x128xf32, #tpu.memory_space<vmem_shared>> -> memref<640x128xf32, #tpu.memory_space<vmem_shared>>
      tpu.enqueue_dma source(%dma_start3A_11 : memref<640x128xf32, #tpu.memory_space<vmem_shared>>) target(%dma_start3A_9 : memref<640x128xf32, #tpu.memory_space<hbm>>) target_semaphore(%run_scoped3A : memref<!tpu.dma_semaphore, #tpu.memory_space<semaphore_mem>>)
      %dma_wait3A = arith.constant 0 : i32
      %dma_wait3A_12 = tpu.memref_slice %arg5[%arg0, %mul3A_2, %dma_wait3A] : memref<2x10240x128xf32, #tpu.memory_space<hbm>> -> memref<1x640x128xf32, #tpu.memory_space<hbm>>
      %dma_wait3A_13 = tpu.memref_squeeze %dma_wait3A_12 : memref<1x640x128xf32, #tpu.memory_space<hbm>> -> memref<640x128xf32, #tpu.memory_space<hbm>>
      %dma_wait3A_14 = arith.constant 0 : i32
      %dma_wait3A_15 = tpu.memref_slice %arg12[%mul3A_2, %dma_wait3A_14] : memref<10240x128xf32, #tpu.memory_space<vmem_shared>> -> memref<640x128xf32, #tpu.memory_space<vmem_shared>>
      tpu.wait_dma2 semaphore(%run_scoped3A : memref<!tpu.dma_semaphore, #tpu.memory_space<semaphore_mem>>) src(%dma_wait3A_15 : memref<640x128xf32, #tpu.memory_space<vmem_shared>>) dst(%dma_wait3A_13 : memref<640x128xf32, #tpu.memory_space<hbm>>)
      tpu.yield
    }) : () -> ()
    return
  }
}

#map = affine_map<(d0, d1) -> (0, 0)>
#map1 = affine_map<(d0, d1) -> (0, 0, 0)>
module attributes {stable_mosaic.version = 14 : i64} {
  func.func @_agg_kernel(%arg0: i32, %arg1: i32, %arg2: memref<10240x128xf32, #tpu.memory_space<hbm>>, %arg3: memref<32x128x80xi32, #tpu.memory_space<hbm>>, %arg4: memref<32x128x80xi32, #tpu.memory_space<hbm>>, %arg5: memref<2x10240x128xf32, #tpu.memory_space<hbm>>, %arg6: memref<16x80xi32, #tpu.memory_space<vmem>>, %arg7: memref<16x80xi32, #tpu.memory_space<vmem>>, %arg8: memref<80x128xf32, #tpu.memory_space<vmem>>, %arg9: memref<80x128xf32, #tpu.memory_space<vmem>>, %arg10: memref<!tpu.dma_semaphore, #tpu.memory_space<semaphore_mem>>, %arg11: memref<!tpu.dma_semaphore, #tpu.memory_space<semaphore_mem>>, %arg12: memref<10240x128xf32, #tpu.memory_space<vmem_shared>>) attributes {dimension_semantics = [#tpu.dimension_semantics<core_parallel>, #tpu.dimension_semantics<subcore_parallel>], iteration_bounds = array<i64: 2, 16>, scalar_prefetch = 0 : i64, scratch_operands = 7 : i64, tpu.core_type = #tpu.core_type<sc_vector_subcore>, window_params = [{transform_indices = #map}, {transform_indices = #map1}, {transform_indices = #map1}, {transform_indices = #map1}]} {
    %mul3A = arith.constant 2 : i32
    %mul3A_0 = arith.muli %arg1, %mul3A : i32
    %add3A = arith.addi %mul3A_0, %arg0 : i32
    %mul3A_1 = arith.constant 640 : i32
    %mul3A_2 = arith.muli %arg1, %mul3A_1 : i32
    "tpu.region"() ({
      %run_scoped3A = tpu.sem_alloc : memref<!tpu.dma_semaphore, #tpu.memory_space<semaphore_mem>>
      %dma_start3A = arith.constant 0 : i32
      %dma_start3A_8 = tpu.memref_slice %arg12[%mul3A_2, %dma_start3A] : memref<10240x128xf32, #tpu.memory_space<vmem_shared>> -> memref<640x128xf32, #tpu.memory_space<vmem_shared>>
      %dma_start3A_9 = arith.constant 0 : i32
      %dma_start3A_10 = tpu.memref_slice %arg2[%mul3A_2, %dma_start3A_9] : memref<10240x128xf32, #tpu.memory_space<hbm>> -> memref<640x128xf32, #tpu.memory_space<hbm>>
      tpu.enqueue_dma source(%dma_start3A_10 : memref<640x128xf32, #tpu.memory_space<hbm>>) target(%dma_start3A_8 : memref<640x128xf32, #tpu.memory_space<vmem_shared>>) target_semaphore(%run_scoped3A : memref<!tpu.dma_semaphore, #tpu.memory_space<semaphore_mem>>)
      %dma_wait3A = arith.constant 0 : i32
      %dma_wait3A_11 = tpu.memref_slice %arg12[%mul3A_2, %dma_wait3A] : memref<10240x128xf32, #tpu.memory_space<vmem_shared>> -> memref<640x128xf32, #tpu.memory_space<vmem_shared>>
      %dma_wait3A_12 = arith.constant 0 : i32
      %dma_wait3A_13 = tpu.memref_slice %arg2[%mul3A_2, %dma_wait3A_12] : memref<10240x128xf32, #tpu.memory_space<hbm>> -> memref<640x128xf32, #tpu.memory_space<hbm>>
      tpu.wait_dma2 semaphore(%run_scoped3A : memref<!tpu.dma_semaphore, #tpu.memory_space<semaphore_mem>>) src(%dma_wait3A_13 : memref<640x128xf32, #tpu.memory_space<hbm>>) dst(%dma_wait3A_11 : memref<640x128xf32, #tpu.memory_space<vmem_shared>>)
      tpu.yield
    }) : () -> ()
    %barrier3A = arith.constant 0 : index
    tpu.barrier barrier_id(%barrier3A)
    %scan3A = arith.constant 0 : i32
    %scan3A_3 = arith.constant 8 : i32
    %scan3A_4 = arith.addi %scan3A, %scan3A_3 : i32
    %scan3A_5 = arith.constant 1 : i32
    scf.for %scan3A_8 = %scan3A to %scan3A_4 step %scan3A_5  : i32 {
      %mul3A_9 = arith.constant 1 : i32
      %mul3A_10 = arith.muli %scan3A_8, %mul3A_9 : i32
      %add3A_11 = arith.constant 0 : i32
      %add3A_12 = arith.addi %add3A_11, %mul3A_10 : i32
      %mul3A_13 = arith.constant 16 : i32
      %mul3A_14 = arith.muli %add3A_12, %mul3A_13 : i32
      "tpu.region"() ({
        %run_scoped3A_47 = tpu.sem_alloc : memref<!tpu.dma_semaphore, #tpu.memory_space<semaphore_mem>>
        %dma_start3A_48 = arith.constant 0 : i32
        %dma_start3A_49 = tpu.memref_slice %arg3[%add3A, %mul3A_14, %dma_start3A_48] : memref<32x128x80xi32, #tpu.memory_space<hbm>> -> memref<1x16x80xi32, #tpu.memory_space<hbm>>
        %dma_start3A_50 = tpu.memref_squeeze %dma_start3A_49 : memref<1x16x80xi32, #tpu.memory_space<hbm>> -> memref<16x80xi32, #tpu.memory_space<hbm>>
        %dma_start3A_51 = arith.constant 0 : i32
        %dma_start3A_52 = tpu.memref_slice %arg3[%add3A, %mul3A_14, %dma_start3A_51] : memref<32x128x80xi32, #tpu.memory_space<hbm>> -> memref<1x16x80xi32, #tpu.memory_space<hbm>>
        %dma_start3A_53 = tpu.memref_squeeze %dma_start3A_52 : memref<1x16x80xi32, #tpu.memory_space<hbm>> -> memref<16x80xi32, #tpu.memory_space<hbm>>
        tpu.enqueue_dma source(%dma_start3A_53 : memref<16x80xi32, #tpu.memory_space<hbm>>) target(%arg6 : memref<16x80xi32, #tpu.memory_space<vmem>>) target_semaphore(%run_scoped3A_47 : memref<!tpu.dma_semaphore, #tpu.memory_space<semaphore_mem>>)
        %dma_wait3A_54 = arith.constant 0 : i32
        %dma_wait3A_55 = tpu.memref_slice %arg3[%add3A, %mul3A_14, %dma_wait3A_54] : memref<32x128x80xi32, #tpu.memory_space<hbm>> -> memref<1x16x80xi32, #tpu.memory_space<hbm>>
        %dma_wait3A_56 = tpu.memref_squeeze %dma_wait3A_55 : memref<1x16x80xi32, #tpu.memory_space<hbm>> -> memref<16x80xi32, #tpu.memory_space<hbm>>
        %dma_wait3A_57 = arith.constant 0 : i32
        %dma_wait3A_58 = tpu.memref_slice %arg3[%add3A, %mul3A_14, %dma_wait3A_57] : memref<32x128x80xi32, #tpu.memory_space<hbm>> -> memref<1x16x80xi32, #tpu.memory_space<hbm>>
        %dma_wait3A_59 = tpu.memref_squeeze %dma_wait3A_58 : memref<1x16x80xi32, #tpu.memory_space<hbm>> -> memref<16x80xi32, #tpu.memory_space<hbm>>
        tpu.wait_dma2 semaphore(%run_scoped3A_47 : memref<!tpu.dma_semaphore, #tpu.memory_space<semaphore_mem>>) src(%dma_wait3A_59 : memref<16x80xi32, #tpu.memory_space<hbm>>) dst(%arg6 : memref<16x80xi32, #tpu.memory_space<vmem>>)
        tpu.yield
      }) : () -> ()
      %mul3A_15 = arith.constant 16 : i32
      %mul3A_16 = arith.muli %add3A_12, %mul3A_15 : i32
      "tpu.region"() ({
        %run_scoped3A_47 = tpu.sem_alloc : memref<!tpu.dma_semaphore, #tpu.memory_space<semaphore_mem>>
        %dma_start3A_48 = arith.constant 0 : i32
        %dma_start3A_49 = tpu.memref_slice %arg4[%add3A, %mul3A_16, %dma_start3A_48] : memref<32x128x80xi32, #tpu.memory_space<hbm>> -> memref<1x16x80xi32, #tpu.memory_space<hbm>>
        %dma_start3A_50 = tpu.memref_squeeze %dma_start3A_49 : memref<1x16x80xi32, #tpu.memory_space<hbm>> -> memref<16x80xi32, #tpu.memory_space<hbm>>
        %dma_start3A_51 = arith.constant 0 : i32
        %dma_start3A_52 = tpu.memref_slice %arg4[%add3A, %mul3A_16, %dma_start3A_51] : memref<32x128x80xi32, #tpu.memory_space<hbm>> -> memref<1x16x80xi32, #tpu.memory_space<hbm>>
        %dma_start3A_53 = tpu.memref_squeeze %dma_start3A_52 : memref<1x16x80xi32, #tpu.memory_space<hbm>> -> memref<16x80xi32, #tpu.memory_space<hbm>>
        tpu.enqueue_dma source(%dma_start3A_53 : memref<16x80xi32, #tpu.memory_space<hbm>>) target(%arg7 : memref<16x80xi32, #tpu.memory_space<vmem>>) target_semaphore(%run_scoped3A_47 : memref<!tpu.dma_semaphore, #tpu.memory_space<semaphore_mem>>)
        %dma_wait3A_54 = arith.constant 0 : i32
        %dma_wait3A_55 = tpu.memref_slice %arg4[%add3A, %mul3A_16, %dma_wait3A_54] : memref<32x128x80xi32, #tpu.memory_space<hbm>> -> memref<1x16x80xi32, #tpu.memory_space<hbm>>
        %dma_wait3A_56 = tpu.memref_squeeze %dma_wait3A_55 : memref<1x16x80xi32, #tpu.memory_space<hbm>> -> memref<16x80xi32, #tpu.memory_space<hbm>>
        %dma_wait3A_57 = arith.constant 0 : i32
        %dma_wait3A_58 = tpu.memref_slice %arg4[%add3A, %mul3A_16, %dma_wait3A_57] : memref<32x128x80xi32, #tpu.memory_space<hbm>> -> memref<1x16x80xi32, #tpu.memory_space<hbm>>
        %dma_wait3A_59 = tpu.memref_squeeze %dma_wait3A_58 : memref<1x16x80xi32, #tpu.memory_space<hbm>> -> memref<16x80xi32, #tpu.memory_space<hbm>>
        tpu.wait_dma2 semaphore(%run_scoped3A_47 : memref<!tpu.dma_semaphore, #tpu.memory_space<semaphore_mem>>) src(%dma_wait3A_59 : memref<16x80xi32, #tpu.memory_space<hbm>>) dst(%arg7 : memref<16x80xi32, #tpu.memory_space<vmem>>)
        tpu.yield
      }) : () -> ()
      %dma_start3A = arith.constant 0 : i32
      %dma_start3A_17 = arith.constant 0 : i32
      %dma_start3A_18 = tpu.memref_slice %arg6[%dma_start3A, %dma_start3A_17] : memref<16x80xi32, #tpu.memory_space<vmem>> -> memref<1x80xi32, #tpu.memory_space<vmem>>
      %dma_start3A_19 = tpu.memref_squeeze %dma_start3A_18 : memref<1x80xi32, #tpu.memory_space<vmem>> -> memref<80xi32, #tpu.memory_space<vmem>>
      %dma_start3A_20 = arith.constant 0 : i32
      %dma_start3A_21 = arith.constant 0 : i32
      %dma_start3A_22 = tpu.memref_slice %arg2[%dma_start3A_20, %dma_start3A_21] : memref<10240x128xf32, #tpu.memory_space<hbm>> -> memref<10240x128xf32, #tpu.memory_space<hbm>>
      tpu.enqueue_indirect_dma source(%dma_start3A_22 : memref<10240x128xf32, #tpu.memory_space<hbm>>) target(%arg8 : memref<80x128xf32, #tpu.memory_space<vmem>>) offsets(%dma_start3A_19 : memref<80xi32, #tpu.memory_space<vmem>>) semaphore(%arg10 : memref<!tpu.dma_semaphore, #tpu.memory_space<semaphore_mem>>)
      %dma_start3A_23 = arith.constant 1 : i32
      %dma_start3A_24 = arith.constant 0 : i32
      %dma_start3A_25 = tpu.memref_slice %arg6[%dma_start3A_23, %dma_start3A_24] : memref<16x80xi32, #tpu.memory_space<vmem>> -> memref<1x80xi32, #tpu.memory_space<vmem>>
      %dma_start3A_26 = tpu.memref_squeeze %dma_start3A_25 : memref<1x80xi32, #tpu.memory_space<vmem>> -> memref<80xi32, #tpu.memory_space<vmem>>
      %dma_start3A_27 = arith.constant 0 : i32
      %dma_start3A_28 = arith.constant 0 : i32
      %dma_start3A_29 = tpu.memref_slice %arg2[%dma_start3A_27, %dma_start3A_28] : memref<10240x128xf32, #tpu.memory_space<hbm>> -> memref<10240x128xf32, #tpu.memory_space<hbm>>
      tpu.enqueue_indirect_dma source(%dma_start3A_29 : memref<10240x128xf32, #tpu.memory_space<hbm>>) target(%arg9 : memref<80x128xf32, #tpu.memory_space<vmem>>) offsets(%dma_start3A_26 : memref<80xi32, #tpu.memory_space<vmem>>) semaphore(%arg11 : memref<!tpu.dma_semaphore, #tpu.memory_space<semaphore_mem>>)
      %scan3A_30 = arith.constant 0 : i32
      %scan3A_31 = arith.constant 7 : i32
      %scan3A_32 = arith.addi %scan3A_30, %scan3A_31 : i32
      %scan3A_33 = arith.constant 1 : i32
      scf.for %scan3A_47 = %scan3A_30 to %scan3A_32 step %scan3A_33  : i32 {
        %mul3A_48 = arith.constant 2 : i32
        %mul3A_49 = arith.muli %scan3A_47, %mul3A_48 : i32
        %add3A_50 = arith.constant 0 : i32
        %add3A_51 = arith.addi %add3A_50, %mul3A_49 : i32
        %dma_wait3A_52 = arith.constant 0 : i32
        %dma_wait3A_53 = arith.constant 0 : i32
        %dma_wait3A_54 = tpu.memref_slice %arg2[%dma_wait3A_52, %dma_wait3A_53] : memref<10240x128xf32, #tpu.memory_space<hbm>> -> memref<80x128xf32, #tpu.memory_space<hbm>>
        %dma_wait3A_55 = arith.constant 0 : i32
        %dma_wait3A_56 = arith.constant 0 : i32
        %dma_wait3A_57 = tpu.memref_slice %arg2[%dma_wait3A_55, %dma_wait3A_56] : memref<10240x128xf32, #tpu.memory_space<hbm>> -> memref<80x128xf32, #tpu.memory_space<hbm>>
        tpu.wait_dma2 semaphore(%arg10 : memref<!tpu.dma_semaphore, #tpu.memory_space<semaphore_mem>>) src(%dma_wait3A_57 : memref<80x128xf32, #tpu.memory_space<hbm>>) dst(%arg8 : memref<80x128xf32, #tpu.memory_space<vmem>>)
        %add3A_58 = arith.constant 0 : i32
        %add3A_59 = arith.addi %add3A_51, %add3A_58 : i32
        "tpu.region"() ({
          %run_scoped3A_88 = tpu.sem_alloc : memref<!tpu.dma_semaphore, #tpu.memory_space<semaphore_mem>>
          %dma_start3A_89 = arith.constant 0 : i32
          %dma_start3A_90 = tpu.memref_slice %arg7[%add3A_59, %dma_start3A_89] : memref<16x80xi32, #tpu.memory_space<vmem>> -> memref<1x80xi32, #tpu.memory_space<vmem>>
          %dma_start3A_91 = tpu.memref_squeeze %dma_start3A_90 : memref<1x80xi32, #tpu.memory_space<vmem>> -> memref<80xi32, #tpu.memory_space<vmem>>
          %dma_start3A_92 = arith.constant 0 : i32
          %dma_start3A_93 = arith.constant 0 : i32
          %dma_start3A_94 = tpu.memref_slice %arg12[%dma_start3A_92, %dma_start3A_93] : memref<10240x128xf32, #tpu.memory_space<vmem_shared>> -> memref<10240x128xf32, #tpu.memory_space<vmem_shared>>
          tpu.enqueue_indirect_dma source(%arg8 : memref<80x128xf32, #tpu.memory_space<vmem>>) target(%dma_start3A_94 : memref<10240x128xf32, #tpu.memory_space<vmem_shared>>) offsets(%dma_start3A_91 : memref<80xi32, #tpu.memory_space<vmem>>) semaphore(%run_scoped3A_88 : memref<!tpu.dma_semaphore, #tpu.memory_space<semaphore_mem>>) {add = true}
          %dma_wait3A_95 = arith.constant 0 : i32
          %dma_wait3A_96 = tpu.memref_slice %arg7[%add3A_59, %dma_wait3A_95] : memref<16x80xi32, #tpu.memory_space<vmem>> -> memref<1x80xi32, #tpu.memory_space<vmem>>
          %dma_wait3A_97 = tpu.memref_squeeze %dma_wait3A_96 : memref<1x80xi32, #tpu.memory_space<vmem>> -> memref<80xi32, #tpu.memory_space<vmem>>
          %dma_wait3A_98 = arith.constant 0 : i32
          %dma_wait3A_99 = arith.constant 0 : i32
          %dma_wait3A_100 = tpu.memref_slice %arg12[%dma_wait3A_98, %dma_wait3A_99] : memref<10240x128xf32, #tpu.memory_space<vmem_shared>> -> memref<10240x128xf32, #tpu.memory_space<vmem_shared>>
          tpu.wait_indirect_dma semaphore(%run_scoped3A_88 : memref<!tpu.dma_semaphore, #tpu.memory_space<semaphore_mem>>) src(%arg8 : memref<80x128xf32, #tpu.memory_space<vmem>>) dst(%dma_wait3A_100 : memref<10240x128xf32, #tpu.memory_space<vmem_shared>>)
          tpu.yield
        }) : () -> ()
        %add3A_60 = arith.constant 2 : i32
        %add3A_61 = arith.addi %add3A_51, %add3A_60 : i32
        %add3A_62 = arith.constant 0 : i32
        %add3A_63 = arith.addi %add3A_61, %add3A_62 : i32
        %dma_start3A_64 = arith.constant 0 : i32
        %dma_start3A_65 = tpu.memref_slice %arg6[%add3A_63, %dma_start3A_64] : memref<16x80xi32, #tpu.memory_space<vmem>> -> memref<1x80xi32, #tpu.memory_space<vmem>>
        %dma_start3A_66 = tpu.memref_squeeze %dma_start3A_65 : memref<1x80xi32, #tpu.memory_space<vmem>> -> memref<80xi32, #tpu.memory_space<vmem>>
        %dma_start3A_67 = arith.constant 0 : i32
        %dma_start3A_68 = arith.constant 0 : i32
        %dma_start3A_69 = tpu.memref_slice %arg2[%dma_start3A_67, %dma_start3A_68] : memref<10240x128xf32, #tpu.memory_space<hbm>> -> memref<10240x128xf32, #tpu.memory_space<hbm>>
        tpu.enqueue_indirect_dma source(%dma_start3A_69 : memref<10240x128xf32, #tpu.memory_space<hbm>>) target(%arg8 : memref<80x128xf32, #tpu.memory_space<vmem>>) offsets(%dma_start3A_66 : memref<80xi32, #tpu.memory_space<vmem>>) semaphore(%arg10 : memref<!tpu.dma_semaphore, #tpu.memory_space<semaphore_mem>>)
        %dma_wait3A_70 = arith.constant 0 : i32
        %dma_wait3A_71 = arith.constant 0 : i32
        %dma_wait3A_72 = tpu.memref_slice %arg2[%dma_wait3A_70, %dma_wait3A_71] : memref<10240x128xf32, #tpu.memory_space<hbm>> -> memref<80x128xf32, #tpu.memory_space<hbm>>
        %dma_wait3A_73 = arith.constant 0 : i32
        %dma_wait3A_74 = arith.constant 0 : i32
        %dma_wait3A_75 = tpu.memref_slice %arg2[%dma_wait3A_73, %dma_wait3A_74] : memref<10240x128xf32, #tpu.memory_space<hbm>> -> memref<80x128xf32, #tpu.memory_space<hbm>>
        tpu.wait_dma2 semaphore(%arg11 : memref<!tpu.dma_semaphore, #tpu.memory_space<semaphore_mem>>) src(%dma_wait3A_75 : memref<80x128xf32, #tpu.memory_space<hbm>>) dst(%arg9 : memref<80x128xf32, #tpu.memory_space<vmem>>)
        %add3A_76 = arith.constant 1 : i32
        %add3A_77 = arith.addi %add3A_51, %add3A_76 : i32
        "tpu.region"() ({
          %run_scoped3A_88 = tpu.sem_alloc : memref<!tpu.dma_semaphore, #tpu.memory_space<semaphore_mem>>
          %dma_start3A_89 = arith.constant 0 : i32
          %dma_start3A_90 = tpu.memref_slice %arg7[%add3A_77, %dma_start3A_89] : memref<16x80xi32, #tpu.memory_space<vmem>> -> memref<1x80xi32, #tpu.memory_space<vmem>>
          %dma_start3A_91 = tpu.memref_squeeze %dma_start3A_90 : memref<1x80xi32, #tpu.memory_space<vmem>> -> memref<80xi32, #tpu.memory_space<vmem>>
          %dma_start3A_92 = arith.constant 0 : i32
          %dma_start3A_93 = arith.constant 0 : i32
          %dma_start3A_94 = tpu.memref_slice %arg12[%dma_start3A_92, %dma_start3A_93] : memref<10240x128xf32, #tpu.memory_space<vmem_shared>> -> memref<10240x128xf32, #tpu.memory_space<vmem_shared>>
          tpu.enqueue_indirect_dma source(%arg9 : memref<80x128xf32, #tpu.memory_space<vmem>>) target(%dma_start3A_94 : memref<10240x128xf32, #tpu.memory_space<vmem_shared>>) offsets(%dma_start3A_91 : memref<80xi32, #tpu.memory_space<vmem>>) semaphore(%run_scoped3A_88 : memref<!tpu.dma_semaphore, #tpu.memory_space<semaphore_mem>>) {add = true}
          %dma_wait3A_95 = arith.constant 0 : i32
          %dma_wait3A_96 = tpu.memref_slice %arg7[%add3A_77, %dma_wait3A_95] : memref<16x80xi32, #tpu.memory_space<vmem>> -> memref<1x80xi32, #tpu.memory_space<vmem>>
          %dma_wait3A_97 = tpu.memref_squeeze %dma_wait3A_96 : memref<1x80xi32, #tpu.memory_space<vmem>> -> memref<80xi32, #tpu.memory_space<vmem>>
          %dma_wait3A_98 = arith.constant 0 : i32
          %dma_wait3A_99 = arith.constant 0 : i32
          %dma_wait3A_100 = tpu.memref_slice %arg12[%dma_wait3A_98, %dma_wait3A_99] : memref<10240x128xf32, #tpu.memory_space<vmem_shared>> -> memref<10240x128xf32, #tpu.memory_space<vmem_shared>>
          tpu.wait_indirect_dma semaphore(%run_scoped3A_88 : memref<!tpu.dma_semaphore, #tpu.memory_space<semaphore_mem>>) src(%arg9 : memref<80x128xf32, #tpu.memory_space<vmem>>) dst(%dma_wait3A_100 : memref<10240x128xf32, #tpu.memory_space<vmem_shared>>)
          tpu.yield
        }) : () -> ()
        %add3A_78 = arith.constant 2 : i32
        %add3A_79 = arith.addi %add3A_51, %add3A_78 : i32
        %add3A_80 = arith.constant 1 : i32
        %add3A_81 = arith.addi %add3A_79, %add3A_80 : i32
        %dma_start3A_82 = arith.constant 0 : i32
        %dma_start3A_83 = tpu.memref_slice %arg6[%add3A_81, %dma_start3A_82] : memref<16x80xi32, #tpu.memory_space<vmem>> -> memref<1x80xi32, #tpu.memory_space<vmem>>
        %dma_start3A_84 = tpu.memref_squeeze %dma_start3A_83 : memref<1x80xi32, #tpu.memory_space<vmem>> -> memref<80xi32, #tpu.memory_space<vmem>>
        %dma_start3A_85 = arith.constant 0 : i32
        %dma_start3A_86 = arith.constant 0 : i32
        %dma_start3A_87 = tpu.memref_slice %arg2[%dma_start3A_85, %dma_start3A_86] : memref<10240x128xf32, #tpu.memory_space<hbm>> -> memref<10240x128xf32, #tpu.memory_space<hbm>>
        tpu.enqueue_indirect_dma source(%dma_start3A_87 : memref<10240x128xf32, #tpu.memory_space<hbm>>) target(%arg9 : memref<80x128xf32, #tpu.memory_space<vmem>>) offsets(%dma_start3A_84 : memref<80xi32, #tpu.memory_space<vmem>>) semaphore(%arg11 : memref<!tpu.dma_semaphore, #tpu.memory_space<semaphore_mem>>)
      }
      %scan3A_34 = arith.constant 7 : i32
      %dma_wait3A = arith.constant 0 : i32
      %dma_wait3A_35 = arith.constant 0 : i32
      %dma_wait3A_36 = tpu.memref_slice %arg2[%dma_wait3A, %dma_wait3A_35] : memref<10240x128xf32, #tpu.memory_space<hbm>> -> memref<80x128xf32, #tpu.memory_space<hbm>>
      %dma_wait3A_37 = arith.constant 0 : i32
      %dma_wait3A_38 = arith.constant 0 : i32
      %dma_wait3A_39 = tpu.memref_slice %arg2[%dma_wait3A_37, %dma_wait3A_38] : memref<10240x128xf32, #tpu.memory_space<hbm>> -> memref<80x128xf32, #tpu.memory_space<hbm>>
      tpu.wait_dma2 semaphore(%arg10 : memref<!tpu.dma_semaphore, #tpu.memory_space<semaphore_mem>>) src(%dma_wait3A_39 : memref<80x128xf32, #tpu.memory_space<hbm>>) dst(%arg8 : memref<80x128xf32, #tpu.memory_space<vmem>>)
      %run_scoped3A = arith.constant 14 : i32
      "tpu.region"() ({
        %run_scoped3A_47 = tpu.sem_alloc : memref<!tpu.dma_semaphore, #tpu.memory_space<semaphore_mem>>
        %dma_start3A_48 = arith.constant 0 : i32
        %dma_start3A_49 = tpu.memref_slice %arg7[%run_scoped3A, %dma_start3A_48] : memref<16x80xi32, #tpu.memory_space<vmem>> -> memref<1x80xi32, #tpu.memory_space<vmem>>
        %dma_start3A_50 = tpu.memref_squeeze %dma_start3A_49 : memref<1x80xi32, #tpu.memory_space<vmem>> -> memref<80xi32, #tpu.memory_space<vmem>>
        %dma_start3A_51 = arith.constant 0 : i32
        %dma_start3A_52 = arith.constant 0 : i32
        %dma_start3A_53 = tpu.memref_slice %arg12[%dma_start3A_51, %dma_start3A_52] : memref<10240x128xf32, #tpu.memory_space<vmem_shared>> -> memref<10240x128xf32, #tpu.memory_space<vmem_shared>>
        tpu.enqueue_indirect_dma source(%arg8 : memref<80x128xf32, #tpu.memory_space<vmem>>) target(%dma_start3A_53 : memref<10240x128xf32, #tpu.memory_space<vmem_shared>>) offsets(%dma_start3A_50 : memref<80xi32, #tpu.memory_space<vmem>>) semaphore(%run_scoped3A_47 : memref<!tpu.dma_semaphore, #tpu.memory_space<semaphore_mem>>) {add = true}
        %dma_wait3A_54 = arith.constant 0 : i32
        %dma_wait3A_55 = tpu.memref_slice %arg7[%run_scoped3A, %dma_wait3A_54] : memref<16x80xi32, #tpu.memory_space<vmem>> -> memref<1x80xi32, #tpu.memory_space<vmem>>
        %dma_wait3A_56 = tpu.memref_squeeze %dma_wait3A_55 : memref<1x80xi32, #tpu.memory_space<vmem>> -> memref<80xi32, #tpu.memory_space<vmem>>
        %dma_wait3A_57 = arith.constant 0 : i32
        %dma_wait3A_58 = arith.constant 0 : i32
        %dma_wait3A_59 = tpu.memref_slice %arg12[%dma_wait3A_57, %dma_wait3A_58] : memref<10240x128xf32, #tpu.memory_space<vmem_shared>> -> memref<10240x128xf32, #tpu.memory_space<vmem_shared>>
        tpu.wait_indirect_dma semaphore(%run_scoped3A_47 : memref<!tpu.dma_semaphore, #tpu.memory_space<semaphore_mem>>) src(%arg8 : memref<80x128xf32, #tpu.memory_space<vmem>>) dst(%dma_wait3A_59 : memref<10240x128xf32, #tpu.memory_space<vmem_shared>>)
        tpu.yield
      }) : () -> ()
      %dma_wait3A_40 = arith.constant 0 : i32
      %dma_wait3A_41 = arith.constant 0 : i32
      %dma_wait3A_42 = tpu.memref_slice %arg2[%dma_wait3A_40, %dma_wait3A_41] : memref<10240x128xf32, #tpu.memory_space<hbm>> -> memref<80x128xf32, #tpu.memory_space<hbm>>
      %dma_wait3A_43 = arith.constant 0 : i32
      %dma_wait3A_44 = arith.constant 0 : i32
      %dma_wait3A_45 = tpu.memref_slice %arg2[%dma_wait3A_43, %dma_wait3A_44] : memref<10240x128xf32, #tpu.memory_space<hbm>> -> memref<80x128xf32, #tpu.memory_space<hbm>>
      tpu.wait_dma2 semaphore(%arg11 : memref<!tpu.dma_semaphore, #tpu.memory_space<semaphore_mem>>) src(%dma_wait3A_45 : memref<80x128xf32, #tpu.memory_space<hbm>>) dst(%arg9 : memref<80x128xf32, #tpu.memory_space<vmem>>)
      %run_scoped3A_46 = arith.constant 15 : i32
      "tpu.region"() ({
        %run_scoped3A_47 = tpu.sem_alloc : memref<!tpu.dma_semaphore, #tpu.memory_space<semaphore_mem>>
        %dma_start3A_48 = arith.constant 0 : i32
        %dma_start3A_49 = tpu.memref_slice %arg7[%run_scoped3A_46, %dma_start3A_48] : memref<16x80xi32, #tpu.memory_space<vmem>> -> memref<1x80xi32, #tpu.memory_space<vmem>>
        %dma_start3A_50 = tpu.memref_squeeze %dma_start3A_49 : memref<1x80xi32, #tpu.memory_space<vmem>> -> memref<80xi32, #tpu.memory_space<vmem>>
        %dma_start3A_51 = arith.constant 0 : i32
        %dma_start3A_52 = arith.constant 0 : i32
        %dma_start3A_53 = tpu.memref_slice %arg12[%dma_start3A_51, %dma_start3A_52] : memref<10240x128xf32, #tpu.memory_space<vmem_shared>> -> memref<10240x128xf32, #tpu.memory_space<vmem_shared>>
        tpu.enqueue_indirect_dma source(%arg9 : memref<80x128xf32, #tpu.memory_space<vmem>>) target(%dma_start3A_53 : memref<10240x128xf32, #tpu.memory_space<vmem_shared>>) offsets(%dma_start3A_50 : memref<80xi32, #tpu.memory_space<vmem>>) semaphore(%run_scoped3A_47 : memref<!tpu.dma_semaphore, #tpu.memory_space<semaphore_mem>>) {add = true}
        %dma_wait3A_54 = arith.constant 0 : i32
        %dma_wait3A_55 = tpu.memref_slice %arg7[%run_scoped3A_46, %dma_wait3A_54] : memref<16x80xi32, #tpu.memory_space<vmem>> -> memref<1x80xi32, #tpu.memory_space<vmem>>
        %dma_wait3A_56 = tpu.memref_squeeze %dma_wait3A_55 : memref<1x80xi32, #tpu.memory_space<vmem>> -> memref<80xi32, #tpu.memory_space<vmem>>
        %dma_wait3A_57 = arith.constant 0 : i32
        %dma_wait3A_58 = arith.constant 0 : i32
        %dma_wait3A_59 = tpu.memref_slice %arg12[%dma_wait3A_57, %dma_wait3A_58] : memref<10240x128xf32, #tpu.memory_space<vmem_shared>> -> memref<10240x128xf32, #tpu.memory_space<vmem_shared>>
        tpu.wait_indirect_dma semaphore(%run_scoped3A_47 : memref<!tpu.dma_semaphore, #tpu.memory_space<semaphore_mem>>) src(%arg9 : memref<80x128xf32, #tpu.memory_space<vmem>>) dst(%dma_wait3A_59 : memref<10240x128xf32, #tpu.memory_space<vmem_shared>>)
        tpu.yield
      }) : () -> ()
    }
    %scan3A_6 = arith.constant 8 : i32
    %barrier3A_7 = arith.constant 0 : index
    tpu.barrier barrier_id(%barrier3A_7)
    "tpu.region"() ({
      %run_scoped3A = tpu.sem_alloc : memref<!tpu.dma_semaphore, #tpu.memory_space<semaphore_mem>>
      %dma_start3A = arith.constant 0 : i32
      %dma_start3A_8 = tpu.memref_slice %arg5[%arg0, %mul3A_2, %dma_start3A] : memref<2x10240x128xf32, #tpu.memory_space<hbm>> -> memref<1x640x128xf32, #tpu.memory_space<hbm>>
      %dma_start3A_9 = tpu.memref_squeeze %dma_start3A_8 : memref<1x640x128xf32, #tpu.memory_space<hbm>> -> memref<640x128xf32, #tpu.memory_space<hbm>>
      %dma_start3A_10 = arith.constant 0 : i32
      %dma_start3A_11 = tpu.memref_slice %arg12[%mul3A_2, %dma_start3A_10] : memref<10240x128xf32, #tpu.memory_space<vmem_shared>> -> memref<640x128xf32, #tpu.memory_space<vmem_shared>>
      tpu.enqueue_dma source(%dma_start3A_11 : memref<640x128xf32, #tpu.memory_space<vmem_shared>>) target(%dma_start3A_9 : memref<640x128xf32, #tpu.memory_space<hbm>>) target_semaphore(%run_scoped3A : memref<!tpu.dma_semaphore, #tpu.memory_space<semaphore_mem>>)
      %dma_wait3A = arith.constant 0 : i32
      %dma_wait3A_12 = tpu.memref_slice %arg5[%arg0, %mul3A_2, %dma_wait3A] : memref<2x10240x128xf32, #tpu.memory_space<hbm>> -> memref<1x640x128xf32, #tpu.memory_space<hbm>>
      %dma_wait3A_13 = tpu.memref_squeeze %dma_wait3A_12 : memref<1x640x128xf32, #tpu.memory_space<hbm>> -> memref<640x128xf32, #tpu.memory_space<hbm>>
      %dma_wait3A_14 = arith.constant 0 : i32
      %dma_wait3A_15 = tpu.memref_slice %arg12[%mul3A_2, %dma_wait3A_14] : memref<10240x128xf32, #tpu.memory_space<vmem_shared>> -> memref<640x128xf32, #tpu.memory_space<vmem_shared>>
      tpu.wait_dma2 semaphore(%run_scoped3A : memref<!tpu.dma_semaphore, #tpu.memory_space<semaphore_mem>>) src(%dma_wait3A_15 : memref<640x128xf32, #tpu.memory_space<vmem_shared>>) dst(%dma_wait3A_13 : memref<640x128xf32, #tpu.memory_space<hbm>>)
      tpu.yield
    }) : () -> ()
    return
  }
}

module attributes {stable_mosaic.version = 14 : i64} {
  func.func @_mm_body(%arg0: memref<10240x128xf32, #tpu.memory_space<vmem>>, %arg1: memref<128x128xf32, #tpu.memory_space<vmem>>, %arg2: memref<10240x128xf32, #tpu.memory_space<vmem>>) attributes {dimension_semantics = [], scalar_prefetch = 0 : i64, scratch_operands = 0 : i64, tpu.core_type = #tpu.core_type<tc>} {
    %get3A = arith.constant 0 : index
    %get3A_0 = arith.constant 0 : index
    %get3A_1 = vector.load %arg0[%get3A, %get3A_0] : memref<10240x128xf32, #tpu.memory_space<vmem>>, vector<10240x128xf32>
    %get3A_2 = arith.constant 0 : index
    %get3A_3 = arith.constant 0 : index
    %get3A_4 = vector.load %arg1[%get3A_2, %get3A_3] : memref<128x128xf32, #tpu.memory_space<vmem>>, vector<128x128xf32>
    %dot_general3A = arith.constant dense<0.000000e+00> : vector<10240x128xf32>
    %dot_general3A_5 = tpu.matmul %get3A_1, %get3A_4, %dot_general3A {dimension_numbers = #tpu.dot_dimension_numbers<[1], [0], [0], [1], [0, 0, 1, 1], [], []>, precision = #tpu.contract_precision<fp32>, transpose_lhs_hint = false} : vector<10240x128xf32>, vector<128x128xf32>, vector<10240x128xf32> -> vector<10240x128xf32>
    %swap3A = arith.constant 0 : index
    %swap3A_6 = arith.constant 0 : index
    %swap3A_7 = vector.load %arg2[%swap3A, %swap3A_6] : memref<10240x128xf32, #tpu.memory_space<vmem>>, vector<10240x128xf32>
    tpu.vector_store %arg2[%swap3A, %swap3A_6], %dot_general3A_5 {strides = array<i32>} : memref<10240x128xf32, #tpu.memory_space<vmem>>, vector<10240x128xf32>,
    return
  }
}

module attributes {stable_mosaic.version = 14 : i64} {
  func.func @_scale_body(%arg0: memref<2x10240x128xf32, #tpu.memory_space<vmem>>, %arg1: memref<10240x128xf32, #tpu.memory_space<vmem>>, %arg2: memref<10240x128xf32, #tpu.memory_space<vmem>>, %arg3: memref<10240x1xf32, #tpu.memory_space<vmem>>) attributes {dimension_semantics = [], scalar_prefetch = 0 : i64, scratch_operands = 0 : i64, tpu.core_type = #tpu.core_type<tc>} {
    %get3A = arith.constant 0 : index
    %get3A_0 = arith.constant 0 : index
    %get3A_1 = arith.constant 0 : index
    %get3A_2 = vector.load %arg0[%get3A, %get3A_0, %get3A_1] : memref<2x10240x128xf32, #tpu.memory_space<vmem>>, vector<1x10240x1xf32>
    %get3A_3 = vector.shape_cast %get3A_2 : vector<1x10240x1xf32> to vector<10240x1xf32>
    %get3A_4 = arith.constant 1 : index
    %get3A_5 = arith.constant 0 : index
    %get3A_6 = arith.constant 0 : index
    %get3A_7 = vector.load %arg0[%get3A_4, %get3A_5, %get3A_6] : memref<2x10240x128xf32, #tpu.memory_space<vmem>>, vector<1x10240x1xf32>
    %get3A_8 = vector.shape_cast %get3A_7 : vector<1x10240x1xf32> to vector<10240x1xf32>
    %add3A = arith.addf %get3A_3, %get3A_8 : vector<10240x1xf32>
    %add3A_9 = arith.constant 1.000000e+00 : f32
    %add3A_10 = vector.broadcast %add3A_9 : f32 to vector<10240x1xf32>
    %add3A_11 = arith.addf %add3A, %add3A_10 : vector<10240x1xf32>
    %iota3A = tpu.iota {dimensions = array<i32: 0>} : vector<10240x1xi32>
    %lt3A = arith.constant 10000 : i32
    %lt3A_12 = vector.broadcast %lt3A : i32 to vector<10240x1xi32>
    %lt3A_13 = arith.cmpi slt, %iota3A, %lt3A_12 : vector<10240x1xi32>
    %rsqrt3A = math.rsqrt %add3A_11 : vector<10240x1xf32>
    %jit3A = arith.constant 0.000000e+00 : f32
    %broadcast_in_dim3A = vector.broadcast %jit3A : f32 to vector<10240x1xf32>
    %select_n3A = arith.select %lt3A_13, %rsqrt3A, %broadcast_in_dim3A : vector<10240x1xi1>, vector<10240x1xf32>
    %swap3A = arith.constant 0 : index
    %swap3A_14 = arith.constant 0 : index
    %swap3A_15 = vector.load %arg3[%swap3A, %swap3A_14] : memref<10240x1xf32, #tpu.memory_space<vmem>>, vector<10240x1xf32>
    tpu.vector_store %arg3[%swap3A, %swap3A_14], %select_n3A {strides = array<i32>} : memref<10240x1xf32, #tpu.memory_space<vmem>>, vector<10240x1xf32>,
    %get3A_16 = arith.constant 0 : index
    %get3A_17 = arith.constant 0 : index
    %get3A_18 = vector.load %arg1[%get3A_16, %get3A_17] : memref<10240x128xf32, #tpu.memory_space<vmem>>, vector<10240x128xf32>
    %mul3A = vector.broadcast %select_n3A : vector<10240x1xf32> to vector<10240x128xf32>
    %mul3A_19 = arith.mulf %get3A_18, %mul3A : vector<10240x128xf32>
    %swap3A_20 = arith.constant 0 : index
    %swap3A_21 = arith.constant 0 : index
    %swap3A_22 = vector.load %arg2[%swap3A_20, %swap3A_21] : memref<10240x128xf32, #tpu.memory_space<vmem>>, vector<10240x128xf32>
    tpu.vector_store %arg2[%swap3A_20, %swap3A_21], %mul3A_19 {strides = array<i32>} : memref<10240x128xf32, #tpu.memory_space<vmem>>, vector<10240x128xf32>,
    return
  }
}

module attributes {stable_mosaic.version = 14 : i64} {
  func.func @_mid_body(%arg0: memref<2x10240x128xf32, #tpu.memory_space<vmem>>, %arg1: memref<10240x128xf32, #tpu.memory_space<vmem>>, %arg2: memref<10240x1xf32, #tpu.memory_space<vmem>>, %arg3: memref<1x128xf32, #tpu.memory_space<vmem>>, %arg4: memref<1x128xf32, #tpu.memory_space<vmem>>, %arg5: memref<1x128xf32, #tpu.memory_space<vmem>>, %arg6: memref<128x128xf32, #tpu.memory_space<vmem>>, %arg7: memref<10240x128xf32, #tpu.memory_space<vmem>>) attributes {dimension_semantics = [], scalar_prefetch = 0 : i64, scratch_operands = 0 : i64, tpu.core_type = #tpu.core_type<tc>} {
    %get3A = arith.constant 0 : index
    %get3A_0 = arith.constant 0 : index
    %get3A_1 = vector.load %arg2[%get3A, %get3A_0] : memref<10240x1xf32, #tpu.memory_space<vmem>>, vector<10240x1xf32>
    %get3A_2 = arith.constant 0 : index
    %get3A_3 = arith.constant 0 : index
    %get3A_4 = arith.constant 0 : index
    %get3A_5 = vector.load %arg0[%get3A_2, %get3A_3, %get3A_4] : memref<2x10240x128xf32, #tpu.memory_space<vmem>>, vector<1x10240x128xf32>
    %get3A_6 = vector.shape_cast %get3A_5 : vector<1x10240x128xf32> to vector<10240x128xf32>
    %get3A_7 = arith.constant 1 : index
    %get3A_8 = arith.constant 0 : index
    %get3A_9 = arith.constant 0 : index
    %get3A_10 = vector.load %arg0[%get3A_7, %get3A_8, %get3A_9] : memref<2x10240x128xf32, #tpu.memory_space<vmem>>, vector<1x10240x128xf32>
    %get3A_11 = vector.shape_cast %get3A_10 : vector<1x10240x128xf32> to vector<10240x128xf32>
    %add3A = arith.addf %get3A_6, %get3A_11 : vector<10240x128xf32>
    %get3A_12 = arith.constant 0 : index
    %get3A_13 = arith.constant 0 : index
    %get3A_14 = vector.load %arg1[%get3A_12, %get3A_13] : memref<10240x128xf32, #tpu.memory_space<vmem>>, vector<10240x128xf32>
    %sub3A = arith.subf %add3A, %get3A_14 : vector<10240x128xf32>
    %mul3A = vector.broadcast %get3A_1 : vector<10240x1xf32> to vector<10240x128xf32>
    %mul3A_15 = arith.mulf %sub3A, %mul3A : vector<10240x128xf32>
    %get3A_16 = arith.constant 0 : index
    %get3A_17 = arith.constant 0 : index
    %get3A_18 = vector.load %arg3[%get3A_16, %get3A_17] : memref<1x128xf32, #tpu.memory_space<vmem>>, vector<1x128xf32>
    %add3A_19 = vector.broadcast %get3A_18 : vector<1x128xf32> to vector<10240x128xf32>
    %add3A_20 = arith.addf %mul3A_15, %add3A_19 : vector<10240x128xf32>
    %iota3A = tpu.iota {dimensions = array<i32: 0>} : vector<10240x1xi32>
    %lt3A = arith.constant 10000 : i32
    %lt3A_21 = vector.broadcast %lt3A : i32 to vector<10240x1xi32>
    %lt3A_22 = arith.cmpi slt, %iota3A, %lt3A_21 : vector<10240x1xi32>
    %jit3A = arith.constant 0.000000e+00 : f32
    %broadcast_in_dim3A = vector.shape_cast %lt3A_22 : vector<10240x1xi1> to vector<10240x1xi1>
    %broadcast_in_dim3A_23 = vector.broadcast %broadcast_in_dim3A : vector<10240x1xi1> to vector<10240x128xi1>
    %broadcast_in_dim3A_24 = vector.broadcast %jit3A : f32 to vector<10240x128xf32>
    %select_n3A = arith.select %broadcast_in_dim3A_23, %add3A_20, %broadcast_in_dim3A_24 : vector<10240x128xi1>, vector<10240x128xf32>
    %reduce_sum3A = arith.constant dense<0.000000e+00> : vector<128xf32>
    %reduce_sum3A_25 = vector.multi_reduction <add>, %select_n3A, %reduce_sum3A [0] : vector<10240x128xf32> to vector<128xf32>
    %broadcast_in_dim3A_26 = vector.shape_cast %reduce_sum3A_25 : vector<128xf32> to vector<1x128xf32>
    %mul3A_27 = arith.constant 9.99999974E-5 : f32
    %mul3A_28 = vector.broadcast %mul3A_27 : f32 to vector<1x128xf32>
    %mul3A_29 = arith.mulf %broadcast_in_dim3A_26, %mul3A_28 : vector<1x128xf32>
    %sub3A_30 = vector.broadcast %mul3A_29 : vector<1x128xf32> to vector<10240x128xf32>
    %sub3A_31 = arith.subf %add3A_20, %sub3A_30 : vector<10240x128xf32>
    %jit3A_32 = arith.constant 0.000000e+00 : f32
    %broadcast_in_dim3A_33 = vector.shape_cast %lt3A_22 : vector<10240x1xi1> to vector<10240x1xi1>
    %broadcast_in_dim3A_34 = vector.broadcast %broadcast_in_dim3A_33 : vector<10240x1xi1> to vector<10240x128xi1>
    %broadcast_in_dim3A_35 = vector.broadcast %jit3A_32 : f32 to vector<10240x128xf32>
    %select_n3A_36 = arith.select %broadcast_in_dim3A_34, %sub3A_31, %broadcast_in_dim3A_35 : vector<10240x128xi1>, vector<10240x128xf32>
    %mul3A_37 = arith.mulf %select_n3A_36, %select_n3A_36 : vector<10240x128xf32>
    %reduce_sum3A_38 = arith.constant dense<0.000000e+00> : vector<128xf32>
    %reduce_sum3A_39 = vector.multi_reduction <add>, %mul3A_37, %reduce_sum3A_38 [0] : vector<10240x128xf32> to vector<128xf32>
    %broadcast_in_dim3A_40 = vector.shape_cast %reduce_sum3A_39 : vector<128xf32> to vector<1x128xf32>
    %mul3A_41 = arith.constant 9.99999974E-5 : f32
    %mul3A_42 = vector.broadcast %mul3A_41 : f32 to vector<1x128xf32>
    %mul3A_43 = arith.mulf %broadcast_in_dim3A_40, %mul3A_42 : vector<1x128xf32>
    %sub3A_44 = vector.broadcast %mul3A_29 : vector<1x128xf32> to vector<10240x128xf32>
    %sub3A_45 = arith.subf %add3A_20, %sub3A_44 : vector<10240x128xf32>
    %add3A_46 = arith.constant 9.99999974E-6 : f32
    %add3A_47 = vector.broadcast %add3A_46 : f32 to vector<1x128xf32>
    %add3A_48 = arith.addf %mul3A_43, %add3A_47 : vector<1x128xf32>
    %rsqrt3A = math.rsqrt %add3A_48 : vector<1x128xf32>
    %mul3A_49 = vector.broadcast %rsqrt3A : vector<1x128xf32> to vector<10240x128xf32>
    %mul3A_50 = arith.mulf %sub3A_45, %mul3A_49 : vector<10240x128xf32>
    %get3A_51 = arith.constant 0 : index
    %get3A_52 = arith.constant 0 : index
    %get3A_53 = vector.load %arg4[%get3A_51, %get3A_52] : memref<1x128xf32, #tpu.memory_space<vmem>>, vector<1x128xf32>
    %mul3A_54 = vector.broadcast %get3A_53 : vector<1x128xf32> to vector<10240x128xf32>
    %mul3A_55 = arith.mulf %mul3A_50, %mul3A_54 : vector<10240x128xf32>
    %get3A_56 = arith.constant 0 : index
    %get3A_57 = arith.constant 0 : index
    %get3A_58 = vector.load %arg5[%get3A_56, %get3A_57] : memref<1x128xf32, #tpu.memory_space<vmem>>, vector<1x128xf32>
    %add3A_59 = vector.broadcast %get3A_58 : vector<1x128xf32> to vector<10240x128xf32>
    %add3A_60 = arith.addf %mul3A_55, %add3A_59 : vector<10240x128xf32>
    %max3A = arith.constant 0.000000e+00 : f32
    %max3A_61 = vector.broadcast %max3A : f32 to vector<10240x128xf32>
    %max3A_62 = arith.maximumf %add3A_60, %max3A_61 : vector<10240x128xf32>
    %get3A_63 = arith.constant 0 : index
    %get3A_64 = arith.constant 0 : index
    %get3A_65 = vector.load %arg6[%get3A_63, %get3A_64] : memref<128x128xf32, #tpu.memory_space<vmem>>, vector<128x128xf32>
    %dot_general3A = arith.constant dense<0.000000e+00> : vector<10240x128xf32>
    %dot_general3A_66 = tpu.matmul %max3A_62, %get3A_65, %dot_general3A {dimension_numbers = #tpu.dot_dimension_numbers<[1], [0], [0], [1], [0, 0, 1, 1], [], []>, precision = #tpu.contract_precision<fp32>, transpose_lhs_hint = false} : vector<10240x128xf32>, vector<128x128xf32>, vector<10240x128xf32> -> vector<10240x128xf32>
    %mul3A_67 = vector.broadcast %get3A_1 : vector<10240x1xf32> to vector<10240x128xf32>
    %mul3A_68 = arith.mulf %dot_general3A_66, %mul3A_67 : vector<10240x128xf32>
    %jit3A_69 = arith.constant 0.000000e+00 : f32
    %broadcast_in_dim3A_70 = vector.shape_cast %lt3A_22 : vector<10240x1xi1> to vector<10240x1xi1>
    %broadcast_in_dim3A_71 = vector.broadcast %broadcast_in_dim3A_70 : vector<10240x1xi1> to vector<10240x128xi1>
    %broadcast_in_dim3A_72 = vector.broadcast %jit3A_69 : f32 to vector<10240x128xf32>
    %select_n3A_73 = arith.select %broadcast_in_dim3A_71, %mul3A_68, %broadcast_in_dim3A_72 : vector<10240x128xi1>, vector<10240x128xf32>
    %swap3A = arith.constant 0 : index
    %swap3A_74 = arith.constant 0 : index
    %swap3A_75 = vector.load %arg7[%swap3A, %swap3A_74] : memref<10240x128xf32, #tpu.memory_space<vmem>>, vector<10240x128xf32>
    tpu.vector_store %arg7[%swap3A, %swap3A_74], %select_n3A_73 {strides = array<i32>} : memref<10240x128xf32, #tpu.memory_space<vmem>>, vector<10240x128xf32>,
    return
  }
}

module attributes {stable_mosaic.version = 14 : i64} {
  func.func @_out_body(%arg0: memref<2x10240x128xf32, #tpu.memory_space<vmem>>, %arg1: memref<10240x128xf32, #tpu.memory_space<vmem>>, %arg2: memref<10240x1xf32, #tpu.memory_space<vmem>>, %arg3: memref<1x128xf32, #tpu.memory_space<vmem>>, %arg4: memref<10240x128xf32, #tpu.memory_space<vmem>>) attributes {dimension_semantics = [], scalar_prefetch = 0 : i64, scratch_operands = 0 : i64, tpu.core_type = #tpu.core_type<tc>} {
    %get3A = arith.constant 0 : index
    %get3A_0 = arith.constant 0 : index
    %get3A_1 = arith.constant 0 : index
    %get3A_2 = vector.load %arg0[%get3A, %get3A_0, %get3A_1] : memref<2x10240x128xf32, #tpu.memory_space<vmem>>, vector<1x10240x128xf32>
    %get3A_3 = vector.shape_cast %get3A_2 : vector<1x10240x128xf32> to vector<10240x128xf32>
    %get3A_4 = arith.constant 1 : index
    %get3A_5 = arith.constant 0 : index
    %get3A_6 = arith.constant 0 : index
    %get3A_7 = vector.load %arg0[%get3A_4, %get3A_5, %get3A_6] : memref<2x10240x128xf32, #tpu.memory_space<vmem>>, vector<1x10240x128xf32>
    %get3A_8 = vector.shape_cast %get3A_7 : vector<1x10240x128xf32> to vector<10240x128xf32>
    %add3A = arith.addf %get3A_3, %get3A_8 : vector<10240x128xf32>
    %get3A_9 = arith.constant 0 : index
    %get3A_10 = arith.constant 0 : index
    %get3A_11 = vector.load %arg1[%get3A_9, %get3A_10] : memref<10240x128xf32, #tpu.memory_space<vmem>>, vector<10240x128xf32>
    %sub3A = arith.subf %add3A, %get3A_11 : vector<10240x128xf32>
    %get3A_12 = arith.constant 0 : index
    %get3A_13 = arith.constant 0 : index
    %get3A_14 = vector.load %arg2[%get3A_12, %get3A_13] : memref<10240x1xf32, #tpu.memory_space<vmem>>, vector<10240x1xf32>
    %mul3A = vector.broadcast %get3A_14 : vector<10240x1xf32> to vector<10240x128xf32>
    %mul3A_15 = arith.mulf %sub3A, %mul3A : vector<10240x128xf32>
    %get3A_16 = arith.constant 0 : index
    %get3A_17 = arith.constant 0 : index
    %get3A_18 = vector.load %arg3[%get3A_16, %get3A_17] : memref<1x128xf32, #tpu.memory_space<vmem>>, vector<1x128xf32>
    %add3A_19 = vector.broadcast %get3A_18 : vector<1x128xf32> to vector<10240x128xf32>
    %add3A_20 = arith.addf %mul3A_15, %add3A_19 : vector<10240x128xf32>
    %swap3A = arith.constant 0 : index
    %swap3A_21 = arith.constant 0 : index
    %swap3A_22 = vector.load %arg4[%swap3A, %swap3A_21] : memref<10240x128xf32, #tpu.memory_space<vmem>>, vector<10240x128xf32>
    tpu.vector_store %arg4[%swap3A, %swap3A_21], %add3A_20 {strides = array<i32>} : memref<10240x128xf32, #tpu.memory_space<vmem>>, vector<10240x128xf32>,
    return
  }
}

</mosaic_0001>

<sc_bundles>
// kernel: kernel.11.cloned.1.call-start
scs
__scs_entry_jumppad:
0x0: {  	(pc) =	sbr.rel $0x88, $3  }
0x1: {  	(tag) =	ssettag $0x0;
	lr =	simm.s32 $0x1  }
0x2: {  	[smem:$0x3F95] =	sst lr;
	_ =	strace $0xD0000000  }
0x3: {  	_ = 	snop  }
0x4: {  	_ = 	snop  }
0x5: {  	_ = 	snop  }
0x6: {  	_ = 	snop  }
0x7: {  	_ = 	snop  }
__scs_overlays_trampoline_lowered:
0x8: {  	[smem:$0x3FA4] =	sst s0  }
0x9: {  	[smem:$0x3FA5] =	sst s1  }
0xa: {  	[smem:$0x3FA6] =	sst s2  }
0xb: {  	[smem:$0x3FA7] =	sst s3  }
0xc: {  	[smem:$0x3FA8] =	sst s4  }
0xd: {  	[smem:$0x3FA9] =	sst s5  }
0xe: {  	[smem:$0x3FAA] =	sst s6  }
0xf: {  	[smem:$0x3FAB] =	sst s7  }
0x10: {  	[smem:$0x3FAC] =	sst s8  }
0x11: {  	[smem:$0x3FAD] =	sst s9;
	s0 =	simm.s32 @!p0 $0x0  }
0x12: {  	s1 =	sld [smem:$0x3F93];
	s0 =	simm.s32 @p0 $0x1  }
0x13: {  	[smem:$0x3FAE] =	sst s0;
	s0 =	simm.s32 @!p1 $0x0  }
0x14: {  	s2 =	sld [smem:$0x3F92];
	s0 =	simm.s32 @p1 $0x1  }
0x15: {  	[smem:$0x3FAF] =	sst s0;
	s0 =	simm.s32 @!p2 $0x0  }
0x16: {  	s3 =	sld [smem:$0x3FDB];
	s0 =	simm.s32 @p2 $0x1  }
0x17: {  	s4 =	simm.s32 $0x1BF5;
	[smem:$0x3FB1] =	sst s0  }
0x18: {  	s0 =	sld [smem:$0x3F94];
	_ =	swait.ge [sflag:s4], $0x0  }
0x19: {  	s7 =	sld [smem:$0x3F95]  }
0x1a: {  	s8 =	sadd.s32 $0xFFFFE003, lr  }
0x1b: {  	s9 =	sadd.s32 $0xFFFFFEF7, lr;
	s5 =	simm.s32 $0xFFFFFFFF;
	p2 =	slt.u32 s8, $0xFFFFF086  }
0x1c: {  	p1 =	slt.u32 s9, $0xF7A;
	s5 =	simm.s32 @!p2 $0x0  }
0x1d: {  	s5 =	simm.s32 @p1 $0x1;
	p0 =	seq.s32 s7, s2  }
0x1e: {  	s7 =	smul.u32 @!p0 $0xF7A, s2;
	p2 =	seq.s32 @!p0 s5, $0x0  }
0x1f: {  	s9 =	smul.u32 $0xF7A, s1;
	s8 =	simm.s32 @!p0 $0x1BF5;
	p2 =	por !p2, p0  }
0x20: {  	[sflag:s8] =	ssyncset.s32 @!p0 $0xFFFFF086;
	s6 =	sadd.s32 @!p0 s3, s7;
	s7 =	simm.s32 @!p0 $0x108  }
0x21: {  	s3 =	sadd.s32 s3, s9;
	s6 =	sadd.s32 @!p0 $0x88, s6;
	s7 =	simm.s32 @p2 $0x1082  }
0x22: {  	[simem:s7], [sflag:s8] =	dma.local @!p0 [hbm:s6], $0xF7A  }
0x23: {  	s9 =	sor.u32 $0xD0000000, s2;
	s6 =	simm.s32 $0x108;
	_ =	swait.ge @!p0 [sflag:s8], $0x0  }
0x24: {  	s3 =	sadd.s32 $0x88, s3;
	s6 =	simm.s32 @!p1 $0x1082;
	[sflag:s4] =	ssyncset.s32 $0xFFFFF086  }
0x25: {  	[simem:s6], [sflag:s4] =	dma.local [hbm:s3], $0xF7A  }
0x26: {  	[smem:$0x3F95] =	sst s1;
	(tag) =	ssettag s2;
	_ =	strace s9  }
0x27: {  	s1 =	sld [smem:$0x3FA5]  }
0x28: {  	s2 =	sld [smem:$0x3FA6]  }
0x29: {  	s4 =	sld [smem:$0x3FA8]  }
0x2a: {  	p0 =	seq.s32 s5, $0x0;
	s5 =	sld [smem:$0x3FA9]  }
0x2b: {  	s6 =	sld [smem:$0x3FAA]  }
0x2c: {  	s7 =	sld [smem:$0x3FAB]  }
0x2d: {  	s3 =	simm.s32 $0x108;
	s8 =	sld [smem:$0x3FAC]  }
0x2e: {  	s3 =	simm.s32 @!p0 $0x1082;
	s9 =	sld [smem:$0x3FAD]  }
0x2f: {  	lr =	sadd.s32 s0, s3;
	s0 =	sld [smem:$0x3FA4]  }
0x30: {  	s3 =	sld [smem:$0x3FA7]  }
0x31: {  	[smem:$0x3FB0] =	sst s10  }
0x32: {  	s10 =	sld [smem:$0x3FAE];
	_ =	sdelay $0x3  }
0x33: {  	p0 =	seq.s32 s10, $0x1;
	s10 =	sld [smem:$0x3FB0];
	_ =	sdelay $0x3  }
0x34: {  	[smem:$0x3FB0] =	sst s10  }
0x35: {  	s10 =	sld [smem:$0x3FAF];
	_ =	sdelay $0x3  }
0x36: {  	p1 =	seq.s32 s10, $0x1;
	s10 =	sld [smem:$0x3FB0];
	_ =	sdelay $0x3  }
0x37: {  	[smem:$0x3FB0] =	sst s10  }
0x38: {  	s10 =	sld [smem:$0x3FB1]  }
0x39: {  	_ = 	snop;
	(pc) =	sbr.ind lr, $3  }
0x3a: {  	_ = 	snop  }
0x3b: {  	_ = 	snop  }
0x3c: {  	p2 =	seq.s32 s10, $0x1;
	s10 =	sld [smem:$0x3FB0]  }
0x3d: {  	_ =	shalt  }
0x3e: {  	_ =	shalt  }
0x3f: {  	_ =	shalt  }
0x40: {  	_ =	shalt  }
0x41: {  	_ =	shalt  }
0x42: {  	_ =	shalt  }
0x43: {  	_ =	shalt  }
0x44: {  	_ =	shalt  }
0x45: {  	_ =	shalt  }
0x46: {  	_ =	shalt  }
0x47: {  	_ =	shalt  }
0x48: {  	_ =	shalt  }
0x49: {  	_ =	shalt  }
0x4a: {  	_ =	shalt  }
0x4b: {  	_ =	shalt  }
0x4c: {  	_ =	shalt  }
0x4d: {  	_ =	shalt  }
0x4e: {  	_ =	shalt  }
0x4f: {  	_ =	shalt  }
0x50: {  	_ =	shalt  }
0x51: {  	_ =	shalt  }
0x52: {  	_ =	shalt  }
0x53: {  	_ =	shalt  }
0x54: {  	_ =	shalt  }
0x55: {  	_ =	shalt  }
0x56: {  	_ =	shalt  }
0x57: {  	_ =	shalt  }
0x58: {  	_ =	shalt  }
0x59: {  	_ =	shalt  }
0x5a: {  	_ =	shalt  }
0x5b: {  	_ =	shalt  }
0x5c: {  	_ =	shalt  }
0x5d: {  	_ =	shalt  }
0x5e: {  	_ =	shalt  }
0x5f: {  	_ =	shalt  }
0x60: {  	_ =	shalt  }
0x61: {  	_ =	shalt  }
0x62: {  	_ =	shalt  }
0x63: {  	_ =	shalt  }
0x64: {  	_ =	shalt  }
0x65: {  	_ =	shalt  }
0x66: {  	_ =	shalt  }
0x67: {  	_ =	shalt  }
0x68: {  	_ =	shalt  }
0x69: {  	_ =	shalt  }
0x6a: {  	_ =	shalt  }
0x6b: {  	_ =	shalt  }
0x6c: {  	_ =	shalt  }
0x6d: {  	_ =	shalt  }
0x6e: {  	_ =	shalt  }
0x6f: {  	_ =	shalt  }
0x70: {  	_ =	shalt  }
0x71: {  	_ =	shalt  }
0x72: {  	_ =	shalt  }
0x73: {  	_ =	shalt  }
0x74: {  	_ =	shalt  }
0x75: {  	_ =	shalt  }
0x76: {  	_ =	shalt  }
0x77: {  	_ =	shalt  }
0x78: {  	_ =	shalt  }
0x79: {  	_ =	shalt  }
0x7a: {  	_ =	shalt  }
0x7b: {  	_ =	shalt  }
0x7c: {  	_ =	shalt  }
0x7d: {  	_ =	shalt  }
0x7e: {  	_ =	shalt  }
0x7f: {  	_ =	shalt  }
0x80: {  	_ =	shalt  }
0x81: {  	_ =	shalt  }
0x82: {  	_ =	shalt  }
0x83: {  	_ =	shalt  }
0x84: {  	_ =	shalt  }
0x85: {  	_ =	shalt  }
0x86: {  	_ =	shalt  }
0x87: {  	_ =	shalt  }
.Lfunc_end0:
.L_simem_size_0:
called_computation_lowered:
.L_overlay_start_0:
0x88: {  	s2 =	sld [smem:$0x3FD9]  }
0x89: {  	s3 =	sld [smem:$0x3FFE];
	_ =	sdelay $0x1  }
0x8a: {  	s1 =	srdreg.scid  }
0x8b: {  	s0 =	sand.u32 $0x1, s1  }
0x8c: {  	s17 =	sshll.u32 s0, $0xA;
	s2 =	sadd.s32 s3, s2  }
0x8d: {  	s2 =	sadd.s32 s2, s17  }
0x8e: {  	[smem:$0x3FBC] =	sst s2  }
0x8f: {  	_ = 	snop  }
0x90: {  	s2 =	sld [smem:$0x3FD0];
	(tm) =	ssettm $0x1  }
0x91: {  	s18 =	sld [smem:$0x3FFB];
	_ =	sdelay $0x3  }
0x92: {  	_ =	strace s18  }
0x93: {  	s3 =	sld [smem:$0x3FFC];
	_ =	sdelay $0x3  }
0x94: {  	_ =	strace s3  }
0x95: {  	s3 =	sld [smem:$0x3FFD];
	_ =	sdelay $0x3  }
0x96: {  	_ =	strace s3  }
0x97: {  	_ =	strace $0x8FFFFFFF  }
0x98: {  	s19 =	sld [smem:$0x3FDB];
	_ =	sdelay $0x1  }
0x99: {  	s4 =	simm.s32 $_scs_section_size  }
0x9a: {  	s5 =	simm.s32 $_size__tile_overlayer_lowered;
	s6 =	simm.s32 $_tile_overlayer_lowered  }
0x9b: {  	s22 =	simm.s32 $0x1BFF;
	s21 =	sshll.u32 s6, $0x1;
	s3 =	sadd.s32 s4, s19  }
0x9c: {  	s7 =	simm.s32 $0x0;
	s20 =	sshll.u32 s5, $0x1;
	s5 =	sadd.s32 s21, s3  }
0x9d: {  	[timem:s7], [sflag:s22] =	dma.local [hbm:s5], s20  }
0x9e: {  	_ =	swait.ge [sflag:s22], s20  }
0x9f: {  	s4 =	ssub.s32 $0x0, s20;
	[sflag:s22] =	ssyncset.done $0x0  }
0xa0: {  	[sflag:s22] =	ssyncadd.s32 s4;
	_ =	sdelay $0x1  }
0xa1: {  	s23 =	simm.s32 $0x1B8B  }
0xa2: {  	_ =	swait.ge [sflag:s23], $0x1  }
0xa3: {  	[sflag:s23] =	ssyncset.done $0x0  }
0xa4: {  	s25 =	simm.s32 $0x1B8E;
	s24 =	sld [smem:$0x3FFE];
	[sflag:s23] =	ssyncadd.s32 $0xFFFFFFFF  }
0xa5: {  	s26 =	simm.s32 $execute0_lowered;
	[smem:$0x3FD2] =	sst s25  }
0xa6: {  	s5 =	sshll.u32 s26, $0x1;
	_ =	strace $0x80000046;
	[dreg:$0x1] =	wrdreg $0xFFFFFFFF  }
0xa7: {  	s28 =	simm.s32 $_size_execute0_lowered;
	s3 =	sadd.s32 s3, s5;
	[dreg:$0x0] =	wrdreg $0x0  }
0xa8: {  	s5 =	sshll.u32 s28, $0x1;
	[dreg:$0x2] =	wrdreg s3  }
0xa9: {  	[dreg:$0x3] =	wrdreg s5  }
0xaa: {  	[dreg:$0x4] =	wrdreg $0xC0  }
0xab: {  	_ =	task [dreg:s7], $0x5FFFF  }
0xac: {  	[dreg:$0x1] =	wrdreg $0xFFFFFFFF  }
0xad: {  	[dreg:$0x0] =	wrdreg $0x60  }
0xae: {  	[dreg:$0x2] =	wrdreg s2  }
0xaf: {  	[dreg:$0x3] =	wrdreg s24  }
0xb0: {  	[dreg:$0x4] =	wrdreg $0x68000  }
0xb1: {  	[dreg:$0x5] =	wrdreg $0x9  }
0xb2: {  	_ =	task.clear_ibuf [dreg:s7], $0x6FFFF;
	_ =	strace $0x90000046  }
0xb3: {  	s29 =	simm.s32 $0x9;
	_ =	strace $0x80000048  }
0xb4: {  	_ =	swait.ge [sflag:s29], $0x1  }
0xb5: {  	[sflag:s29] =	ssyncadd.s32 $0xFFFFFFFF  }
0xb6: {  	_ =	strace $0x90000048  }
0xb7: {  	_ =	sfence  }
0xb8: {  	s30 =	sld [smem:$0x0];
	_ =	sdelay $0x2  }
0xb9: {  	s31 =	sshll.u32 s1, $0xD;
	s1 =	sshrl.u32 s1, $0x2  }
0xba: {  	s3 =	sand.u32 $0x4000, s31;
	s1 =	sadd.s32 s1, s30  }
0xbb: {  	s0 =	sor.u32 s3, s0;
	s1 =	sshll.u32 s1, $0x11  }
0xbc: {  	s0 =	sor.u32 s1, s0  }
0xbd: {  	s0 =	sadd.s32 $0x8F2B, s0  }
0xbe: {  	[sflag:s0] =	ssyncadd.remote.s32 $0x1  }
0xbf: {  	_ =	sfence.sel $0xFFFF  }
0xc0: {  	[dreg:$0x0] =	wrdreg $0xFFFFFFFF;
	(pc) =	sbr.abs _section_cstart, $3  }
0xc1: {  	[dreg:$0x1] =	wrdreg $0xFFFFFFFF  }
0xc2: {  	_ =	task.clear_ibuf [dreg:s7], $0x2FFFF;
	_ =	strace $0x9FFFFFFF  }
0xc3: {  	(tm) =	ssettm $0x7FFFFFFF  }
tec
execute0_lowered:
.L_overlay_start_1:
0x0: {  	(tag) =	ssettag $0x1  }
0x1: {  	s5 =	rddreg [dreg:$0x0]  }
0x2: {  	s6 =	rddreg [dreg:$0x1]  }
0x3: {  	s2 =	rddreg [dreg:$0x2]  }
0x4: {  	s0 =	rddreg [dreg:$0x3];
	s1 =	stileid.u32  }
0x5: {  	s4 =	srdreg.scid;
	s3 =	simm.s32 $0x0;
	s13 =	simm.s32 $0x50  }
0x6: {  	s14 =	simm.s32 $0x0;
	s7 =	smul.u32 $0x14000, s1;
	s8 =	sand.u32 $0x1, s4  }
0x7: {  	[smem:$0x7FF] =	sst s3;
	s4 =	sadd.s32 $0x29200, s6;
	s12 =	smul.u32 $0x50000, s1  }
0x8: {  	s29 =	sshll.u32 s1, $0xC;
	s31 =	sshll.u32 s1, $0x6;
	s9 =	smul.u32 $0x140000, s8  }
0x9: {  	_ =	strace $0x80000047;
	s26 =	ssub.s32 $0x2, s8;
	s28 =	sshll.u32 s8, $0xB  }
0xa: {  	s10 =	sshrl.u32 s7, $0x3;
	s11 =	sshrl.u32 s26, $0x1;
	s5 =	sadd.s32 s5, s28  }
0xb: {  	s30 =	sshrl.u32 s12, $0x2;
	s10 =	sadd.s32 s10, s6;
	s7 =	sadd.s32 s7, s9  }
0xc: {  	s9 =	ssub.s32 s26, s11;
	s5 =	sadd.s32 s29, s5;
	s12 =	sadd.s32 s30, s2  }
0xd: {  	s11 =	sor.u32 $0x1C01, s31;
	s7 =	sshrl.u32 s7, $0x3;
	s8 =	smax.u32 s9, $0x1  }
0xe: {  	s9 =	simm.s32 $0x1;
	s12 =	sshrl.u32 s12, $0x3;
	s7 =	sadd.s32 s7, s6  }
0xf: {  	s6 =	sadd.s32 $0x1200, s10;
	s10 =	simm.s32 $0x4000;
	s7 =	sadd.s32 $0x29800, s7  }
.LBB2_1:
0x10: {  	[tilespmem:s3], [sflag:$0x1] =	stream.linear.gather [hbm4b:s5+s3], $0x4000, $0x38;
	[tilespmem:$0x1A800] =	vst v63  }
0x11: {  	_ =	swait.ge [sflag:s9], $0x4000  }
0x12: {  	[sflag:s9] =	ssyncset.done $0x0  }
0x13: {  	[sflag:s9] =	ssyncadd.s32 $0xFFFFC000  }
0x14: {  	[tilespmem:s10], [sflag:$0x1] =	stream.linear.gather [hbm4b:s4+s3], $0x2800, $0x38;
	[tilespmem:$0x1A800] =	vst v63  }
0x15: {  	_ =	swait.ge [sflag:s9], $0x2800  }
0x16: {  	[sflag:s9] =	ssyncset.done $0x0  }
0x17: {  	[sflag:s9] =	ssyncadd.s32 $0xFFFFD800  }
0x18: {  	[spmem:s12], [sflag:s11] =	dma.local [hbm:s6], $0x2800  }
0x19: {  	_ =	swait.ge [sflag:s9], $0x2800  }
0x1a: {  	[sflag:s9] =	ssyncset.done $0x0  }
0x1b: {  	[sflag:s9] =	ssyncadd.s32 $0xFFFFD800  }
0x1c: {  	s15 =	simm.s32 $0x0;
	[bflag:$0x0] =	sbarrier.arrive $0xFFFF  }
0x1d: {  	[spmem:s2] =	stream.indirect.scatter.add.f32 [tilespmem:s10], [sflag:$0x1], $0x80, s15, s13, $0xb8;
	[tilespmem:$0x1A800] =	vst v63  }
0x1e: {  	_ =	swait.ge [sflag:s9], $0x2800  }
0x1f: {  	s15 =	simm.s32 $0x200;
	[sflag:s9] =	ssyncset.done $0x0  }
.LBB2_2:
0x20: {  	s16 =	sshra.s32 s15, $0x2;
	[sflag:s9] =	ssyncadd.s32 $0xFFFFD800;
	p0 =	sne.s32 s15, $0xFE00  }
0x21: {  	[spmem:s2] =	stream.indirect.scatter.add.f32 [tilespmem:s10], [sflag:$0x1], $0x80, s16, s13, $0xb8;
	[tilespmem:$0x1A800] =	vst v63  }
.Ltmp0:
0x22: {  	_ = 	snop;
	(pc) =	sbr.rel @p0 .LBB2_2-.Ltmp0, $4  }
0x23: {  	_ = 	snop  }
0x24: {  	s15 =	sadd.s32 $0x200, s15  }
0x25: {  	_ =	swait.ge [sflag:s9], $0x2800  }
0x26: {  	[sflag:s9] =	ssyncset.done $0x0  }
0x27: {  	s14 =	sadd.s32 $0x1, s14  }
0x28: {  	[sflag:s9] =	ssyncadd.s32 $0xFFFFD800;
	p0 =	sne.s32 s14, s8  }
.Ltmp1:
0x29: {  	[bflag:$0x0] =	sbarrier.arrive $0xFFFF;
	(pc) =	sbr.rel @p0 .LBB2_1-.Ltmp1, $4  }
0x2a: {  	[hbm:s7], [sflag:s11] =	dma.local [spmem:s12], $0x2800  }
0x2b: {  	_ =	swait.ge [sflag:s9], $0x2800  }
0x2c: {  	[sflag:s9] =	ssyncset.done $0x0  }
0x2d: {  	[sflag:s9] =	ssyncadd.s32 $0xFFFFD800  }
0x2e: {  	_ =	sfence.sel $0x180000  }
0x2f: {  	[bflag:$0x0] =	sbarrier.arrive $0xFFFF  }
0x30: {  	p0 =	sne.s32 s1, $0x0;
	_ =	strace $0x90000047  }
0x31: {  	s0 =	sadd.s32 @!p0 $0x100000, s0;
	[bflag:$0x2] =	sbarrier.arrive $0xFFFF  }
0x32: {  	[sflag:s0] =	ssyncadd.tile.s32 @!p0 $0x1;
	_ =	shalt  }
.Lfunc_end2:
_tile_overlayer_lowered:
.L_overlay_start_2:
0x33: {  	(tag) =	ssettag $0x2  }
0x34: {  	s0 =	rddreg [dreg:$0x0];
	s2 =	stileid.u32  }
0x35: {  	s1 =	rddreg [dreg:$0x1];
	p0 =	sne.s32 s2, $0x0  }
0x36: {  	s3 =	rddreg [dreg:$0x2];
	[bflag:$0x3] =	sbarrier.arrive $0xFFFF;
	s2 =	simm.s32 @!p0 $0x1C01  }
0x37: {  	[timem:s3], [sflag:s2] =	dma.local @!p0 [hbm:s0], s1  }
0x38: {  	s0 =	simm.s32 @!p0 $0x1  }
0x39: {  	_ =	swait.ge @!p0 [sflag:s0], s1  }
0x3a: {  	s1 =	ssub.s32 @!p0 $0x0, s1;
	[sflag:s0] =	ssyncset.done @!p0 $0x0  }
0x3b: {  	[sflag:s0] =	ssyncadd.s32 @!p0 s1  }
0x3c: {  	[bflag:$0x3] =	sbarrier.arrive $0xFFFF  }
0x3d: {  	_ =	shalt  }

// kernel: kernel.14.cloned.1.call-start
scs
__scs_entry_jumppad:
0x0: {  	(pc) =	sbr.rel $0x88, $3  }
0x1: {  	(tag) =	ssettag $0x0;
	lr =	simm.s32 $0x1  }
0x2: {  	[smem:$0x3F95] =	sst lr;
	_ =	strace $0xD0000000  }
0x3: {  	_ = 	snop  }
0x4: {  	_ = 	snop  }
0x5: {  	_ = 	snop  }
0x6: {  	_ = 	snop  }
0x7: {  	_ = 	snop  }
__scs_overlays_trampoline_lowered:
0x8: {  	[smem:$0x3FA4] =	sst s0  }
0x9: {  	[smem:$0x3FA5] =	sst s1  }
0xa: {  	[smem:$0x3FA6] =	sst s2  }
0xb: {  	[smem:$0x3FA7] =	sst s3  }
0xc: {  	[smem:$0x3FA8] =	sst s4  }
0xd: {  	[smem:$0x3FA9] =	sst s5  }
0xe: {  	[smem:$0x3FAA] =	sst s6  }
0xf: {  	[smem:$0x3FAB] =	sst s7  }
0x10: {  	[smem:$0x3FAC] =	sst s8  }
0x11: {  	[smem:$0x3FAD] =	sst s9;
	s0 =	simm.s32 @!p0 $0x0  }
0x12: {  	s1 =	sld [smem:$0x3F93];
	s0 =	simm.s32 @p0 $0x1  }
0x13: {  	[smem:$0x3FAE] =	sst s0;
	s0 =	simm.s32 @!p1 $0x0  }
0x14: {  	s2 =	sld [smem:$0x3F92];
	s0 =	simm.s32 @p1 $0x1  }
0x15: {  	[smem:$0x3FAF] =	sst s0;
	s0 =	simm.s32 @!p2 $0x0  }
0x16: {  	s3 =	sld [smem:$0x3FDB];
	s0 =	simm.s32 @p2 $0x1  }
0x17: {  	s4 =	simm.s32 $0x1BF5;
	[smem:$0x3FB1] =	sst s0  }
0x18: {  	s0 =	sld [smem:$0x3F94];
	_ =	swait.ge [sflag:s4], $0x0  }
0x19: {  	s7 =	sld [smem:$0x3F95]  }
0x1a: {  	s8 =	sadd.s32 $0xFFFFE003, lr  }
0x1b: {  	s9 =	sadd.s32 $0xFFFFFEF7, lr;
	s5 =	simm.s32 $0xFFFFFFFF;
	p2 =	slt.u32 s8, $0xFFFFF086  }
0x1c: {  	p1 =	slt.u32 s9, $0xF7A;
	s5 =	simm.s32 @!p2 $0x0  }
0x1d: {  	s5 =	simm.s32 @p1 $0x1;
	p0 =	seq.s32 s7, s2  }
0x1e: {  	s7 =	smul.u32 @!p0 $0xF7A, s2;
	p2 =	seq.s32 @!p0 s5, $0x0  }
0x1f: {  	s9 =	smul.u32 $0xF7A, s1;
	s8 =	simm.s32 @!p0 $0x1BF5;
	p2 =	por !p2, p0  }
0x20: {  	[sflag:s8] =	ssyncset.s32 @!p0 $0xFFFFF086;
	s6 =	sadd.s32 @!p0 s3, s7;
	s7 =	simm.s32 @!p0 $0x108  }
0x21: {  	s3 =	sadd.s32 s3, s9;
	s6 =	sadd.s32 @!p0 $0x88, s6;
	s7 =	simm.s32 @p2 $0x1082  }
0x22: {  	[simem:s7], [sflag:s8] =	dma.local @!p0 [hbm:s6], $0xF7A  }
0x23: {  	s9 =	sor.u32 $0xD0000000, s2;
	s6 =	simm.s32 $0x108;
	_ =	swait.ge @!p0 [sflag:s8], $0x0  }
0x24: {  	s3 =	sadd.s32 $0x88, s3;
	s6 =	simm.s32 @!p1 $0x1082;
	[sflag:s4] =	ssyncset.s32 $0xFFFFF086  }
0x25: {  	[simem:s6], [sflag:s4] =	dma.local [hbm:s3], $0xF7A  }
0x26: {  	[smem:$0x3F95] =	sst s1;
	(tag) =	ssettag s2;
	_ =	strace s9  }
0x27: {  	s1 =	sld [smem:$0x3FA5]  }
0x28: {  	s2 =	sld [smem:$0x3FA6]  }
0x29: {  	s4 =	sld [smem:$0x3FA8]  }
0x2a: {  	p0 =	seq.s32 s5, $0x0;
	s5 =	sld [smem:$0x3FA9]  }
0x2b: {  	s6 =	sld [smem:$0x3FAA]  }
0x2c: {  	s7 =	sld [smem:$0x3FAB]  }
0x2d: {  	s3 =	simm.s32 $0x108;
	s8 =	sld [smem:$0x3FAC]  }
0x2e: {  	s3 =	simm.s32 @!p0 $0x1082;
	s9 =	sld [smem:$0x3FAD]  }
0x2f: {  	lr =	sadd.s32 s0, s3;
	s0 =	sld [smem:$0x3FA4]  }
0x30: {  	s3 =	sld [smem:$0x3FA7]  }
0x31: {  	[smem:$0x3FB0] =	sst s10  }
0x32: {  	s10 =	sld [smem:$0x3FAE];
	_ =	sdelay $0x3  }
0x33: {  	p0 =	seq.s32 s10, $0x1;
	s10 =	sld [smem:$0x3FB0];
	_ =	sdelay $0x3  }
0x34: {  	[smem:$0x3FB0] =	sst s10  }
0x35: {  	s10 =	sld [smem:$0x3FAF];
	_ =	sdelay $0x3  }
0x36: {  	p1 =	seq.s32 s10, $0x1;
	s10 =	sld [smem:$0x3FB0];
	_ =	sdelay $0x3  }
0x37: {  	[smem:$0x3FB0] =	sst s10  }
0x38: {  	s10 =	sld [smem:$0x3FB1]  }
0x39: {  	_ = 	snop;
	(pc) =	sbr.ind lr, $3  }
0x3a: {  	_ = 	snop  }
0x3b: {  	_ = 	snop  }
0x3c: {  	p2 =	seq.s32 s10, $0x1;
	s10 =	sld [smem:$0x3FB0]  }
0x3d: {  	_ =	shalt  }
0x3e: {  	_ =	shalt  }
0x3f: {  	_ =	shalt  }
0x40: {  	_ =	shalt  }
0x41: {  	_ =	shalt  }
0x42: {  	_ =	shalt  }
0x43: {  	_ =	shalt  }
0x44: {  	_ =	shalt  }
0x45: {  	_ =	shalt  }
0x46: {  	_ =	shalt  }
0x47: {  	_ =	shalt  }
0x48: {  	_ =	shalt  }
0x49: {  	_ =	shalt  }
0x4a: {  	_ =	shalt  }
0x4b: {  	_ =	shalt  }
0x4c: {  	_ =	shalt  }
0x4d: {  	_ =	shalt  }
0x4e: {  	_ =	shalt  }
0x4f: {  	_ =	shalt  }
0x50: {  	_ =	shalt  }
0x51: {  	_ =	shalt  }
0x52: {  	_ =	shalt  }
0x53: {  	_ =	shalt  }
0x54: {  	_ =	shalt  }
0x55: {  	_ =	shalt  }
0x56: {  	_ =	shalt  }
0x57: {  	_ =	shalt  }
0x58: {  	_ =	shalt  }
0x59: {  	_ =	shalt  }
0x5a: {  	_ =	shalt  }
0x5b: {  	_ =	shalt  }
0x5c: {  	_ =	shalt  }
0x5d: {  	_ =	shalt  }
0x5e: {  	_ =	shalt  }
0x5f: {  	_ =	shalt  }
0x60: {  	_ =	shalt  }
0x61: {  	_ =	shalt  }
0x62: {  	_ =	shalt  }
0x63: {  	_ =	shalt  }
0x64: {  	_ =	shalt  }
0x65: {  	_ =	shalt  }
0x66: {  	_ =	shalt  }
0x67: {  	_ =	shalt  }
0x68: {  	_ =	shalt  }
0x69: {  	_ =	shalt  }
0x6a: {  	_ =	shalt  }
0x6b: {  	_ =	shalt  }
0x6c: {  	_ =	shalt  }
0x6d: {  	_ =	shalt  }
0x6e: {  	_ =	shalt  }
0x6f: {  	_ =	shalt  }
0x70: {  	_ =	shalt  }
0x71: {  	_ =	shalt  }
0x72: {  	_ =	shalt  }
0x73: {  	_ =	shalt  }
0x74: {  	_ =	shalt  }
0x75: {  	_ =	shalt  }
0x76: {  	_ =	shalt  }
0x77: {  	_ =	shalt  }
0x78: {  	_ =	shalt  }
0x79: {  	_ =	shalt  }
0x7a: {  	_ =	shalt  }
0x7b: {  	_ =	shalt  }
0x7c: {  	_ =	shalt  }
0x7d: {  	_ =	shalt  }
0x7e: {  	_ =	shalt  }
0x7f: {  	_ =	shalt  }
0x80: {  	_ =	shalt  }
0x81: {  	_ =	shalt  }
0x82: {  	_ =	shalt  }
0x83: {  	_ =	shalt  }
0x84: {  	_ =	shalt  }
0x85: {  	_ =	shalt  }
0x86: {  	_ =	shalt  }
0x87: {  	_ =	shalt  }
.Lfunc_end0:
.L_simem_size_0:
called_computation.1_lowered:
.L_overlay_start_0:
0x88: {  	s2 =	sld [smem:$0x3FD9]  }
0x89: {  	s3 =	sld [smem:$0x3FFE];
	_ =	sdelay $0x1  }
0x8a: {  	s1 =	srdreg.scid  }
0x8b: {  	s0 =	sand.u32 $0x1, s1  }
0x8c: {  	s17 =	sshll.u32 s0, $0xA;
	s2 =	sadd.s32 s3, s2  }
0x8d: {  	s2 =	sadd.s32 s2, s17  }
0x8e: {  	[smem:$0x3FBC] =	sst s2  }
0x8f: {  	_ = 	snop  }
0x90: {  	s2 =	sld [smem:$0x3FD0];
	(tm) =	ssettm $0x1  }
0x91: {  	s18 =	sld [smem:$0x3FFB];
	_ =	sdelay $0x3  }
0x92: {  	_ =	strace s18  }
0x93: {  	s3 =	sld [smem:$0x3FFC];
	_ =	sdelay $0x3  }
0x94: {  	_ =	strace s3  }
0x95: {  	s3 =	sld [smem:$0x3FFD];
	_ =	sdelay $0x3  }
0x96: {  	_ =	strace s3  }
0x97: {  	_ =	strace $0x8FFFFFFF  }
0x98: {  	s19 =	sld [smem:$0x3FDB];
	_ =	sdelay $0x1  }
0x99: {  	s4 =	simm.s32 $_scs_section_size  }
0x9a: {  	s5 =	simm.s32 $_size__tile_overlayer_lowered;
	s6 =	simm.s32 $_tile_overlayer_lowered  }
0x9b: {  	s22 =	simm.s32 $0x1BFF;
	s21 =	sshll.u32 s6, $0x1;
	s3 =	sadd.s32 s4, s19  }
0x9c: {  	s7 =	simm.s32 $0x0;
	s20 =	sshll.u32 s5, $0x1;
	s5 =	sadd.s32 s21, s3  }
0x9d: {  	[timem:s7], [sflag:s22] =	dma.local [hbm:s5], s20  }
0x9e: {  	_ =	swait.ge [sflag:s22], s20  }
0x9f: {  	s4 =	ssub.s32 $0x0, s20;
	[sflag:s22] =	ssyncset.done $0x0  }
0xa0: {  	[sflag:s22] =	ssyncadd.s32 s4;
	_ =	sdelay $0x1  }
0xa1: {  	s23 =	simm.s32 $0x1B8B  }
0xa2: {  	_ =	swait.ge [sflag:s23], $0x1  }
0xa3: {  	[sflag:s23] =	ssyncset.done $0x0  }
0xa4: {  	s25 =	simm.s32 $0x1B8E;
	s24 =	sld [smem:$0x3FFE];
	[sflag:s23] =	ssyncadd.s32 $0xFFFFFFFF  }
0xa5: {  	s26 =	simm.s32 $execute0_lowered;
	[smem:$0x3FD2] =	sst s25  }
0xa6: {  	s5 =	sshll.u32 s26, $0x1;
	_ =	strace $0x80000049;
	[dreg:$0x1] =	wrdreg $0xFFFFFFFF  }
0xa7: {  	s28 =	simm.s32 $_size_execute0_lowered;
	s3 =	sadd.s32 s3, s5;
	[dreg:$0x0] =	wrdreg $0x0  }
0xa8: {  	s5 =	sshll.u32 s28, $0x1;
	[dreg:$0x2] =	wrdreg s3  }
0xa9: {  	[dreg:$0x3] =	wrdreg s5  }
0xaa: {  	[dreg:$0x4] =	wrdreg $0xC0  }
0xab: {  	_ =	task [dreg:s7], $0x5FFFF  }
0xac: {  	[dreg:$0x1] =	wrdreg $0xFFFFFFFF  }
0xad: {  	[dreg:$0x0] =	wrdreg $0x60  }
0xae: {  	[dreg:$0x2] =	wrdreg s24  }
0xaf: {  	[dreg:$0x3] =	wrdreg s2  }
0xb0: {  	[dreg:$0x4] =	wrdreg $0x60000  }
0xb1: {  	[dreg:$0x5] =	wrdreg $0x9  }
0xb2: {  	_ =	task.clear_ibuf [dreg:s7], $0x6FFFF;
	_ =	strace $0x90000049  }
0xb3: {  	s29 =	simm.s32 $0x9;
	_ =	strace $0x8000004B  }
0xb4: {  	_ =	swait.ge [sflag:s29], $0x1  }
0xb5: {  	[sflag:s29] =	ssyncadd.s32 $0xFFFFFFFF  }
0xb6: {  	_ =	strace $0x9000004B  }
0xb7: {  	_ =	sfence  }
0xb8: {  	s30 =	sld [smem:$0x0];
	_ =	sdelay $0x2  }
0xb9: {  	s31 =	sshll.u32 s1, $0xD;
	s1 =	sshrl.u32 s1, $0x2  }
0xba: {  	s3 =	sand.u32 $0x4000, s31;
	s1 =	sadd.s32 s1, s30  }
0xbb: {  	s0 =	sor.u32 s3, s0;
	s1 =	sshll.u32 s1, $0x11  }
0xbc: {  	s0 =	sor.u32 s1, s0  }
0xbd: {  	s0 =	sadd.s32 $0x8F2B, s0  }
0xbe: {  	[sflag:s0] =	ssyncadd.remote.s32 $0x1  }
0xbf: {  	_ =	sfence.sel $0xFFFF  }
0xc0: {  	[dreg:$0x0] =	wrdreg $0xFFFFFFFF;
	(pc) =	sbr.abs _section_cstart, $3  }
0xc1: {  	[dreg:$0x1] =	wrdreg $0xFFFFFFFF  }
0xc2: {  	_ =	task.clear_ibuf [dreg:s7], $0x2FFFF;
	_ =	strace $0x9FFFFFFF  }
0xc3: {  	(tm) =	ssettm $0x7FFFFFFF  }
tec
execute0_lowered:
.L_overlay_start_1:
0x0: {  	(tag) =	ssettag $0x1  }
0x1: {  	s0 =	rddreg [dreg:$0x0]  }
0x2: {  	s1 =	rddreg [dreg:$0x1];
	s12 =	stileid.u32  }
0x3: {  	s3 =	srdreg.scid;
	s2 =	rddreg [dreg:$0x2];
	s13 =	simm.s32 $0x100  }
0x4: {  	s14 =	simm.s32 $0x880;
	s16 =	simm.s32 $0x180;
	s17 =	simm.s32 $0x900  }
0x5: {  	s18 =	simm.s32 $0x200;
	s20 =	simm.s32 $0x980;
	s21 =	simm.s32 $0x280  }
0x6: {  	s22 =	simm.s32 $0xA00;
	s23 =	simm.s32 $0x300;
	s24 =	simm.s32 $0xA80  }
0x7: {  	s28 =	simm.s32 $0x680;
	s29 =	simm.s32 $0xE00;
	s30 =	simm.s32 $0x700  }
0x8: {  	s31 =	simm.s32 $0xE80;
	s5 =	sand.u32 $0x1, s3;
	s3 =	simm.s32 $0x0  }
0x9: {  	s6 =	smul.u32 $0x14000, s12;
	s4 =	sadd.s32 $0x79800, s0;
	[smem:$0x7FF] =	sst s3  }
0xa: {  	s8 =	sshll.u32 s12, $0xC;
	_ =	strace $0x8000004A;
	[dreg:$0x7] =	wrdreg s13  }
0xb: {  	s11 =	smul.u32 $0x50000, s12;
	s15 =	sshll.u32 s12, $0x6;
	[dreg:$0x8] =	wrdreg s14  }
0xc: {  	s12 =	simm.s32 $0x50;
	s7 =	smul.u32 $0x140000, s5;
	[dreg:$0x9] =	wrdreg s16  }
0xd: {  	s9 =	ssub.s32 $0x2, s5;
	s10 =	sadd.s32 s8, s0;
	[dreg:$0xa] =	wrdreg s17  }
0xe: {  	s5 =	sshll.u32 s5, $0xB;
	s1 =	sadd.s32 s8, s1;
	[dreg:$0xb] =	wrdreg s18  }
0xf: {  	s8 =	sor.u32 $0x1C03, s15;
	s15 =	simm.s32 $0x1;
	[dreg:$0xc] =	wrdreg s20  }
0x10: {  	s25 =	sshrl.u32 s9, $0x1;
	s1 =	sadd.s32 s5, s1;
	[dreg:$0xd] =	wrdreg s21  }
0x11: {  	s5 =	sadd.s32 s5, s10;
	s26 =	sshrl.u32 s11, $0x2;
	[dreg:$0xe] =	wrdreg s22  }
0x12: {  	s11 =	simm.s32 $0x80;
	[dreg:$0xf] =	wrdreg s23;
	s13 =	simm.s32 $0x1000  }
0x13: {  	[dreg:$0x10] =	wrdreg s24;
	s14 =	simm.s32 $0x3800;
	s16 =	simm.s32 $0x2  }
0x14: {  	s17 =	simm.s32 $0x400;
	s18 =	simm.s32 $0xB80;
	s20 =	simm.s32 $0xC00  }
0x15: {  	s21 =	simm.s32 $0x500;
	s22 =	simm.s32 $0xC80;
	s23 =	simm.s32 $0x580  }
0x16: {  	s24 =	simm.s32 $0xD00;
	[dreg:$0x14] =	wrdreg s8;
	s7 =	sadd.s32 s6, s7  }
0x17: {  	[dreg:$0x4] =	wrdreg s1;
	s10 =	sadd.s32 s26, s2;
	s6 =	sshrl.u32 s6, $0x3  }
0x18: {  	[dreg:$0x6] =	wrdreg s11;
	s11 =	simm.s32 $0x800;
	s26 =	simm.s32 $0xB00  }
0x19: {  	s1 =	simm.s32 $0x780;
	s7 =	sshrl.u32 s7, $0x3;
	s6 =	sadd.s32 s4, s6  }
0x1a: {  	[dreg:$0x12] =	wrdreg s26;
	s26 =	simm.s32 $0xD80;
	s0 =	sadd.s32 s7, s0  }
0x1b: {  	s7 =	ssub.s32 s9, s25;
	s9 =	sadd.s32 $0xA1800, s5;
	[dreg:$0x13] =	wrdreg s6  }
0x1c: {  	s25 =	simm.s32 $0x380;
	s5 =	simm.s32 $0xF80;
	[dreg:$0x5] =	wrdreg s9  }
0x1d: {  	s0 =	sadd.s32 $0x29200, s0;
	s19 =	smax.u32 s7, $0x1;
	[dreg:$0x11] =	wrdreg s25  }
0x1e: {  	s7 =	sshrl.u32 s10, $0x3;
	s10 =	simm.s32 $0x3;
	[dreg:$0x15] =	wrdreg s0  }
0x1f: {  	s25 =	simm.s32 $0x600;
	s9 =	simm.s32 $0x0;
	[dreg:$0x16] =	wrdreg s19  }
0x20: {  	s19 =	simm.s32 $0x480;
	s0 =	simm.s32 $0xF00;
	[dreg:$0x17] =	wrdreg s7  }
.LBB2_1:
0x21: {  	[dreg:$0x18] =	wrdreg s9  }
0x22: {  	s6 =	rddreg [dreg:$0x13]  }
0x23: {  	[spmem:s7], [sflag:s8] =	dma.local [hbm:s6], $0x2800  }
0x24: {  	_ =	swait.ge [sflag:s10], $0x2800  }
0x25: {  	[sflag:s10] =	ssyncset.done $0x0  }
0x26: {  	[sflag:s10] =	ssyncadd.s32 $0xFFFFD800  }
0x27: {  	[bflag:$0x0] =	sbarrier.arrive $0xFFFF  }
0x28: {  	s7 =	rddreg [dreg:$0x5]  }
0x29: {  	s6 =	sadd.s32 $0x0, s7  }
0x2a: {  	[tilespmem:s3], [sflag:$0x3] =	stream.linear.gather [hbm4b:s6+s3], $0x800, $0x38;
	[tilespmem:$0x1A000] =	vst v63  }
0x2b: {  	_ =	swait.ge [sflag:s10], $0x800  }
0x2c: {  	s8 =	rddreg [dreg:$0x4];
	[sflag:s10] =	ssyncset.done $0x0  }
0x2d: {  	[sflag:s10] =	ssyncadd.s32 $0xFFFFF800;
	s6 =	sadd.s32 $0x0, s8  }
0x2e: {  	[tilespmem:s11], [sflag:$0x3] =	stream.linear.gather [hbm4b:s6+s3], $0x800, $0x38;
	[tilespmem:$0x1A000] =	vst v63  }
0x2f: {  	_ =	swait.ge [sflag:s10], $0x800  }
0x30: {  	[sflag:s10] =	ssyncset.done $0x0  }
0x31: {  	[sflag:s10] =	ssyncadd.s32 $0xFFFFF800  }
0x32: {  	[tilespmem:s13], [sflag:$0x1] =	stream.indirect.gather [hbm4b:s4+s12], $0x80, s3, s12, $0xb8;
	[tilespmem:$0x1A000] =	vst v63  }
0x33: {  	s9 =	rddreg [dreg:$0x6]  }
0x34: {  	[tilespmem:s14], [sflag:$0x2] =	stream.indirect.gather [hbm4b:s4+s12], $0x80, s9, s12, $0xb8;
	[tilespmem:$0x1A000] =	vst v63  }
0x35: {  	_ =	swait.ge [sflag:s15], $0x2800  }
0x36: {  	[sflag:s15] =	ssyncset.done $0x0  }
0x37: {  	[sflag:s15] =	ssyncadd.s32 $0xFFFFD800  }
0x38: {  	[spmem:s2] =	stream.indirect.scatter.add.f32 [tilespmem:s13], [sflag:$0x3], $0x80, s11, s12, $0xb8;
	[tilespmem:$0x1A000] =	vst v63  }
0x39: {  	_ =	swait.ge [sflag:s10], $0x2800  }
0x3a: {  	[sflag:s10] =	ssyncset.done $0x0  }
0x3b: {  	s7 =	rddreg [dreg:$0x7];
	[sflag:s10] =	ssyncadd.s32 $0xFFFFD800  }
0x3c: {  	[tilespmem:s13], [sflag:$0x1] =	stream.indirect.gather [hbm4b:s4+s12], $0x80, s7, s12, $0xb8;
	[tilespmem:$0x1A000] =	vst v63  }
0x3d: {  	_ =	swait.ge [sflag:s16], $0x2800  }
0x3e: {  	[sflag:s16] =	ssyncset.done $0x0  }
0x3f: {  	s8 =	rddreg [dreg:$0x8];
	[sflag:s16] =	ssyncadd.s32 $0xFFFFD800  }
0x40: {  	[spmem:s2] =	stream.indirect.scatter.add.f32 [tilespmem:s14], [sflag:$0x3], $0x80, s8, s12, $0xb8;
	[tilespmem:$0x1A000] =	vst v63  }
0x41: {  	_ =	swait.ge [sflag:s10], $0x2800  }
0x42: {  	[sflag:s10] =	ssyncset.done $0x0  }
0x43: {  	s9 =	rddreg [dreg:$0x9];
	[sflag:s10] =	ssyncadd.s32 $0xFFFFD800  }
0x44: {  	[tilespmem:s14], [sflag:$0x2] =	stream.indirect.gather [hbm4b:s4+s12], $0x80, s9, s12, $0xb8;
	[tilespmem:$0x1A000] =	vst v63  }
0x45: {  	_ =	swait.ge [sflag:s15], $0x2800  }
0x46: {  	[sflag:s15] =	ssyncset.done $0x0  }
0x47: {  	s7 =	rddreg [dreg:$0xa];
	[sflag:s15] =	ssyncadd.s32 $0xFFFFD800  }
0x48: {  	[spmem:s2] =	stream.indirect.scatter.add.f32 [tilespmem:s13], [sflag:$0x3], $0x80, s7, s12, $0xb8;
	[tilespmem:$0x1A000] =	vst v63  }
0x49: {  	_ =	swait.ge [sflag:s10], $0x2800  }
0x4a: {  	[sflag:s10] =	ssyncset.done $0x0  }
0x4b: {  	s8 =	rddreg [dreg:$0xb];
	[sflag:s10] =	ssyncadd.s32 $0xFFFFD800  }
0x4c: {  	[tilespmem:s13], [sflag:$0x1] =	stream.indirect.gather [hbm4b:s4+s12], $0x80, s8, s12, $0xb8;
	[tilespmem:$0x1A000] =	vst v63  }
0x4d: {  	_ =	swait.ge [sflag:s16], $0x2800  }
0x4e: {  	[sflag:s16] =	ssyncset.done $0x0  }
0x4f: {  	s9 =	rddreg [dreg:$0xc];
	[sflag:s16] =	ssyncadd.s32 $0xFFFFD800  }
0x50: {  	[spmem:s2] =	stream.indirect.scatter.add.f32 [tilespmem:s14], [sflag:$0x3], $0x80, s9, s12, $0xb8;
	[tilespmem:$0x1A000] =	vst v63  }
0x51: {  	_ =	swait.ge [sflag:s10], $0x2800  }
0x52: {  	[sflag:s10] =	ssyncset.done $0x0  }
0x53: {  	s7 =	rddreg [dreg:$0xd];
	[sflag:s10] =	ssyncadd.s32 $0xFFFFD800  }
0x54: {  	[tilespmem:s14], [sflag:$0x2] =	stream.indirect.gather [hbm4b:s4+s12], $0x80, s7, s12, $0xb8;
	[tilespmem:$0x1A000] =	vst v63  }
0x55: {  	_ =	swait.ge [sflag:s15], $0x2800  }
0x56: {  	[sflag:s15] =	ssyncset.done $0x0  }
0x57: {  	s8 =	rddreg [dreg:$0xe];
	[sflag:s15] =	ssyncadd.s32 $0xFFFFD800  }
0x58: {  	[spmem:s2] =	stream.indirect.scatter.add.f32 [tilespmem:s13], [sflag:$0x3], $0x80, s8, s12, $0xb8;
	[tilespmem:$0x1A000] =	vst v63  }
0x59: {  	_ =	swait.ge [sflag:s10], $0x2800  }
0x5a: {  	[sflag:s10] =	ssyncset.done $0x0  }
0x5b: {  	s9 =	rddreg [dreg:$0xf];
	[sflag:s10] =	ssyncadd.s32 $0xFFFFD800  }
0x5c: {  	[tilespmem:s13], [sflag:$0x1] =	stream.indirect.gather [hbm4b:s4+s12], $0x80, s9, s12, $0xb8;
	[tilespmem:$0x1A000] =	vst v63  }
0x5d: {  	_ =	swait.ge [sflag:s16], $0x2800  }
0x5e: {  	[sflag:s16] =	ssyncset.done $0x0  }
0x5f: {  	s7 =	rddreg [dreg:$0x10];
	[sflag:s16] =	ssyncadd.s32 $0xFFFFD800  }
0x60: {  	[spmem:s2] =	stream.indirect.scatter.add.f32 [tilespmem:s14], [sflag:$0x3], $0x80, s7, s12, $0xb8;
	[tilespmem:$0x1A000] =	vst v63  }
0x61: {  	_ =	swait.ge [sflag:s10], $0x2800  }
0x62: {  	[sflag:s10] =	ssyncset.done $0x0  }
0x63: {  	s8 =	rddreg [dreg:$0x11];
	[sflag:s10] =	ssyncadd.s32 $0xFFFFD800  }
0x64: {  	[tilespmem:s14], [sflag:$0x2] =	stream.indirect.gather [hbm4b:s4+s12], $0x80, s8, s12, $0xb8;
	[tilespmem:$0x1A000] =	vst v63  }
0x65: {  	_ =	swait.ge [sflag:s15], $0x2800  }
0x66: {  	[sflag:s15] =	ssyncset.done $0x0  }
0x67: {  	s9 =	rddreg [dreg:$0x12];
	[sflag:s15] =	ssyncadd.s32 $0xFFFFD800  }
0x68: {  	[spmem:s2] =	stream.indirect.scatter.add.f32 [tilespmem:s13], [sflag:$0x3], $0x80, s9, s12, $0xb8;
	[tilespmem:$0x1A000] =	vst v63  }
0x69: {  	_ =	swait.ge [sflag:s10], $0x2800  }
0x6a: {  	[sflag:s10] =	ssyncset.done $0x0  }
0x6b: {  	[sflag:s10] =	ssyncadd.s32 $0xFFFFD800  }
0x6c: {  	[tilespmem:s13], [sflag:$0x1] =	stream.indirect.gather [hbm4b:s4+s12], $0x80, s17, s12, $0xb8;
	[tilespmem:$0x1A000] =	vst v63  }
0x6d: {  	_ =	swait.ge [sflag:s16], $0x2800  }
0x6e: {  	[sflag:s16] =	ssyncset.done $0x0  }
0x6f: {  	[sflag:s16] =	ssyncadd.s32 $0xFFFFD800  }
0x70: {  	[spmem:s2] =	stream.indirect.scatter.add.f32 [tilespmem:s14], [sflag:$0x3], $0x80, s18, s12, $0xb8;
	[tilespmem:$0x1A000] =	vst v63  }
0x71: {  	_ =	swait.ge [sflag:s10], $0x2800  }
0x72: {  	[sflag:s10] =	ssyncset.done $0x0  }
0x73: {  	[sflag:s10] =	ssyncadd.s32 $0xFFFFD800  }
0x74: {  	[tilespmem:s14], [sflag:$0x2] =	stream.indirect.gather [hbm4b:s4+s12], $0x80, s19, s12, $0xb8;
	[tilespmem:$0x1A000] =	vst v63  }
0x75: {  	_ =	swait.ge [sflag:s15], $0x2800  }
0x76: {  	[sflag:s15] =	ssyncset.done $0x0  }
0x77: {  	[sflag:s15] =	ssyncadd.s32 $0xFFFFD800  }
0x78: {  	[spmem:s2] =	stream.indirect.scatter.add.f32 [tilespmem:s13], [sflag:$0x3], $0x80, s20, s12, $0xb8;
	[tilespmem:$0x1A000] =	vst v63  }
0x79: {  	_ =	swait.ge [sflag:s10], $0x2800  }
0x7a: {  	[sflag:s10] =	ssyncset.done $0x0  }
0x7b: {  	[sflag:s10] =	ssyncadd.s32 $0xFFFFD800  }
0x7c: {  	[tilespmem:s13], [sflag:$0x1] =	stream.indirect.gather [hbm4b:s4+s12], $0x80, s21, s12, $0xb8;
	[tilespmem:$0x1A000] =	vst v63  }
0x7d: {  	_ =	swait.ge [sflag:s16], $0x2800  }
0x7e: {  	[sflag:s16] =	ssyncset.done $0x0  }
0x7f: {  	[sflag:s16] =	ssyncadd.s32 $0xFFFFD800  }
0x80: {  	[spmem:s2] =	stream.indirect.scatter.add.f32 [tilespmem:s14], [sflag:$0x3], $0x80, s22, s12, $0xb8;
	[tilespmem:$0x1A000] =	vst v63  }
0x81: {  	_ =	swait.ge [sflag:s10], $0x2800  }
0x82: {  	[sflag:s10] =	ssyncset.done $0x0  }
0x83: {  	[sflag:s10] =	ssyncadd.s32 $0xFFFFD800  }
0x84: {  	[tilespmem:s14], [sflag:$0x2] =	stream.indirect.gather [hbm4b:s4+s12], $0x80, s23, s12, $0xb8;
	[tilespmem:$0x1A000] =	vst v63  }
0x85: {  	_ =	swait.ge [sflag:s15], $0x2800  }
0x86: {  	[sflag:s15] =	ssyncset.done $0x0  }
0x87: {  	[sflag:s15] =	ssyncadd.s32 $0xFFFFD800  }
0x88: {  	[spmem:s2] =	stream.indirect.scatter.add.f32 [tilespmem:s13], [sflag:$0x3], $0x80, s24, s12, $0xb8;
	[tilespmem:$0x1A000] =	vst v63  }
0x89: {  	_ =	swait.ge [sflag:s10], $0x2800  }
0x8a: {  	[sflag:s10] =	ssyncset.done $0x0  }
0x8b: {  	[sflag:s10] =	ssyncadd.s32 $0xFFFFD800  }
0x8c: {  	[tilespmem:s13], [sflag:$0x1] =	stream.indirect.gather [hbm4b:s4+s12], $0x80, s25, s12, $0xb8;
	[tilespmem:$0x1A000] =	vst v63  }
0x8d: {  	_ =	swait.ge [sflag:s16], $0x2800  }
0x8e: {  	[sflag:s16] =	ssyncset.done $0x0  }
0x8f: {  	[sflag:s16] =	ssyncadd.s32 $0xFFFFD800  }
0x90: {  	[spmem:s2] =	stream.indirect.scatter.add.f32 [tilespmem:s14], [sflag:$0x3], $0x80, s26, s12, $0xb8;
	[tilespmem:$0x1A000] =	vst v63  }
0x91: {  	_ =	swait.ge [sflag:s10], $0x2800  }
0x92: {  	[sflag:s10] =	ssyncset.done $0x0  }
0x93: {  	[sflag:s10] =	ssyncadd.s32 $0xFFFFD800  }
0x94: {  	[tilespmem:s14], [sflag:$0x2] =	stream.indirect.gather [hbm4b:s4+s12], $0x80, s28, s12, $0xb8;
	[tilespmem:$0x1A000] =	vst v63  }
0x95: {  	_ =	swait.ge [sflag:s15], $0x2800  }
0x96: {  	[sflag:s15] =	ssyncset.done $0x0  }
0x97: {  	[sflag:s15] =	ssyncadd.s32 $0xFFFFD800  }
0x98: {  	[spmem:s2] =	stream.indirect.scatter.add.f32 [tilespmem:s13], [sflag:$0x3], $0x80, s29, s12, $0xb8;
	[tilespmem:$0x1A000] =	vst v63  }
0x99: {  	_ =	swait.ge [sflag:s10], $0x2800  }
0x9a: {  	[sflag:s10] =	ssyncset.done $0x0  }
0x9b: {  	[sflag:s10] =	ssyncadd.s32 $0xFFFFD800  }
0x9c: {  	[tilespmem:s13], [sflag:$0x1] =	stream.indirect.gather [hbm4b:s4+s12], $0x80, s30, s12, $0xb8;
	[tilespmem:$0x1A000] =	vst v63  }
0x9d: {  	_ =	swait.ge [sflag:s16], $0x2800  }
0x9e: {  	[sflag:s16] =	ssyncset.done $0x0  }
0x9f: {  	[sflag:s16] =	ssyncadd.s32 $0xFFFFD800  }
0xa0: {  	[spmem:s2] =	stream.indirect.scatter.add.f32 [tilespmem:s14], [sflag:$0x3], $0x80, s31, s12, $0xb8;
	[tilespmem:$0x1A000] =	vst v63  }
0xa1: {  	_ =	swait.ge [sflag:s10], $0x2800  }
0xa2: {  	[sflag:s10] =	ssyncset.done $0x0  }
0xa3: {  	[sflag:s10] =	ssyncadd.s32 $0xFFFFD800  }
0xa4: {  	[tilespmem:s14], [sflag:$0x2] =	stream.indirect.gather [hbm4b:s4+s12], $0x80, s1, s12, $0xb8;
	[tilespmem:$0x1A000] =	vst v63  }
0xa5: {  	_ =	swait.ge [sflag:s15], $0x2800  }
0xa6: {  	[sflag:s15] =	ssyncset.done $0x0  }
0xa7: {  	[sflag:s15] =	ssyncadd.s32 $0xFFFFD800  }
0xa8: {  	[spmem:s2] =	stream.indirect.scatter.add.f32 [tilespmem:s13], [sflag:$0x3], $0x80, s0, s12, $0xb8;
	[tilespmem:$0x1A000] =	vst v63  }
0xa9: {  	_ =	swait.ge [sflag:s10], $0x2800  }
0xaa: {  	[sflag:s10] =	ssyncset.done $0x0  }
0xab: {  	[sflag:s10] =	ssyncadd.s32 $0xFFFFD800  }
0xac: {  	_ =	swait.ge [sflag:s16], $0x2800  }
0xad: {  	[sflag:s16] =	ssyncset.done $0x0  }
0xae: {  	[sflag:s16] =	ssyncadd.s32 $0xFFFFD800  }
0xaf: {  	[spmem:s2] =	stream.indirect.scatter.add.f32 [tilespmem:s14], [sflag:$0x3], $0x80, s5, s12, $0xb8;
	[tilespmem:$0x1A000] =	vst v63  }
0xb0: {  	s6 =	simm.s32 $0x200;
	_ =	swait.ge [sflag:s10], $0x2800  }
0xb1: {  	s8 =	simm.s32 $0x100;
	s9 =	rddreg [dreg:$0x5];
	[sflag:s10] =	ssyncset.done $0x0  }
.LBB2_2:
0xb2: {  	[sflag:s10] =	ssyncadd.s32 $0xFFFFD800;
	s9 =	sadd.s32 s8, s9  }
0xb3: {  	[tilespmem:s3], [sflag:$0x3] =	stream.linear.gather [hbm4b:s9+s3], $0x800, $0x38;
	[tilespmem:$0x1A000] =	vst v63  }
0xb4: {  	_ =	swait.ge [sflag:s10], $0x800  }
0xb5: {  	s9 =	rddreg [dreg:$0x4];
	[sflag:s10] =	ssyncset.done $0x0  }
0xb6: {  	[sflag:s10] =	ssyncadd.s32 $0xFFFFF800;
	s9 =	sadd.s32 s8, s9  }
0xb7: {  	[tilespmem:s11], [sflag:$0x3] =	stream.linear.gather [hbm4b:s9+s3], $0x800, $0x38;
	[tilespmem:$0x1A000] =	vst v63  }
0xb8: {  	_ =	swait.ge [sflag:s10], $0x800  }
0xb9: {  	[sflag:s10] =	ssyncset.done $0x0  }
0xba: {  	[sflag:s10] =	ssyncadd.s32 $0xFFFFF800  }
0xbb: {  	[tilespmem:s13], [sflag:$0x1] =	stream.indirect.gather [hbm4b:s4+s12], $0x80, s3, s12, $0xb8;
	[tilespmem:$0x1A000] =	vst v63  }
0xbc: {  	s9 =	rddreg [dreg:$0x6]  }
0xbd: {  	[tilespmem:s14], [sflag:$0x2] =	stream.indirect.gather [hbm4b:s4+s12], $0x80, s9, s12, $0xb8;
	[tilespmem:$0x1A000] =	vst v63  }
0xbe: {  	_ =	swait.ge [sflag:s15], $0x2800  }
0xbf: {  	[sflag:s15] =	ssyncset.done $0x0  }
0xc0: {  	[sflag:s15] =	ssyncadd.s32 $0xFFFFD800  }
0xc1: {  	[spmem:s2] =	stream.indirect.scatter.add.f32 [tilespmem:s13], [sflag:$0x3], $0x80, s11, s12, $0xb8;
	[tilespmem:$0x1A000] =	vst v63  }
0xc2: {  	_ =	swait.ge [sflag:s10], $0x2800  }
0xc3: {  	[sflag:s10] =	ssyncset.done $0x0  }
0xc4: {  	s9 =	rddreg [dreg:$0x7];
	[sflag:s10] =	ssyncadd.s32 $0xFFFFD800  }
0xc5: {  	[tilespmem:s13], [sflag:$0x1] =	stream.indirect.gather [hbm4b:s4+s12], $0x80, s9, s12, $0xb8;
	[tilespmem:$0x1A000] =	vst v63  }
0xc6: {  	_ =	swait.ge [sflag:s16], $0x2800  }
0xc7: {  	[sflag:s16] =	ssyncset.done $0x0  }
0xc8: {  	s9 =	rddreg [dreg:$0x8];
	[sflag:s16] =	ssyncadd.s32 $0xFFFFD800  }
0xc9: {  	[spmem:s2] =	stream.indirect.scatter.add.f32 [tilespmem:s14], [sflag:$0x3], $0x80, s9, s12, $0xb8;
	[tilespmem:$0x1A000] =	vst v63  }
0xca: {  	_ =	swait.ge [sflag:s10], $0x2800  }
0xcb: {  	[sflag:s10] =	ssyncset.done $0x0  }
0xcc: {  	s9 =	rddreg [dreg:$0x9];
	[sflag:s10] =	ssyncadd.s32 $0xFFFFD800  }
0xcd: {  	[tilespmem:s14], [sflag:$0x2] =	stream.indirect.gather [hbm4b:s4+s12], $0x80, s9, s12, $0xb8;
	[tilespmem:$0x1A000] =	vst v63  }
0xce: {  	_ =	swait.ge [sflag:s15], $0x2800  }
0xcf: {  	[sflag:s15] =	ssyncset.done $0x0  }
0xd0: {  	s9 =	rddreg [dreg:$0xa];
	[sflag:s15] =	ssyncadd.s32 $0xFFFFD800  }
0xd1: {  	[spmem:s2] =	stream.indirect.scatter.add.f32 [tilespmem:s13], [sflag:$0x3], $0x80, s9, s12, $0xb8;
	[tilespmem:$0x1A000] =	vst v63  }
0xd2: {  	_ =	swait.ge [sflag:s10], $0x2800  }
0xd3: {  	[sflag:s10] =	ssyncset.done $0x0  }
0xd4: {  	s9 =	rddreg [dreg:$0xb];
	[sflag:s10] =	ssyncadd.s32 $0xFFFFD800  }
0xd5: {  	[tilespmem:s13], [sflag:$0x1] =	stream.indirect.gather [hbm4b:s4+s12], $0x80, s9, s12, $0xb8;
	[tilespmem:$0x1A000] =	vst v63  }
0xd6: {  	_ =	swait.ge [sflag:s16], $0x2800  }
0xd7: {  	[sflag:s16] =	ssyncset.done $0x0  }
0xd8: {  	s9 =	rddreg [dreg:$0xc];
	[sflag:s16] =	ssyncadd.s32 $0xFFFFD800  }
0xd9: {  	[spmem:s2] =	stream.indirect.scatter.add.f32 [tilespmem:s14], [sflag:$0x3], $0x80, s9, s12, $0xb8;
	[tilespmem:$0x1A000] =	vst v63  }
0xda: {  	_ =	swait.ge [sflag:s10], $0x2800  }
0xdb: {  	[sflag:s10] =	ssyncset.done $0x0  }
0xdc: {  	s9 =	rddreg [dreg:$0xd];
	[sflag:s10] =	ssyncadd.s32 $0xFFFFD800  }
0xdd: {  	[tilespmem:s14], [sflag:$0x2] =	stream.indirect.gather [hbm4b:s4+s12], $0x80, s9, s12, $0xb8;
	[tilespmem:$0x1A000] =	vst v63  }
0xde: {  	_ =	swait.ge [sflag:s15], $0x2800  }
0xdf: {  	[sflag:s15] =	ssyncset.done $0x0  }
0xe0: {  	s9 =	rddreg [dreg:$0xe];
	[sflag:s15] =	ssyncadd.s32 $0xFFFFD800  }
0xe1: {  	[spmem:s2] =	stream.indirect.scatter.add.f32 [tilespmem:s13], [sflag:$0x3], $0x80, s9, s12, $0xb8;
	[tilespmem:$0x1A000] =	vst v63  }
0xe2: {  	_ =	swait.ge [sflag:s10], $0x2800  }
0xe3: {  	[sflag:s10] =	ssyncset.done $0x0  }
0xe4: {  	s9 =	rddreg [dreg:$0xf];
	[sflag:s10] =	ssyncadd.s32 $0xFFFFD800  }
0xe5: {  	[tilespmem:s13], [sflag:$0x1] =	stream.indirect.gather [hbm4b:s4+s12], $0x80, s9, s12, $0xb8;
	[tilespmem:$0x1A000] =	vst v63  }
0xe6: {  	_ =	swait.ge [sflag:s16], $0x2800  }
0xe7: {  	[sflag:s16] =	ssyncset.done $0x0  }
0xe8: {  	s9 =	rddreg [dreg:$0x10];
	[sflag:s16] =	ssyncadd.s32 $0xFFFFD800  }
0xe9: {  	[spmem:s2] =	stream.indirect.scatter.add.f32 [tilespmem:s14], [sflag:$0x3], $0x80, s9, s12, $0xb8;
	[tilespmem:$0x1A000] =	vst v63  }
0xea: {  	_ =	swait.ge [sflag:s10], $0x2800  }
0xeb: {  	[sflag:s10] =	ssyncset.done $0x0  }
0xec: {  	s9 =	rddreg [dreg:$0x11];
	[sflag:s10] =	ssyncadd.s32 $0xFFFFD800  }
0xed: {  	[tilespmem:s14], [sflag:$0x2] =	stream.indirect.gather [hbm4b:s4+s12], $0x80, s9, s12, $0xb8;
	[tilespmem:$0x1A000] =	vst v63  }
0xee: {  	_ =	swait.ge [sflag:s15], $0x2800  }
0xef: {  	[sflag:s15] =	ssyncset.done $0x0  }
0xf0: {  	s9 =	rddreg [dreg:$0x12];
	[sflag:s15] =	ssyncadd.s32 $0xFFFFD800  }
0xf1: {  	[spmem:s2] =	stream.indirect.scatter.add.f32 [tilespmem:s13], [sflag:$0x3], $0x80, s9, s12, $0xb8;
	[tilespmem:$0x1A000] =	vst v63  }
0xf2: {  	_ =	swait.ge [sflag:s10], $0x2800  }
0xf3: {  	[sflag:s10] =	ssyncset.done $0x0  }
0xf4: {  	[sflag:s10] =	ssyncadd.s32 $0xFFFFD800  }
0xf5: {  	[tilespmem:s13], [sflag:$0x1] =	stream.indirect.gather [hbm4b:s4+s12], $0x80, s17, s12, $0xb8;
	[tilespmem:$0x1A000] =	vst v63  }
0xf6: {  	_ =	swait.ge [sflag:s16], $0x2800  }
0xf7: {  	[sflag:s16] =	ssyncset.done $0x0  }
0xf8: {  	[sflag:s16] =	ssyncadd.s32 $0xFFFFD800  }
0xf9: {  	[spmem:s2] =	stream.indirect.scatter.add.f32 [tilespmem:s14], [sflag:$0x3], $0x80, s18, s12, $0xb8;
	[tilespmem:$0x1A000] =	vst v63  }
0xfa: {  	_ =	swait.ge [sflag:s10], $0x2800  }
0xfb: {  	[sflag:s10] =	ssyncset.done $0x0  }
0xfc: {  	[sflag:s10] =	ssyncadd.s32 $0xFFFFD800  }
0xfd: {  	[tilespmem:s14], [sflag:$0x2] =	stream.indirect.gather [hbm4b:s4+s12], $0x80, s19, s12, $0xb8;
	[tilespmem:$0x1A000] =	vst v63  }
0xfe: {  	_ =	swait.ge [sflag:s15], $0x2800  }
0xff: {  	[sflag:s15] =	ssyncset.done $0x0  }
0x100: {  	[sflag:s15] =	ssyncadd.s32 $0xFFFFD800  }
0x101: {  	[spmem:s2] =	stream.indirect.scatter.add.f32 [tilespmem:s13], [sflag:$0x3], $0x80, s20, s12, $0xb8;
	[tilespmem:$0x1A000] =	vst v63  }
0x102: {  	_ =	swait.ge [sflag:s10], $0x2800  }
0x103: {  	[sflag:s10] =	ssyncset.done $0x0  }
0x104: {  	[sflag:s10] =	ssyncadd.s32 $0xFFFFD800  }
0x105: {  	[tilespmem:s13], [sflag:$0x1] =	stream.indirect.gather [hbm4b:s4+s12], $0x80, s21, s12, $0xb8;
	[tilespmem:$0x1A000] =	vst v63  }
0x106: {  	_ =	swait.ge [sflag:s16], $0x2800  }
0x107: {  	[sflag:s16] =	ssyncset.done $0x0  }
0x108: {  	[sflag:s16] =	ssyncadd.s32 $0xFFFFD800  }
0x109: {  	[spmem:s2] =	stream.indirect.scatter.add.f32 [tilespmem:s14], [sflag:$0x3], $0x80, s22, s12, $0xb8;
	[tilespmem:$0x1A000] =	vst v63  }
0x10a: {  	_ =	swait.ge [sflag:s10], $0x2800  }
0x10b: {  	[sflag:s10] =	ssyncset.done $0x0  }
0x10c: {  	[sflag:s10] =	ssyncadd.s32 $0xFFFFD800  }
0x10d: {  	[tilespmem:s14], [sflag:$0x2] =	stream.indirect.gather [hbm4b:s4+s12], $0x80, s23, s12, $0xb8;
	[tilespmem:$0x1A000] =	vst v63  }
0x10e: {  	_ =	swait.ge [sflag:s15], $0x2800  }
0x10f: {  	[sflag:s15] =	ssyncset.done $0x0  }
0x110: {  	[sflag:s15] =	ssyncadd.s32 $0xFFFFD800  }
0x111: {  	[spmem:s2] =	stream.indirect.scatter.add.f32 [tilespmem:s13], [sflag:$0x3], $0x80, s24, s12, $0xb8;
	[tilespmem:$0x1A000] =	vst v63  }
0x112: {  	_ =	swait.ge [sflag:s10], $0x2800  }
0x113: {  	[sflag:s10] =	ssyncset.done $0x0  }
0x114: {  	[sflag:s10] =	ssyncadd.s32 $0xFFFFD800  }
0x115: {  	[tilespmem:s13], [sflag:$0x1] =	stream.indirect.gather [hbm4b:s4+s12], $0x80, s25, s12, $0xb8;
	[tilespmem:$0x1A000] =	vst v63  }
0x116: {  	_ =	swait.ge [sflag:s16], $0x2800  }
0x117: {  	[sflag:s16] =	ssyncset.done $0x0  }
0x118: {  	[sflag:s16] =	ssyncadd.s32 $0xFFFFD800  }
0x119: {  	[spmem:s2] =	stream.indirect.scatter.add.f32 [tilespmem:s14], [sflag:$0x3], $0x80, s26, s12, $0xb8;
	[tilespmem:$0x1A000] =	vst v63  }
0x11a: {  	_ =	swait.ge [sflag:s10], $0x2800  }
0x11b: {  	[sflag:s10] =	ssyncset.done $0x0  }
0x11c: {  	[sflag:s10] =	ssyncadd.s32 $0xFFFFD800  }
0x11d: {  	[tilespmem:s14], [sflag:$0x2] =	stream.indirect.gather [hbm4b:s4+s12], $0x80, s28, s12, $0xb8;
	[tilespmem:$0x1A000] =	vst v63  }
0x11e: {  	_ =	swait.ge [sflag:s15], $0x2800  }
0x11f: {  	[sflag:s15] =	ssyncset.done $0x0  }
0x120: {  	[sflag:s15] =	ssyncadd.s32 $0xFFFFD800  }
0x121: {  	[spmem:s2] =	stream.indirect.scatter.add.f32 [tilespmem:s13], [sflag:$0x3], $0x80, s29, s12, $0xb8;
	[tilespmem:$0x1A000] =	vst v63  }
0x122: {  	_ =	swait.ge [sflag:s10], $0x2800  }
0x123: {  	[sflag:s10] =	ssyncset.done $0x0  }
0x124: {  	[sflag:s10] =	ssyncadd.s32 $0xFFFFD800  }
0x125: {  	[tilespmem:s13], [sflag:$0x1] =	stream.indirect.gather [hbm4b:s4+s12], $0x80, s30, s12, $0xb8;
	[tilespmem:$0x1A000] =	vst v63  }
0x126: {  	_ =	swait.ge [sflag:s16], $0x2800  }
0x127: {  	[sflag:s16] =	ssyncset.done $0x0  }
0x128: {  	[sflag:s16] =	ssyncadd.s32 $0xFFFFD800  }
0x129: {  	[spmem:s2] =	stream.indirect.scatter.add.f32 [tilespmem:s14], [sflag:$0x3], $0x80, s31, s12, $0xb8;
	[tilespmem:$0x1A000] =	vst v63  }
0x12a: {  	_ =	swait.ge [sflag:s10], $0x2800  }
0x12b: {  	[sflag:s10] =	ssyncset.done $0x0  }
0x12c: {  	[sflag:s10] =	ssyncadd.s32 $0xFFFFD800  }
0x12d: {  	[tilespmem:s14], [sflag:$0x2] =	stream.indirect.gather [hbm4b:s4+s12], $0x80, s1, s12, $0xb8;
	[tilespmem:$0x1A000] =	vst v63  }
0x12e: {  	_ =	swait.ge [sflag:s15], $0x2800  }
0x12f: {  	[sflag:s15] =	ssyncset.done $0x0  }
0x130: {  	[sflag:s15] =	ssyncadd.s32 $0xFFFFD800  }
0x131: {  	[spmem:s2] =	stream.indirect.scatter.add.f32 [tilespmem:s13], [sflag:$0x3], $0x80, s0, s12, $0xb8;
	[tilespmem:$0x1A000] =	vst v63  }
0x132: {  	_ =	swait.ge [sflag:s10], $0x2800  }
0x133: {  	[sflag:s10] =	ssyncset.done $0x0  }
0x134: {  	[sflag:s10] =	ssyncadd.s32 $0xFFFFD800  }
0x135: {  	p0 =	sne.s32 s6, $0x700;
	_ =	swait.ge [sflag:s16], $0x2800  }
.Ltmp0:
0x136: {  	[sflag:s16] =	ssyncset.done $0x0;
	(pc) =	sbr.rel @p0 .LBB2_2-.Ltmp0, $4  }
0x137: {  	[sflag:s16] =	ssyncadd.s32 $0xFFFFD800  }
0x138: {  	[spmem:s2] =	stream.indirect.scatter.add.f32 [tilespmem:s14], [sflag:$0x3], $0x80, s5, s12, $0xb8;
	[tilespmem:$0x1A000] =	vst v63  }
0x139: {  	s7 =	smov.u32 s6;
	s6 =	sadd.s32 $0x100, s6;
	_ =	swait.ge [sflag:s10], $0x2800  }
0x13a: {  	s8 =	smov.u32 s7;
	s9 =	rddreg [dreg:$0x5];
	[sflag:s10] =	ssyncset.done $0x0  }
0x13b: {  	[sflag:s10] =	ssyncadd.s32 $0xFFFFD800;
	s6 =	sadd.s32 s8, s9  }
0x13c: {  	[tilespmem:s3], [sflag:$0x3] =	stream.linear.gather [hbm4b:s6+s3], $0x800, $0x38;
	[tilespmem:$0x1A000] =	vst v63  }
0x13d: {  	_ =	swait.ge [sflag:s10], $0x800  }
0x13e: {  	s7 =	rddreg [dreg:$0x4];
	[sflag:s10] =	ssyncset.done $0x0  }
0x13f: {  	s6 =	sadd.s32 s8, s7;
	[sflag:s10] =	ssyncadd.s32 $0xFFFFF800  }
0x140: {  	[tilespmem:s11], [sflag:$0x3] =	stream.linear.gather [hbm4b:s6+s3], $0x800, $0x38;
	[tilespmem:$0x1A000] =	vst v63  }
0x141: {  	_ =	swait.ge [sflag:s10], $0x800  }
0x142: {  	[sflag:s10] =	ssyncset.done $0x0  }
0x143: {  	[sflag:s10] =	ssyncadd.s32 $0xFFFFF800  }
0x144: {  	[tilespmem:s13], [sflag:$0x1] =	stream.indirect.gather [hbm4b:s4+s12], $0x80, s3, s12, $0xb8;
	[tilespmem:$0x1A000] =	vst v63  }
0x145: {  	s8 =	rddreg [dreg:$0x6]  }
0x146: {  	[tilespmem:s14], [sflag:$0x2] =	stream.indirect.gather [hbm4b:s4+s12], $0x80, s8, s12, $0xb8;
	[tilespmem:$0x1A000] =	vst v63  }
0x147: {  	_ =	swait.ge [sflag:s15], $0x2800  }
0x148: {  	[sflag:s15] =	ssyncset.done $0x0  }
0x149: {  	[sflag:s15] =	ssyncadd.s32 $0xFFFFD800  }
0x14a: {  	[spmem:s2] =	stream.indirect.scatter.add.f32 [tilespmem:s13], [sflag:$0x3], $0x80, s11, s12, $0xb8;
	[tilespmem:$0x1A000] =	vst v63  }
0x14b: {  	_ =	swait.ge [sflag:s10], $0x2800  }
0x14c: {  	[sflag:s10] =	ssyncset.done $0x0  }
0x14d: {  	s9 =	rddreg [dreg:$0x7];
	[sflag:s10] =	ssyncadd.s32 $0xFFFFD800  }
0x14e: {  	[tilespmem:s13], [sflag:$0x1] =	stream.indirect.gather [hbm4b:s4+s12], $0x80, s9, s12, $0xb8;
	[tilespmem:$0x1A000] =	vst v63  }
0x14f: {  	_ =	swait.ge [sflag:s16], $0x2800  }
0x150: {  	[sflag:s16] =	ssyncset.done $0x0  }
0x151: {  	s7 =	rddreg [dreg:$0x8];
	[sflag:s16] =	ssyncadd.s32 $0xFFFFD800  }
0x152: {  	[spmem:s2] =	stream.indirect.scatter.add.f32 [tilespmem:s14], [sflag:$0x3], $0x80, s7, s12, $0xb8;
	[tilespmem:$0x1A000] =	vst v63  }
0x153: {  	_ =	swait.ge [sflag:s10], $0x2800  }
0x154: {  	[sflag:s10] =	ssyncset.done $0x0  }
0x155: {  	s8 =	rddreg [dreg:$0x9];
	[sflag:s10] =	ssyncadd.s32 $0xFFFFD800  }
0x156: {  	[tilespmem:s14], [sflag:$0x2] =	stream.indirect.gather [hbm4b:s4+s12], $0x80, s8, s12, $0xb8;
	[tilespmem:$0x1A000] =	vst v63  }
0x157: {  	_ =	swait.ge [sflag:s15], $0x2800  }
0x158: {  	[sflag:s15] =	ssyncset.done $0x0  }
0x159: {  	s9 =	rddreg [dreg:$0xa];
	[sflag:s15] =	ssyncadd.s32 $0xFFFFD800  }
0x15a: {  	[spmem:s2] =	stream.indirect.scatter.add.f32 [tilespmem:s13], [sflag:$0x3], $0x80, s9, s12, $0xb8;
	[tilespmem:$0x1A000] =	vst v63  }
0x15b: {  	_ =	swait.ge [sflag:s10], $0x2800  }
0x15c: {  	[sflag:s10] =	ssyncset.done $0x0  }
0x15d: {  	s7 =	rddreg [dreg:$0xb];
	[sflag:s10] =	ssyncadd.s32 $0xFFFFD800  }
0x15e: {  	[tilespmem:s13], [sflag:$0x1] =	stream.indirect.gather [hbm4b:s4+s12], $0x80, s7, s12, $0xb8;
	[tilespmem:$0x1A000] =	vst v63  }
0x15f: {  	_ =	swait.ge [sflag:s16], $0x2800  }
0x160: {  	[sflag:s16] =	ssyncset.done $0x0  }
0x161: {  	s8 =	rddreg [dreg:$0xc];
	[sflag:s16] =	ssyncadd.s32 $0xFFFFD800  }
0x162: {  	[spmem:s2] =	stream.indirect.scatter.add.f32 [tilespmem:s14], [sflag:$0x3], $0x80, s8, s12, $0xb8;
	[tilespmem:$0x1A000] =	vst v63  }
0x163: {  	_ =	swait.ge [sflag:s10], $0x2800  }
0x164: {  	[sflag:s10] =	ssyncset.done $0x0  }
0x165: {  	s9 =	rddreg [dreg:$0xd];
	[sflag:s10] =	ssyncadd.s32 $0xFFFFD800  }
0x166: {  	[tilespmem:s14], [sflag:$0x2] =	stream.indirect.gather [hbm4b:s4+s12], $0x80, s9, s12, $0xb8;
	[tilespmem:$0x1A000] =	vst v63  }
0x167: {  	_ =	swait.ge [sflag:s15], $0x2800  }
0x168: {  	[sflag:s15] =	ssyncset.done $0x0  }
0x169: {  	s7 =	rddreg [dreg:$0xe];
	[sflag:s15] =	ssyncadd.s32 $0xFFFFD800  }
0x16a: {  	[spmem:s2] =	stream.indirect.scatter.add.f32 [tilespmem:s13], [sflag:$0x3], $0x80, s7, s12, $0xb8;
	[tilespmem:$0x1A000] =	vst v63  }
0x16b: {  	_ =	swait.ge [sflag:s10], $0x2800  }
0x16c: {  	[sflag:s10] =	ssyncset.done $0x0  }
0x16d: {  	s8 =	rddreg [dreg:$0xf];
	[sflag:s10] =	ssyncadd.s32 $0xFFFFD800  }
0x16e: {  	[tilespmem:s13], [sflag:$0x1] =	stream.indirect.gather [hbm4b:s4+s12], $0x80, s8, s12, $0xb8;
	[tilespmem:$0x1A000] =	vst v63  }
0x16f: {  	_ =	swait.ge [sflag:s16], $0x2800  }
0x170: {  	[sflag:s16] =	ssyncset.done $0x0  }
0x171: {  	s9 =	rddreg [dreg:$0x10];
	[sflag:s16] =	ssyncadd.s32 $0xFFFFD800  }
0x172: {  	[spmem:s2] =	stream.indirect.scatter.add.f32 [tilespmem:s14], [sflag:$0x3], $0x80, s9, s12, $0xb8;
	[tilespmem:$0x1A000] =	vst v63  }
0x173: {  	_ =	swait.ge [sflag:s10], $0x2800  }
0x174: {  	[sflag:s10] =	ssyncset.done $0x0  }
0x175: {  	s7 =	rddreg [dreg:$0x11];
	[sflag:s10] =	ssyncadd.s32 $0xFFFFD800  }
0x176: {  	[tilespmem:s14], [sflag:$0x2] =	stream.indirect.gather [hbm4b:s4+s12], $0x80, s7, s12, $0xb8;
	[tilespmem:$0x1A000] =	vst v63  }
0x177: {  	_ =	swait.ge [sflag:s15], $0x2800  }
0x178: {  	[sflag:s15] =	ssyncset.done $0x0  }
0x179: {  	s8 =	rddreg [dreg:$0x12];
	[sflag:s15] =	ssyncadd.s32 $0xFFFFD800  }
0x17a: {  	[spmem:s2] =	stream.indirect.scatter.add.f32 [tilespmem:s13], [sflag:$0x3], $0x80, s8, s12, $0xb8;
	[tilespmem:$0x1A000] =	vst v63  }
0x17b: {  	_ =	swait.ge [sflag:s10], $0x2800  }
0x17c: {  	[sflag:s10] =	ssyncset.done $0x0  }
0x17d: {  	[sflag:s10] =	ssyncadd.s32 $0xFFFFD800  }
0x17e: {  	[tilespmem:s13], [sflag:$0x1] =	stream.indirect.gather [hbm4b:s4+s12], $0x80, s17, s12, $0xb8;
	[tilespmem:$0x1A000] =	vst v63  }
0x17f: {  	_ =	swait.ge [sflag:s16], $0x2800  }
0x180: {  	[sflag:s16] =	ssyncset.done $0x0  }
0x181: {  	[sflag:s16] =	ssyncadd.s32 $0xFFFFD800  }
0x182: {  	[spmem:s2] =	stream.indirect.scatter.add.f32 [tilespmem:s14], [sflag:$0x3], $0x80, s18, s12, $0xb8;
	[tilespmem:$0x1A000] =	vst v63  }
0x183: {  	_ =	swait.ge [sflag:s10], $0x2800  }
0x184: {  	[sflag:s10] =	ssyncset.done $0x0  }
0x185: {  	[sflag:s10] =	ssyncadd.s32 $0xFFFFD800  }
0x186: {  	[tilespmem:s14], [sflag:$0x2] =	stream.indirect.gather [hbm4b:s4+s12], $0x80, s19, s12, $0xb8;
	[tilespmem:$0x1A000] =	vst v63  }
0x187: {  	_ =	swait.ge [sflag:s15], $0x2800  }
0x188: {  	[sflag:s15] =	ssyncset.done $0x0  }
0x189: {  	[sflag:s15] =	ssyncadd.s32 $0xFFFFD800  }
0x18a: {  	[spmem:s2] =	stream.indirect.scatter.add.f32 [tilespmem:s13], [sflag:$0x3], $0x80, s20, s12, $0xb8;
	[tilespmem:$0x1A000] =	vst v63  }
0x18b: {  	_ =	swait.ge [sflag:s10], $0x2800  }
0x18c: {  	[sflag:s10] =	ssyncset.done $0x0  }
0x18d: {  	[sflag:s10] =	ssyncadd.s32 $0xFFFFD800  }
0x18e: {  	[tilespmem:s13], [sflag:$0x1] =	stream.indirect.gather [hbm4b:s4+s12], $0x80, s21, s12, $0xb8;
	[tilespmem:$0x1A000] =	vst v63  }
0x18f: {  	_ =	swait.ge [sflag:s16], $0x2800  }
0x190: {  	[sflag:s16] =	ssyncset.done $0x0  }
0x191: {  	[sflag:s16] =	ssyncadd.s32 $0xFFFFD800  }
0x192: {  	[spmem:s2] =	stream.indirect.scatter.add.f32 [tilespmem:s14], [sflag:$0x3], $0x80, s22, s12, $0xb8;
	[tilespmem:$0x1A000] =	vst v63  }
0x193: {  	_ =	swait.ge [sflag:s10], $0x2800  }
0x194: {  	[sflag:s10] =	ssyncset.done $0x0  }
0x195: {  	[sflag:s10] =	ssyncadd.s32 $0xFFFFD800  }
0x196: {  	[tilespmem:s14], [sflag:$0x2] =	stream.indirect.gather [hbm4b:s4+s12], $0x80, s23, s12, $0xb8;
	[tilespmem:$0x1A000] =	vst v63  }
0x197: {  	_ =	swait.ge [sflag:s15], $0x2800  }
0x198: {  	[sflag:s15] =	ssyncset.done $0x0  }
0x199: {  	[sflag:s15] =	ssyncadd.s32 $0xFFFFD800  }
0x19a: {  	[spmem:s2] =	stream.indirect.scatter.add.f32 [tilespmem:s13], [sflag:$0x3], $0x80, s24, s12, $0xb8;
	[tilespmem:$0x1A000] =	vst v63  }
0x19b: {  	_ =	swait.ge [sflag:s10], $0x2800  }
0x19c: {  	[sflag:s10] =	ssyncset.done $0x0  }
0x19d: {  	[sflag:s10] =	ssyncadd.s32 $0xFFFFD800  }
0x19e: {  	[tilespmem:s13], [sflag:$0x1] =	stream.indirect.gather [hbm4b:s4+s12], $0x80, s25, s12, $0xb8;
	[tilespmem:$0x1A000] =	vst v63  }
0x19f: {  	_ =	swait.ge [sflag:s16], $0x2800  }
0x1a0: {  	[sflag:s16] =	ssyncset.done $0x0  }
0x1a1: {  	[sflag:s16] =	ssyncadd.s32 $0xFFFFD800  }
0x1a2: {  	[spmem:s2] =	stream.indirect.scatter.add.f32 [tilespmem:s14], [sflag:$0x3], $0x80, s26, s12, $0xb8;
	[tilespmem:$0x1A000] =	vst v63  }
0x1a3: {  	_ =	swait.ge [sflag:s10], $0x2800  }
0x1a4: {  	[sflag:s10] =	ssyncset.done $0x0  }
0x1a5: {  	[sflag:s10] =	ssyncadd.s32 $0xFFFFD800  }
0x1a6: {  	[tilespmem:s14], [sflag:$0x2] =	stream.indirect.gather [hbm4b:s4+s12], $0x80, s28, s12, $0xb8;
	[tilespmem:$0x1A000] =	vst v63  }
0x1a7: {  	_ =	swait.ge [sflag:s15], $0x2800  }
0x1a8: {  	[sflag:s15] =	ssyncset.done $0x0  }
0x1a9: {  	[sflag:s15] =	ssyncadd.s32 $0xFFFFD800  }
0x1aa: {  	[spmem:s2] =	stream.indirect.scatter.add.f32 [tilespmem:s13], [sflag:$0x3], $0x80, s29, s12, $0xb8;
	[tilespmem:$0x1A000] =	vst v63  }
0x1ab: {  	_ =	swait.ge [sflag:s10], $0x2800  }
0x1ac: {  	[sflag:s10] =	ssyncset.done $0x0  }
0x1ad: {  	[sflag:s10] =	ssyncadd.s32 $0xFFFFD800  }
0x1ae: {  	[tilespmem:s13], [sflag:$0x1] =	stream.indirect.gather [hbm4b:s4+s12], $0x80, s30, s12, $0xb8;
	[tilespmem:$0x1A000] =	vst v63  }
0x1af: {  	_ =	swait.ge [sflag:s16], $0x2800  }
0x1b0: {  	[sflag:s16] =	ssyncset.done $0x0  }
0x1b1: {  	[sflag:s16] =	ssyncadd.s32 $0xFFFFD800  }
0x1b2: {  	[spmem:s2] =	stream.indirect.scatter.add.f32 [tilespmem:s14], [sflag:$0x3], $0x80, s31, s12, $0xb8;
	[tilespmem:$0x1A000] =	vst v63  }
0x1b3: {  	_ =	swait.ge [sflag:s10], $0x2800  }
0x1b4: {  	[sflag:s10] =	ssyncset.done $0x0  }
0x1b5: {  	[sflag:s10] =	ssyncadd.s32 $0xFFFFD800  }
0x1b6: {  	[tilespmem:s14], [sflag:$0x2] =	stream.indirect.gather [hbm4b:s4+s12], $0x80, s1, s12, $0xb8;
	[tilespmem:$0x1A000] =	vst v63  }
0x1b7: {  	_ =	swait.ge [sflag:s15], $0x2800  }
0x1b8: {  	[sflag:s15] =	ssyncset.done $0x0  }
0x1b9: {  	[sflag:s15] =	ssyncadd.s32 $0xFFFFD800  }
0x1ba: {  	[spmem:s2] =	stream.indirect.scatter.add.f32 [tilespmem:s13], [sflag:$0x3], $0x80, s0, s12, $0xb8;
	[tilespmem:$0x1A000] =	vst v63  }
0x1bb: {  	_ =	swait.ge [sflag:s10], $0x2800  }
0x1bc: {  	[sflag:s10] =	ssyncset.done $0x0  }
0x1bd: {  	[sflag:s10] =	ssyncadd.s32 $0xFFFFD800  }
0x1be: {  	_ =	swait.ge [sflag:s16], $0x2800  }
0x1bf: {  	[sflag:s16] =	ssyncset.done $0x0  }
0x1c0: {  	[sflag:s16] =	ssyncadd.s32 $0xFFFFD800  }
0x1c1: {  	[spmem:s2] =	stream.indirect.scatter.add.f32 [tilespmem:s14], [sflag:$0x3], $0x80, s5, s12, $0xb8;
	[tilespmem:$0x1A000] =	vst v63  }
0x1c2: {  	_ =	swait.ge [sflag:s10], $0x2800  }
0x1c3: {  	[sflag:s10] =	ssyncset.done $0x0  }
0x1c4: {  	[sflag:s10] =	ssyncadd.s32 $0xFFFFD800  }
0x1c5: {  	[bflag:$0x0] =	sbarrier.arrive $0xFFFF  }
0x1c6: {  	s8 =	rddreg [dreg:$0x14]  }
0x1c7: {  	s9 =	rddreg [dreg:$0x15]  }
0x1c8: {  	s7 =	rddreg [dreg:$0x17]  }
0x1c9: {  	[hbm:s9], [sflag:s8] =	dma.local [spmem:s7], $0x2800  }
0x1ca: {  	_ =	swait.ge [sflag:s10], $0x2800  }
0x1cb: {  	s6 =	rddreg [dreg:$0x18]  }
0x1cc: {  	s9 =	sadd.s32 $0x1, s6;
	s6 =	rddreg [dreg:$0x16]  }
0x1cd: {  	p0 =	sne.s32 s9, s6  }
.Ltmp1:
0x1ce: {  	_ = 	snop;
	(pc) =	sbr.rel @p0 .LBB2_1-.Ltmp1, $3  }
0x1cf: {  	_ =	sdelay $0x1  }
0x1d0: {  	[sflag:s10] =	ssyncset.done $0x0  }
0x1d1: {  	[sflag:s10] =	ssyncadd.s32 $0xFFFFD800  }
0x1d2: {  	_ =	sfence.sel $0x180000  }
0x1d3: {  	[bflag:$0x0] =	sbarrier.arrive $0xFFFF  }
0x1d4: {  	_ =	strace $0x9000004A  }
0x1d5: {  	s0 =	stileid.u32;
	[bflag:$0x2] =	sbarrier.arrive $0xFFFF  }
0x1d6: {  	p0 =	sne.s32 s0, $0x0;
	s0 =	rddreg [dreg:$0x3]  }
0x1d7: {  	s0 =	sadd.s32 @!p0 $0x100000, s0  }
0x1d8: {  	[sflag:s0] =	ssyncadd.tile.s32 @!p0 $0x1;
	_ =	shalt  }
.Lfunc_end2:
_tile_overlayer_lowered:
.L_overlay_start_2:
0x1d9: {  	(tag) =	ssettag $0x2  }
0x1da: {  	s0 =	rddreg [dreg:$0x0];
	s2 =	stileid.u32  }
0x1db: {  	s1 =	rddreg [dreg:$0x1];
	p0 =	sne.s32 s2, $0x0  }
0x1dc: {  	s3 =	rddreg [dreg:$0x2];
	[bflag:$0x3] =	sbarrier.arrive $0xFFFF;
	s2 =	simm.s32 @!p0 $0x1C03  }
0x1dd: {  	[timem:s3], [sflag:s2] =	dma.local @!p0 [hbm:s0], s1  }
0x1de: {  	s0 =	simm.s32 @!p0 $0x3  }
0x1df: {  	_ =	swait.ge @!p0 [sflag:s0], s1  }
0x1e0: {  	s1 =	ssub.s32 @!p0 $0x0, s1;
	[sflag:s0] =	ssyncset.done @!p0 $0x0  }
0x1e1: {  	[sflag:s0] =	ssyncadd.s32 @!p0 s1  }
0x1e2: {  	[bflag:$0x3] =	sbarrier.arrive $0xFFFF  }
0x1e3: {  	_ =	shalt  }

// kernel: kernel.17.cloned.1.call-start
scs
__scs_entry_jumppad:
0x0: {  	(pc) =	sbr.rel $0x88, $3  }
0x1: {  	(tag) =	ssettag $0x0;
	lr =	simm.s32 $0x1  }
0x2: {  	[smem:$0x3F95] =	sst lr;
	_ =	strace $0xD0000000  }
0x3: {  	_ = 	snop  }
0x4: {  	_ = 	snop  }
0x5: {  	_ = 	snop  }
0x6: {  	_ = 	snop  }
0x7: {  	_ = 	snop  }
__scs_overlays_trampoline_lowered:
0x8: {  	[smem:$0x3FA4] =	sst s0  }
0x9: {  	[smem:$0x3FA5] =	sst s1  }
0xa: {  	[smem:$0x3FA6] =	sst s2  }
0xb: {  	[smem:$0x3FA7] =	sst s3  }
0xc: {  	[smem:$0x3FA8] =	sst s4  }
0xd: {  	[smem:$0x3FA9] =	sst s5  }
0xe: {  	[smem:$0x3FAA] =	sst s6  }
0xf: {  	[smem:$0x3FAB] =	sst s7  }
0x10: {  	[smem:$0x3FAC] =	sst s8  }
0x11: {  	[smem:$0x3FAD] =	sst s9;
	s0 =	simm.s32 @!p0 $0x0  }
0x12: {  	s1 =	sld [smem:$0x3F93];
	s0 =	simm.s32 @p0 $0x1  }
0x13: {  	[smem:$0x3FAE] =	sst s0;
	s0 =	simm.s32 @!p1 $0x0  }
0x14: {  	s2 =	sld [smem:$0x3F92];
	s0 =	simm.s32 @p1 $0x1  }
0x15: {  	[smem:$0x3FAF] =	sst s0;
	s0 =	simm.s32 @!p2 $0x0  }
0x16: {  	s3 =	sld [smem:$0x3FDB];
	s0 =	simm.s32 @p2 $0x1  }
0x17: {  	s4 =	simm.s32 $0x1BF5;
	[smem:$0x3FB1] =	sst s0  }
0x18: {  	s0 =	sld [smem:$0x3F94];
	_ =	swait.ge [sflag:s4], $0x0  }
0x19: {  	s7 =	sld [smem:$0x3F95]  }
0x1a: {  	s8 =	sadd.s32 $0xFFFFE003, lr  }
0x1b: {  	s9 =	sadd.s32 $0xFFFFFEF7, lr;
	s5 =	simm.s32 $0xFFFFFFFF;
	p2 =	slt.u32 s8, $0xFFFFF086  }
0x1c: {  	p1 =	slt.u32 s9, $0xF7A;
	s5 =	simm.s32 @!p2 $0x0  }
0x1d: {  	s5 =	simm.s32 @p1 $0x1;
	p0 =	seq.s32 s7, s2  }
0x1e: {  	s7 =	smul.u32 @!p0 $0xF7A, s2;
	p2 =	seq.s32 @!p0 s5, $0x0  }
0x1f: {  	s9 =	smul.u32 $0xF7A, s1;
	s8 =	simm.s32 @!p0 $0x1BF5;
	p2 =	por !p2, p0  }
0x20: {  	[sflag:s8] =	ssyncset.s32 @!p0 $0xFFFFF086;
	s6 =	sadd.s32 @!p0 s3, s7;
	s7 =	simm.s32 @!p0 $0x108  }
0x21: {  	s3 =	sadd.s32 s3, s9;
	s6 =	sadd.s32 @!p0 $0x88, s6;
	s7 =	simm.s32 @p2 $0x1082  }
0x22: {  	[simem:s7], [sflag:s8] =	dma.local @!p0 [hbm:s6], $0xF7A  }
0x23: {  	s9 =	sor.u32 $0xD0000000, s2;
	s6 =	simm.s32 $0x108;
	_ =	swait.ge @!p0 [sflag:s8], $0x0  }
0x24: {  	s3 =	sadd.s32 $0x88, s3;
	s6 =	simm.s32 @!p1 $0x1082;
	[sflag:s4] =	ssyncset.s32 $0xFFFFF086  }
0x25: {  	[simem:s6], [sflag:s4] =	dma.local [hbm:s3], $0xF7A  }
0x26: {  	[smem:$0x3F95] =	sst s1;
	(tag) =	ssettag s2;
	_ =	strace s9  }
0x27: {  	s1 =	sld [smem:$0x3FA5]  }
0x28: {  	s2 =	sld [smem:$0x3FA6]  }
0x29: {  	s4 =	sld [smem:$0x3FA8]  }
0x2a: {  	p0 =	seq.s32 s5, $0x0;
	s5 =	sld [smem:$0x3FA9]  }
0x2b: {  	s6 =	sld [smem:$0x3FAA]  }
0x2c: {  	s7 =	sld [smem:$0x3FAB]  }
0x2d: {  	s3 =	simm.s32 $0x108;
	s8 =	sld [smem:$0x3FAC]  }
0x2e: {  	s3 =	simm.s32 @!p0 $0x1082;
	s9 =	sld [smem:$0x3FAD]  }
0x2f: {  	lr =	sadd.s32 s0, s3;
	s0 =	sld [smem:$0x3FA4]  }
0x30: {  	s3 =	sld [smem:$0x3FA7]  }
0x31: {  	[smem:$0x3FB0] =	sst s10  }
0x32: {  	s10 =	sld [smem:$0x3FAE];
	_ =	sdelay $0x3  }
0x33: {  	p0 =	seq.s32 s10, $0x1;
	s10 =	sld [smem:$0x3FB0];
	_ =	sdelay $0x3  }
0x34: {  	[smem:$0x3FB0] =	sst s10  }
0x35: {  	s10 =	sld [smem:$0x3FAF];
	_ =	sdelay $0x3  }
0x36: {  	p1 =	seq.s32 s10, $0x1;
	s10 =	sld [smem:$0x3FB0];
	_ =	sdelay $0x3  }
0x37: {  	[smem:$0x3FB0] =	sst s10  }
0x38: {  	s10 =	sld [smem:$0x3FB1]  }
0x39: {  	_ = 	snop;
	(pc) =	sbr.ind lr, $3  }
0x3a: {  	_ = 	snop  }
0x3b: {  	_ = 	snop  }
0x3c: {  	p2 =	seq.s32 s10, $0x1;
	s10 =	sld [smem:$0x3FB0]  }
0x3d: {  	_ =	shalt  }
0x3e: {  	_ =	shalt  }
0x3f: {  	_ =	shalt  }
0x40: {  	_ =	shalt  }
0x41: {  	_ =	shalt  }
0x42: {  	_ =	shalt  }
0x43: {  	_ =	shalt  }
0x44: {  	_ =	shalt  }
0x45: {  	_ =	shalt  }
0x46: {  	_ =	shalt  }
0x47: {  	_ =	shalt  }
0x48: {  	_ =	shalt  }
0x49: {  	_ =	shalt  }
0x4a: {  	_ =	shalt  }
0x4b: {  	_ =	shalt  }
0x4c: {  	_ =	shalt  }
0x4d: {  	_ =	shalt  }
0x4e: {  	_ =	shalt  }
0x4f: {  	_ =	shalt  }
0x50: {  	_ =	shalt  }
0x51: {  	_ =	shalt  }
0x52: {  	_ =	shalt  }
0x53: {  	_ =	shalt  }
0x54: {  	_ =	shalt  }
0x55: {  	_ =	shalt  }
0x56: {  	_ =	shalt  }
0x57: {  	_ =	shalt  }
0x58: {  	_ =	shalt  }
0x59: {  	_ =	shalt  }
0x5a: {  	_ =	shalt  }
0x5b: {  	_ =	shalt  }
0x5c: {  	_ =	shalt  }
0x5d: {  	_ =	shalt  }
0x5e: {  	_ =	shalt  }
0x5f: {  	_ =	shalt  }
0x60: {  	_ =	shalt  }
0x61: {  	_ =	shalt  }
0x62: {  	_ =	shalt  }
0x63: {  	_ =	shalt  }
0x64: {  	_ =	shalt  }
0x65: {  	_ =	shalt  }
0x66: {  	_ =	shalt  }
0x67: {  	_ =	shalt  }
0x68: {  	_ =	shalt  }
0x69: {  	_ =	shalt  }
0x6a: {  	_ =	shalt  }
0x6b: {  	_ =	shalt  }
0x6c: {  	_ =	shalt  }
0x6d: {  	_ =	shalt  }
0x6e: {  	_ =	shalt  }
0x6f: {  	_ =	shalt  }
0x70: {  	_ =	shalt  }
0x71: {  	_ =	shalt  }
0x72: {  	_ =	shalt  }
0x73: {  	_ =	shalt  }
0x74: {  	_ =	shalt  }
0x75: {  	_ =	shalt  }
0x76: {  	_ =	shalt  }
0x77: {  	_ =	shalt  }
0x78: {  	_ =	shalt  }
0x79: {  	_ =	shalt  }
0x7a: {  	_ =	shalt  }
0x7b: {  	_ =	shalt  }
0x7c: {  	_ =	shalt  }
0x7d: {  	_ =	shalt  }
0x7e: {  	_ =	shalt  }
0x7f: {  	_ =	shalt  }
0x80: {  	_ =	shalt  }
0x81: {  	_ =	shalt  }
0x82: {  	_ =	shalt  }
0x83: {  	_ =	shalt  }
0x84: {  	_ =	shalt  }
0x85: {  	_ =	shalt  }
0x86: {  	_ =	shalt  }
0x87: {  	_ =	shalt  }
.Lfunc_end0:
.L_simem_size_0:
called_computation.2_lowered:
.L_overlay_start_0:
0x88: {  	s2 =	sld [smem:$0x3FD9]  }
0x89: {  	s3 =	sld [smem:$0x3FFE];
	_ =	sdelay $0x1  }
0x8a: {  	s1 =	srdreg.scid  }
0x8b: {  	s0 =	sand.u32 $0x1, s1  }
0x8c: {  	s17 =	sshll.u32 s0, $0xA;
	s2 =	sadd.s32 s3, s2  }
0x8d: {  	s2 =	sadd.s32 s2, s17  }
0x8e: {  	[smem:$0x3FBC] =	sst s2  }
0x8f: {  	_ = 	snop  }
0x90: {  	s2 =	sld [smem:$0x3FD0];
	(tm) =	ssettm $0x1  }
0x91: {  	s18 =	sld [smem:$0x3FFB];
	_ =	sdelay $0x3  }
0x92: {  	_ =	strace s18  }
0x93: {  	s3 =	sld [smem:$0x3FFC];
	_ =	sdelay $0x3  }
0x94: {  	_ =	strace s3  }
0x95: {  	s3 =	sld [smem:$0x3FFD];
	_ =	sdelay $0x3  }
0x96: {  	_ =	strace s3  }
0x97: {  	_ =	strace $0x8FFFFFFF  }
0x98: {  	s19 =	sld [smem:$0x3FDB];
	_ =	sdelay $0x1  }
0x99: {  	s4 =	simm.s32 $_scs_section_size  }
0x9a: {  	s5 =	simm.s32 $_size__tile_overlayer_lowered;
	s6 =	simm.s32 $_tile_overlayer_lowered  }
0x9b: {  	s22 =	simm.s32 $0x1BFF;
	s21 =	sshll.u32 s6, $0x1;
	s3 =	sadd.s32 s4, s19  }
0x9c: {  	s7 =	simm.s32 $0x0;
	s20 =	sshll.u32 s5, $0x1;
	s5 =	sadd.s32 s21, s3  }
0x9d: {  	[timem:s7], [sflag:s22] =	dma.local [hbm:s5], s20  }
0x9e: {  	_ =	swait.ge [sflag:s22], s20  }
0x9f: {  	s4 =	ssub.s32 $0x0, s20;
	[sflag:s22] =	ssyncset.done $0x0  }
0xa0: {  	[sflag:s22] =	ssyncadd.s32 s4;
	_ =	sdelay $0x1  }
0xa1: {  	s23 =	simm.s32 $0x1B8B  }
0xa2: {  	_ =	swait.ge [sflag:s23], $0x1  }
0xa3: {  	[sflag:s23] =	ssyncset.done $0x0  }
0xa4: {  	s25 =	simm.s32 $0x1B8E;
	s24 =	sld [smem:$0x3FFE];
	[sflag:s23] =	ssyncadd.s32 $0xFFFFFFFF  }
0xa5: {  	s26 =	simm.s32 $execute0_lowered;
	[smem:$0x3FD2] =	sst s25  }
0xa6: {  	s5 =	sshll.u32 s26, $0x1;
	_ =	strace $0x8000004C;
	[dreg:$0x1] =	wrdreg $0xFFFFFFFF  }
0xa7: {  	s28 =	simm.s32 $_size_execute0_lowered;
	s3 =	sadd.s32 s3, s5;
	[dreg:$0x0] =	wrdreg $0x0  }
0xa8: {  	s5 =	sshll.u32 s28, $0x1;
	[dreg:$0x2] =	wrdreg s3  }
0xa9: {  	[dreg:$0x3] =	wrdreg s5  }
0xaa: {  	[dreg:$0x4] =	wrdreg $0xC0  }
0xab: {  	_ =	task [dreg:s7], $0x5FFFF  }
0xac: {  	[dreg:$0x1] =	wrdreg $0xFFFFFFFF  }
0xad: {  	[dreg:$0x0] =	wrdreg $0x60  }
0xae: {  	[dreg:$0x2] =	wrdreg s24  }
0xaf: {  	[dreg:$0x3] =	wrdreg s2  }
0xb0: {  	[dreg:$0x4] =	wrdreg $0x60000  }
0xb1: {  	[dreg:$0x5] =	wrdreg $0x9  }
0xb2: {  	_ =	task.clear_ibuf [dreg:s7], $0x6FFFF;
	_ =	strace $0x9000004C  }
0xb3: {  	s29 =	simm.s32 $0x9;
	_ =	strace $0x8000004E  }
0xb4: {  	_ =	swait.ge [sflag:s29], $0x1  }
0xb5: {  	[sflag:s29] =	ssyncadd.s32 $0xFFFFFFFF  }
0xb6: {  	_ =	strace $0x9000004E  }
0xb7: {  	_ =	sfence  }
0xb8: {  	s30 =	sld [smem:$0x0];
	_ =	sdelay $0x2  }
0xb9: {  	s31 =	sshll.u32 s1, $0xD;
	s1 =	sshrl.u32 s1, $0x2  }
0xba: {  	s3 =	sand.u32 $0x4000, s31;
	s1 =	sadd.s32 s1, s30  }
0xbb: {  	s0 =	sor.u32 s3, s0;
	s1 =	sshll.u32 s1, $0x11  }
0xbc: {  	s0 =	sor.u32 s1, s0  }
0xbd: {  	s0 =	sadd.s32 $0x8F2B, s0  }
0xbe: {  	[sflag:s0] =	ssyncadd.remote.s32 $0x1  }
0xbf: {  	_ =	sfence.sel $0xFFFF  }
0xc0: {  	[dreg:$0x0] =	wrdreg $0xFFFFFFFF;
	(pc) =	sbr.abs _section_cstart, $3  }
0xc1: {  	[dreg:$0x1] =	wrdreg $0xFFFFFFFF  }
0xc2: {  	_ =	task.clear_ibuf [dreg:s7], $0x2FFFF;
	_ =	strace $0x9FFFFFFF  }
0xc3: {  	(tm) =	ssettm $0x7FFFFFFF  }
tec
execute0_lowered:
.L_overlay_start_1:
0x0: {  	(tag) =	ssettag $0x1  }
0x1: {  	s0 =	rddreg [dreg:$0x0]  }
0x2: {  	s1 =	rddreg [dreg:$0x1];
	s12 =	stileid.u32  }
0x3: {  	s3 =	srdreg.scid;
	s2 =	rddreg [dreg:$0x2];
	s13 =	simm.s32 $0x100  }
0x4: {  	s14 =	simm.s32 $0x880;
	s16 =	simm.s32 $0x180;
	s17 =	simm.s32 $0x900  }
0x5: {  	s18 =	simm.s32 $0x200;
	s20 =	simm.s32 $0x980;
	s21 =	simm.s32 $0x280  }
0x6: {  	s22 =	simm.s32 $0xA00;
	s23 =	simm.s32 $0x300;
	s24 =	simm.s32 $0xA80  }
0x7: {  	s28 =	simm.s32 $0x680;
	s29 =	simm.s32 $0xE00;
	s30 =	simm.s32 $0x700  }
0x8: {  	s31 =	simm.s32 $0xE80;
	s5 =	sand.u32 $0x1, s3;
	s3 =	simm.s32 $0x0  }
0x9: {  	s6 =	smul.u32 $0x14000, s12;
	s4 =	sadd.s32 $0xB1800, s0;
	[smem:$0x7FF] =	sst s3  }
0xa: {  	s8 =	sshll.u32 s12, $0xC;
	_ =	strace $0x8000004D;
	[dreg:$0x7] =	wrdreg s13  }
0xb: {  	s11 =	smul.u32 $0x50000, s12;
	s15 =	sshll.u32 s12, $0x6;
	[dreg:$0x8] =	wrdreg s14  }
0xc: {  	s12 =	simm.s32 $0x50;
	s7 =	smul.u32 $0x140000, s5;
	[dreg:$0x9] =	wrdreg s16  }
0xd: {  	s9 =	ssub.s32 $0x2, s5;
	s10 =	sadd.s32 s8, s0;
	[dreg:$0xa] =	wrdreg s17  }
0xe: {  	s5 =	sshll.u32 s5, $0xB;
	s1 =	sadd.s32 s8, s1;
	[dreg:$0xb] =	wrdreg s18  }
0xf: {  	s8 =	sor.u32 $0x1C03, s15;
	s15 =	simm.s32 $0x1;
	[dreg:$0xc] =	wrdreg s20  }
0x10: {  	s25 =	sshrl.u32 s9, $0x1;
	s1 =	sadd.s32 s5, s1;
	[dreg:$0xd] =	wrdreg s21  }
0x11: {  	s5 =	sadd.s32 s5, s10;
	s26 =	sshrl.u32 s11, $0x2;
	[dreg:$0xe] =	wrdreg s22  }
0x12: {  	s11 =	simm.s32 $0x80;
	[dreg:$0xf] =	wrdreg s23;
	s13 =	simm.s32 $0x1000  }
0x13: {  	[dreg:$0x10] =	wrdreg s24;
	s14 =	simm.s32 $0x3800;
	s16 =	simm.s32 $0x2  }
0x14: {  	s17 =	simm.s32 $0x400;
	s18 =	simm.s32 $0xB80;
	s20 =	simm.s32 $0xC00  }
0x15: {  	s21 =	simm.s32 $0x500;
	s22 =	simm.s32 $0xC80;
	s23 =	simm.s32 $0x580  }
0x16: {  	s24 =	simm.s32 $0xD00;
	[dreg:$0x14] =	wrdreg s8;
	s7 =	sadd.s32 s6, s7  }
0x17: {  	[dreg:$0x4] =	wrdreg s1;
	s10 =	sadd.s32 s26, s2;
	s6 =	sshrl.u32 s6, $0x3  }
0x18: {  	[dreg:$0x6] =	wrdreg s11;
	s11 =	simm.s32 $0x800;
	s26 =	simm.s32 $0xB00  }
0x19: {  	s1 =	simm.s32 $0x780;
	s7 =	sshrl.u32 s7, $0x3;
	s6 =	sadd.s32 s4, s6  }
0x1a: {  	[dreg:$0x12] =	wrdreg s26;
	s26 =	simm.s32 $0xD80;
	s0 =	sadd.s32 s7, s0  }
0x1b: {  	s7 =	ssub.s32 s9, s25;
	s9 =	sadd.s32 $0xA1800, s5;
	[dreg:$0x13] =	wrdreg s6  }
0x1c: {  	s25 =	simm.s32 $0x380;
	s5 =	simm.s32 $0xF80;
	[dreg:$0x5] =	wrdreg s9  }
0x1d: {  	s0 =	sadd.s32 $0x29200, s0;
	s19 =	smax.u32 s7, $0x1;
	[dreg:$0x11] =	wrdreg s25  }
0x1e: {  	s7 =	sshrl.u32 s10, $0x3;
	s10 =	simm.s32 $0x3;
	[dreg:$0x15] =	wrdreg s0  }
0x1f: {  	s25 =	simm.s32 $0x600;
	s9 =	simm.s32 $0x0;
	[dreg:$0x16] =	wrdreg s19  }
0x20: {  	s19 =	simm.s32 $0x480;
	s0 =	simm.s32 $0xF00;
	[dreg:$0x17] =	wrdreg s7  }
.LBB2_1:
0x21: {  	[dreg:$0x18] =	wrdreg s9  }
0x22: {  	s6 =	rddreg [dreg:$0x13]  }
0x23: {  	[spmem:s7], [sflag:s8] =	dma.local [hbm:s6], $0x2800  }
0x24: {  	_ =	swait.ge [sflag:s10], $0x2800  }
0x25: {  	[sflag:s10] =	ssyncset.done $0x0  }
0x26: {  	[sflag:s10] =	ssyncadd.s32 $0xFFFFD800  }
0x27: {  	[bflag:$0x0] =	sbarrier.arrive $0xFFFF  }
0x28: {  	s7 =	rddreg [dreg:$0x5]  }
0x29: {  	s6 =	sadd.s32 $0x0, s7  }
0x2a: {  	[tilespmem:s3], [sflag:$0x3] =	stream.linear.gather [hbm4b:s6+s3], $0x800, $0x38;
	[tilespmem:$0x1A000] =	vst v63  }
0x2b: {  	_ =	swait.ge [sflag:s10], $0x800  }
0x2c: {  	s8 =	rddreg [dreg:$0x4];
	[sflag:s10] =	ssyncset.done $0x0  }
0x2d: {  	[sflag:s10] =	ssyncadd.s32 $0xFFFFF800;
	s6 =	sadd.s32 $0x0, s8  }
0x2e: {  	[tilespmem:s11], [sflag:$0x3] =	stream.linear.gather [hbm4b:s6+s3], $0x800, $0x38;
	[tilespmem:$0x1A000] =	vst v63  }
0x2f: {  	_ =	swait.ge [sflag:s10], $0x800  }
0x30: {  	[sflag:s10] =	ssyncset.done $0x0  }
0x31: {  	[sflag:s10] =	ssyncadd.s32 $0xFFFFF800  }
0x32: {  	[tilespmem:s13], [sflag:$0x1] =	stream.indirect.gather [hbm4b:s4+s12], $0x80, s3, s12, $0xb8;
	[tilespmem:$0x1A000] =	vst v63  }
0x33: {  	s9 =	rddreg [dreg:$0x6]  }
0x34: {  	[tilespmem:s14], [sflag:$0x2] =	stream.indirect.gather [hbm4b:s4+s12], $0x80, s9, s12, $0xb8;
	[tilespmem:$0x1A000] =	vst v63  }
0x35: {  	_ =	swait.ge [sflag:s15], $0x2800  }
0x36: {  	[sflag:s15] =	ssyncset.done $0x0  }
0x37: {  	[sflag:s15] =	ssyncadd.s32 $0xFFFFD800  }
0x38: {  	[spmem:s2] =	stream.indirect.scatter.add.f32 [tilespmem:s13], [sflag:$0x3], $0x80, s11, s12, $0xb8;
	[tilespmem:$0x1A000] =	vst v63  }
0x39: {  	_ =	swait.ge [sflag:s10], $0x2800  }
0x3a: {  	[sflag:s10] =	ssyncset.done $0x0  }
0x3b: {  	s7 =	rddreg [dreg:$0x7];
	[sflag:s10] =	ssyncadd.s32 $0xFFFFD800  }
0x3c: {  	[tilespmem:s13], [sflag:$0x1] =	stream.indirect.gather [hbm4b:s4+s12], $0x80, s7, s12, $0xb8;
	[tilespmem:$0x1A000] =	vst v63  }
0x3d: {  	_ =	swait.ge [sflag:s16], $0x2800  }
0x3e: {  	[sflag:s16] =	ssyncset.done $0x0  }
0x3f: {  	s8 =	rddreg [dreg:$0x8];
	[sflag:s16] =	ssyncadd.s32 $0xFFFFD800  }
0x40: {  	[spmem:s2] =	stream.indirect.scatter.add.f32 [tilespmem:s14], [sflag:$0x3], $0x80, s8, s12, $0xb8;
	[tilespmem:$0x1A000] =	vst v63  }
0x41: {  	_ =	swait.ge [sflag:s10], $0x2800  }
0x42: {  	[sflag:s10] =	ssyncset.done $0x0  }
0x43: {  	s9 =	rddreg [dreg:$0x9];
	[sflag:s10] =	ssyncadd.s32 $0xFFFFD800  }
0x44: {  	[tilespmem:s14], [sflag:$0x2] =	stream.indirect.gather [hbm4b:s4+s12], $0x80, s9, s12, $0xb8;
	[tilespmem:$0x1A000] =	vst v63  }
0x45: {  	_ =	swait.ge [sflag:s15], $0x2800  }
0x46: {  	[sflag:s15] =	ssyncset.done $0x0  }
0x47: {  	s7 =	rddreg [dreg:$0xa];
	[sflag:s15] =	ssyncadd.s32 $0xFFFFD800  }
0x48: {  	[spmem:s2] =	stream.indirect.scatter.add.f32 [tilespmem:s13], [sflag:$0x3], $0x80, s7, s12, $0xb8;
	[tilespmem:$0x1A000] =	vst v63  }
0x49: {  	_ =	swait.ge [sflag:s10], $0x2800  }
0x4a: {  	[sflag:s10] =	ssyncset.done $0x0  }
0x4b: {  	s8 =	rddreg [dreg:$0xb];
	[sflag:s10] =	ssyncadd.s32 $0xFFFFD800  }
0x4c: {  	[tilespmem:s13], [sflag:$0x1] =	stream.indirect.gather [hbm4b:s4+s12], $0x80, s8, s12, $0xb8;
	[tilespmem:$0x1A000] =	vst v63  }
0x4d: {  	_ =	swait.ge [sflag:s16], $0x2800  }
0x4e: {  	[sflag:s16] =	ssyncset.done $0x0  }
0x4f: {  	s9 =	rddreg [dreg:$0xc];
	[sflag:s16] =	ssyncadd.s32 $0xFFFFD800  }
0x50: {  	[spmem:s2] =	stream.indirect.scatter.add.f32 [tilespmem:s14], [sflag:$0x3], $0x80, s9, s12, $0xb8;
	[tilespmem:$0x1A000] =	vst v63  }
0x51: {  	_ =	swait.ge [sflag:s10], $0x2800  }
0x52: {  	[sflag:s10] =	ssyncset.done $0x0  }
0x53: {  	s7 =	rddreg [dreg:$0xd];
	[sflag:s10] =	ssyncadd.s32 $0xFFFFD800  }
0x54: {  	[tilespmem:s14], [sflag:$0x2] =	stream.indirect.gather [hbm4b:s4+s12], $0x80, s7, s12, $0xb8;
	[tilespmem:$0x1A000] =	vst v63  }
0x55: {  	_ =	swait.ge [sflag:s15], $0x2800  }
0x56: {  	[sflag:s15] =	ssyncset.done $0x0  }
0x57: {  	s8 =	rddreg [dreg:$0xe];
	[sflag:s15] =	ssyncadd.s32 $0xFFFFD800  }
0x58: {  	[spmem:s2] =	stream.indirect.scatter.add.f32 [tilespmem:s13], [sflag:$0x3], $0x80, s8, s12, $0xb8;
	[tilespmem:$0x1A000] =	vst v63  }
0x59: {  	_ =	swait.ge [sflag:s10], $0x2800  }
0x5a: {  	[sflag:s10] =	ssyncset.done $0x0  }
0x5b: {  	s9 =	rddreg [dreg:$0xf];
	[sflag:s10] =	ssyncadd.s32 $0xFFFFD800  }
0x5c: {  	[tilespmem:s13], [sflag:$0x1] =	stream.indirect.gather [hbm4b:s4+s12], $0x80, s9, s12, $0xb8;
	[tilespmem:$0x1A000] =	vst v63  }
0x5d: {  	_ =	swait.ge [sflag:s16], $0x2800  }
0x5e: {  	[sflag:s16] =	ssyncset.done $0x0  }
0x5f: {  	s7 =	rddreg [dreg:$0x10];
	[sflag:s16] =	ssyncadd.s32 $0xFFFFD800  }
0x60: {  	[spmem:s2] =	stream.indirect.scatter.add.f32 [tilespmem:s14], [sflag:$0x3], $0x80, s7, s12, $0xb8;
	[tilespmem:$0x1A000] =	vst v63  }
0x61: {  	_ =	swait.ge [sflag:s10], $0x2800  }
0x62: {  	[sflag:s10] =	ssyncset.done $0x0  }
0x63: {  	s8 =	rddreg [dreg:$0x11];
	[sflag:s10] =	ssyncadd.s32 $0xFFFFD800  }
0x64: {  	[tilespmem:s14], [sflag:$0x2] =	stream.indirect.gather [hbm4b:s4+s12], $0x80, s8, s12, $0xb8;
	[tilespmem:$0x1A000] =	vst v63  }
0x65: {  	_ =	swait.ge [sflag:s15], $0x2800  }
0x66: {  	[sflag:s15] =	ssyncset.done $0x0  }
0x67: {  	s9 =	rddreg [dreg:$0x12];
	[sflag:s15] =	ssyncadd.s32 $0xFFFFD800  }
0x68: {  	[spmem:s2] =	stream.indirect.scatter.add.f32 [tilespmem:s13], [sflag:$0x3], $0x80, s9, s12, $0xb8;
	[tilespmem:$0x1A000] =	vst v63  }
0x69: {  	_ =	swait.ge [sflag:s10], $0x2800  }
0x6a: {  	[sflag:s10] =	ssyncset.done $0x0  }
0x6b: {  	[sflag:s10] =	ssyncadd.s32 $0xFFFFD800  }
0x6c: {  	[tilespmem:s13], [sflag:$0x1] =	stream.indirect.gather [hbm4b:s4+s12], $0x80, s17, s12, $0xb8;
	[tilespmem:$0x1A000] =	vst v63  }
0x6d: {  	_ =	swait.ge [sflag:s16], $0x2800  }
0x6e: {  	[sflag:s16] =	ssyncset.done $0x0  }
0x6f: {  	[sflag:s16] =	ssyncadd.s32 $0xFFFFD800  }
0x70: {  	[spmem:s2] =	stream.indirect.scatter.add.f32 [tilespmem:s14], [sflag:$0x3], $0x80, s18, s12, $0xb8;
	[tilespmem:$0x1A000] =	vst v63  }
0x71: {  	_ =	swait.ge [sflag:s10], $0x2800  }
0x72: {  	[sflag:s10] =	ssyncset.done $0x0  }
0x73: {  	[sflag:s10] =	ssyncadd.s32 $0xFFFFD800  }
0x74: {  	[tilespmem:s14], [sflag:$0x2] =	stream.indirect.gather [hbm4b:s4+s12], $0x80, s19, s12, $0xb8;
	[tilespmem:$0x1A000] =	vst v63  }
0x75: {  	_ =	swait.ge [sflag:s15], $0x2800  }
0x76: {  	[sflag:s15] =	ssyncset.done $0x0  }
0x77: {  	[sflag:s15] =	ssyncadd.s32 $0xFFFFD800  }
0x78: {  	[spmem:s2] =	stream.indirect.scatter.add.f32 [tilespmem:s13], [sflag:$0x3], $0x80, s20, s12, $0xb8;
	[tilespmem:$0x1A000] =	vst v63  }
0x79: {  	_ =	swait.ge [sflag:s10], $0x2800  }
0x7a: {  	[sflag:s10] =	ssyncset.done $0x0  }
0x7b: {  	[sflag:s10] =	ssyncadd.s32 $0xFFFFD800  }
0x7c: {  	[tilespmem:s13], [sflag:$0x1] =	stream.indirect.gather [hbm4b:s4+s12], $0x80, s21, s12, $0xb8;
	[tilespmem:$0x1A000] =	vst v63  }
0x7d: {  	_ =	swait.ge [sflag:s16], $0x2800  }
0x7e: {  	[sflag:s16] =	ssyncset.done $0x0  }
0x7f: {  	[sflag:s16] =	ssyncadd.s32 $0xFFFFD800  }
0x80: {  	[spmem:s2] =	stream.indirect.scatter.add.f32 [tilespmem:s14], [sflag:$0x3], $0x80, s22, s12, $0xb8;
	[tilespmem:$0x1A000] =	vst v63  }
0x81: {  	_ =	swait.ge [sflag:s10], $0x2800  }
0x82: {  	[sflag:s10] =	ssyncset.done $0x0  }
0x83: {  	[sflag:s10] =	ssyncadd.s32 $0xFFFFD800  }
0x84: {  	[tilespmem:s14], [sflag:$0x2] =	stream.indirect.gather [hbm4b:s4+s12], $0x80, s23, s12, $0xb8;
	[tilespmem:$0x1A000] =	vst v63  }
0x85: {  	_ =	swait.ge [sflag:s15], $0x2800  }
0x86: {  	[sflag:s15] =	ssyncset.done $0x0  }
0x87: {  	[sflag:s15] =	ssyncadd.s32 $0xFFFFD800  }
0x88: {  	[spmem:s2] =	stream.indirect.scatter.add.f32 [tilespmem:s13], [sflag:$0x3], $0x80, s24, s12, $0xb8;
	[tilespmem:$0x1A000] =	vst v63  }
0x89: {  	_ =	swait.ge [sflag:s10], $0x2800  }
0x8a: {  	[sflag:s10] =	ssyncset.done $0x0  }
0x8b: {  	[sflag:s10] =	ssyncadd.s32 $0xFFFFD800  }
0x8c: {  	[tilespmem:s13], [sflag:$0x1] =	stream.indirect.gather [hbm4b:s4+s12], $0x80, s25, s12, $0xb8;
	[tilespmem:$0x1A000] =	vst v63  }
0x8d: {  	_ =	swait.ge [sflag:s16], $0x2800  }
0x8e: {  	[sflag:s16] =	ssyncset.done $0x0  }
0x8f: {  	[sflag:s16] =	ssyncadd.s32 $0xFFFFD800  }
0x90: {  	[spmem:s2] =	stream.indirect.scatter.add.f32 [tilespmem:s14], [sflag:$0x3], $0x80, s26, s12, $0xb8;
	[tilespmem:$0x1A000] =	vst v63  }
0x91: {  	_ =	swait.ge [sflag:s10], $0x2800  }
0x92: {  	[sflag:s10] =	ssyncset.done $0x0  }
0x93: {  	[sflag:s10] =	ssyncadd.s32 $0xFFFFD800  }
0x94: {  	[tilespmem:s14], [sflag:$0x2] =	stream.indirect.gather [hbm4b:s4+s12], $0x80, s28, s12, $0xb8;
	[tilespmem:$0x1A000] =	vst v63  }
0x95: {  	_ =	swait.ge [sflag:s15], $0x2800  }
0x96: {  	[sflag:s15] =	ssyncset.done $0x0  }
0x97: {  	[sflag:s15] =	ssyncadd.s32 $0xFFFFD800  }
0x98: {  	[spmem:s2] =	stream.indirect.scatter.add.f32 [tilespmem:s13], [sflag:$0x3], $0x80, s29, s12, $0xb8;
	[tilespmem:$0x1A000] =	vst v63  }
0x99: {  	_ =	swait.ge [sflag:s10], $0x2800  }
0x9a: {  	[sflag:s10] =	ssyncset.done $0x0  }
0x9b: {  	[sflag:s10] =	ssyncadd.s32 $0xFFFFD800  }
0x9c: {  	[tilespmem:s13], [sflag:$0x1] =	stream.indirect.gather [hbm4b:s4+s12], $0x80, s30, s12, $0xb8;
	[tilespmem:$0x1A000] =	vst v63  }
0x9d: {  	_ =	swait.ge [sflag:s16], $0x2800  }
0x9e: {  	[sflag:s16] =	ssyncset.done $0x0  }
0x9f: {  	[sflag:s16] =	ssyncadd.s32 $0xFFFFD800  }
0xa0: {  	[spmem:s2] =	stream.indirect.scatter.add.f32 [tilespmem:s14], [sflag:$0x3], $0x80, s31, s12, $0xb8;
	[tilespmem:$0x1A000] =	vst v63  }
0xa1: {  	_ =	swait.ge [sflag:s10], $0x2800  }
0xa2: {  	[sflag:s10] =	ssyncset.done $0x0  }
0xa3: {  	[sflag:s10] =	ssyncadd.s32 $0xFFFFD800  }
0xa4: {  	[tilespmem:s14], [sflag:$0x2] =	stream.indirect.gather [hbm4b:s4+s12], $0x80, s1, s12, $0xb8;
	[tilespmem:$0x1A000] =	vst v63  }
0xa5: {  	_ =	swait.ge [sflag:s15], $0x2800  }
0xa6: {  	[sflag:s15] =	ssyncset.done $0x0  }
0xa7: {  	[sflag:s15] =	ssyncadd.s32 $0xFFFFD800  }
0xa8: {  	[spmem:s2] =	stream.indirect.scatter.add.f32 [tilespmem:s13], [sflag:$0x3], $0x80, s0, s12, $0xb8;
	[tilespmem:$0x1A000] =	vst v63  }
0xa9: {  	_ =	swait.ge [sflag:s10], $0x2800  }
0xaa: {  	[sflag:s10] =	ssyncset.done $0x0  }
0xab: {  	[sflag:s10] =	ssyncadd.s32 $0xFFFFD800  }
0xac: {  	_ =	swait.ge [sflag:s16], $0x2800  }
0xad: {  	[sflag:s16] =	ssyncset.done $0x0  }
0xae: {  	[sflag:s16] =	ssyncadd.s32 $0xFFFFD800  }
0xaf: {  	[spmem:s2] =	stream.indirect.scatter.add.f32 [tilespmem:s14], [sflag:$0x3], $0x80, s5, s12, $0xb8;
	[tilespmem:$0x1A000] =	vst v63  }
0xb0: {  	s6 =	simm.s32 $0x200;
	_ =	swait.ge [sflag:s10], $0x2800  }
0xb1: {  	s8 =	simm.s32 $0x100;
	s9 =	rddreg [dreg:$0x5];
	[sflag:s10] =	ssyncset.done $0x0  }
.LBB2_2:
0xb2: {  	[sflag:s10] =	ssyncadd.s32 $0xFFFFD800;
	s9 =	sadd.s32 s8, s9  }
0xb3: {  	[tilespmem:s3], [sflag:$0x3] =	stream.linear.gather [hbm4b:s9+s3], $0x800, $0x38;
	[tilespmem:$0x1A000] =	vst v63  }
0xb4: {  	_ =	swait.ge [sflag:s10], $0x800  }
0xb5: {  	s9 =	rddreg [dreg:$0x4];
	[sflag:s10] =	ssyncset.done $0x0  }
0xb6: {  	[sflag:s10] =	ssyncadd.s32 $0xFFFFF800;
	s9 =	sadd.s32 s8, s9  }
0xb7: {  	[tilespmem:s11], [sflag:$0x3] =	stream.linear.gather [hbm4b:s9+s3], $0x800, $0x38;
	[tilespmem:$0x1A000] =	vst v63  }
0xb8: {  	_ =	swait.ge [sflag:s10], $0x800  }
0xb9: {  	[sflag:s10] =	ssyncset.done $0x0  }
0xba: {  	[sflag:s10] =	ssyncadd.s32 $0xFFFFF800  }
0xbb: {  	[tilespmem:s13], [sflag:$0x1] =	stream.indirect.gather [hbm4b:s4+s12], $0x80, s3, s12, $0xb8;
	[tilespmem:$0x1A000] =	vst v63  }
0xbc: {  	s9 =	rddreg [dreg:$0x6]  }
0xbd: {  	[tilespmem:s14], [sflag:$0x2] =	stream.indirect.gather [hbm4b:s4+s12], $0x80, s9, s12, $0xb8;
	[tilespmem:$0x1A000] =	vst v63  }
0xbe: {  	_ =	swait.ge [sflag:s15], $0x2800  }
0xbf: {  	[sflag:s15] =	ssyncset.done $0x0  }
0xc0: {  	[sflag:s15] =	ssyncadd.s32 $0xFFFFD800  }
0xc1: {  	[spmem:s2] =	stream.indirect.scatter.add.f32 [tilespmem:s13], [sflag:$0x3], $0x80, s11, s12, $0xb8;
	[tilespmem:$0x1A000] =	vst v63  }
0xc2: {  	_ =	swait.ge [sflag:s10], $0x2800  }
0xc3: {  	[sflag:s10] =	ssyncset.done $0x0  }
0xc4: {  	s9 =	rddreg [dreg:$0x7];
	[sflag:s10] =	ssyncadd.s32 $0xFFFFD800  }
0xc5: {  	[tilespmem:s13], [sflag:$0x1] =	stream.indirect.gather [hbm4b:s4+s12], $0x80, s9, s12, $0xb8;
	[tilespmem:$0x1A000] =	vst v63  }
0xc6: {  	_ =	swait.ge [sflag:s16], $0x2800  }
0xc7: {  	[sflag:s16] =	ssyncset.done $0x0  }
0xc8: {  	s9 =	rddreg [dreg:$0x8];
	[sflag:s16] =	ssyncadd.s32 $0xFFFFD800  }
0xc9: {  	[spmem:s2] =	stream.indirect.scatter.add.f32 [tilespmem:s14], [sflag:$0x3], $0x80, s9, s12, $0xb8;
	[tilespmem:$0x1A000] =	vst v63  }
0xca: {  	_ =	swait.ge [sflag:s10], $0x2800  }
0xcb: {  	[sflag:s10] =	ssyncset.done $0x0  }
0xcc: {  	s9 =	rddreg [dreg:$0x9];
	[sflag:s10] =	ssyncadd.s32 $0xFFFFD800  }
0xcd: {  	[tilespmem:s14], [sflag:$0x2] =	stream.indirect.gather [hbm4b:s4+s12], $0x80, s9, s12, $0xb8;
	[tilespmem:$0x1A000] =	vst v63  }
0xce: {  	_ =	swait.ge [sflag:s15], $0x2800  }
0xcf: {  	[sflag:s15] =	ssyncset.done $0x0  }
0xd0: {  	s9 =	rddreg [dreg:$0xa];
	[sflag:s15] =	ssyncadd.s32 $0xFFFFD800  }
0xd1: {  	[spmem:s2] =	stream.indirect.scatter.add.f32 [tilespmem:s13], [sflag:$0x3], $0x80, s9, s12, $0xb8;
	[tilespmem:$0x1A000] =	vst v63  }
0xd2: {  	_ =	swait.ge [sflag:s10], $0x2800  }
0xd3: {  	[sflag:s10] =	ssyncset.done $0x0  }
0xd4: {  	s9 =	rddreg [dreg:$0xb];
	[sflag:s10] =	ssyncadd.s32 $0xFFFFD800  }
0xd5: {  	[tilespmem:s13], [sflag:$0x1] =	stream.indirect.gather [hbm4b:s4+s12], $0x80, s9, s12, $0xb8;
	[tilespmem:$0x1A000] =	vst v63  }
0xd6: {  	_ =	swait.ge [sflag:s16], $0x2800  }
0xd7: {  	[sflag:s16] =	ssyncset.done $0x0  }
0xd8: {  	s9 =	rddreg [dreg:$0xc];
	[sflag:s16] =	ssyncadd.s32 $0xFFFFD800  }
0xd9: {  	[spmem:s2] =	stream.indirect.scatter.add.f32 [tilespmem:s14], [sflag:$0x3], $0x80, s9, s12, $0xb8;
	[tilespmem:$0x1A000] =	vst v63  }
0xda: {  	_ =	swait.ge [sflag:s10], $0x2800  }
0xdb: {  	[sflag:s10] =	ssyncset.done $0x0  }
0xdc: {  	s9 =	rddreg [dreg:$0xd];
	[sflag:s10] =	ssyncadd.s32 $0xFFFFD800  }
0xdd: {  	[tilespmem:s14], [sflag:$0x2] =	stream.indirect.gather [hbm4b:s4+s12], $0x80, s9, s12, $0xb8;
	[tilespmem:$0x1A000] =	vst v63  }
0xde: {  	_ =	swait.ge [sflag:s15], $0x2800  }
0xdf: {  	[sflag:s15] =	ssyncset.done $0x0  }
0xe0: {  	s9 =	rddreg [dreg:$0xe];
	[sflag:s15] =	ssyncadd.s32 $0xFFFFD800  }
0xe1: {  	[spmem:s2] =	stream.indirect.scatter.add.f32 [tilespmem:s13], [sflag:$0x3], $0x80, s9, s12, $0xb8;
	[tilespmem:$0x1A000] =	vst v63  }
0xe2: {  	_ =	swait.ge [sflag:s10], $0x2800  }
0xe3: {  	[sflag:s10] =	ssyncset.done $0x0  }
0xe4: {  	s9 =	rddreg [dreg:$0xf];
	[sflag:s10] =	ssyncadd.s32 $0xFFFFD800  }
0xe5: {  	[tilespmem:s13], [sflag:$0x1] =	stream.indirect.gather [hbm4b:s4+s12], $0x80, s9, s12, $0xb8;
	[tilespmem:$0x1A000] =	vst v63  }
0xe6: {  	_ =	swait.ge [sflag:s16], $0x2800  }
0xe7: {  	[sflag:s16] =	ssyncset.done $0x0  }
0xe8: {  	s9 =	rddreg [dreg:$0x10];
	[sflag:s16] =	ssyncadd.s32 $0xFFFFD800  }
0xe9: {  	[spmem:s2] =	stream.indirect.scatter.add.f32 [tilespmem:s14], [sflag:$0x3], $0x80, s9, s12, $0xb8;
	[tilespmem:$0x1A000] =	vst v63  }
0xea: {  	_ =	swait.ge [sflag:s10], $0x2800  }
0xeb: {  	[sflag:s10] =	ssyncset.done $0x0  }
0xec: {  	s9 =	rddreg [dreg:$0x11];
	[sflag:s10] =	ssyncadd.s32 $0xFFFFD800  }
0xed: {  	[tilespmem:s14], [sflag:$0x2] =	stream.indirect.gather [hbm4b:s4+s12], $0x80, s9, s12, $0xb8;
	[tilespmem:$0x1A000] =	vst v63  }
0xee: {  	_ =	swait.ge [sflag:s15], $0x2800  }
0xef: {  	[sflag:s15] =	ssyncset.done $0x0  }
0xf0: {  	s9 =	rddreg [dreg:$0x12];
	[sflag:s15] =	ssyncadd.s32 $0xFFFFD800  }
0xf1: {  	[spmem:s2] =	stream.indirect.scatter.add.f32 [tilespmem:s13], [sflag:$0x3], $0x80, s9, s12, $0xb8;
	[tilespmem:$0x1A000] =	vst v63  }
0xf2: {  	_ =	swait.ge [sflag:s10], $0x2800  }
0xf3: {  	[sflag:s10] =	ssyncset.done $0x0  }
0xf4: {  	[sflag:s10] =	ssyncadd.s32 $0xFFFFD800  }
0xf5: {  	[tilespmem:s13], [sflag:$0x1] =	stream.indirect.gather [hbm4b:s4+s12], $0x80, s17, s12, $0xb8;
	[tilespmem:$0x1A000] =	vst v63  }
0xf6: {  	_ =	swait.ge [sflag:s16], $0x2800  }
0xf7: {  	[sflag:s16] =	ssyncset.done $0x0  }
0xf8: {  	[sflag:s16] =	ssyncadd.s32 $0xFFFFD800  }
0xf9: {  	[spmem:s2] =	stream.indirect.scatter.add.f32 [tilespmem:s14], [sflag:$0x3], $0x80, s18, s12, $0xb8;
	[tilespmem:$0x1A000] =	vst v63  }
0xfa: {  	_ =	swait.ge [sflag:s10], $0x2800  }
0xfb: {  	[sflag:s10] =	ssyncset.done $0x0  }
0xfc: {  	[sflag:s10] =	ssyncadd.s32 $0xFFFFD800  }
0xfd: {  	[tilespmem:s14], [sflag:$0x2] =	stream.indirect.gather [hbm4b:s4+s12], $0x80, s19, s12, $0xb8;
	[tilespmem:$0x1A000] =	vst v63  }
0xfe: {  	_ =	swait.ge [sflag:s15], $0x2800  }
0xff: {  	[sflag:s15] =	ssyncset.done $0x0  }
0x100: {  	[sflag:s15] =	ssyncadd.s32 $0xFFFFD800  }
0x101: {  	[spmem:s2] =	stream.indirect.scatter.add.f32 [tilespmem:s13], [sflag:$0x3], $0x80, s20, s12, $0xb8;
	[tilespmem:$0x1A000] =	vst v63  }
0x102: {  	_ =	swait.ge [sflag:s10], $0x2800  }
0x103: {  	[sflag:s10] =	ssyncset.done $0x0  }
0x104: {  	[sflag:s10] =	ssyncadd.s32 $0xFFFFD800  }
0x105: {  	[tilespmem:s13], [sflag:$0x1] =	stream.indirect.gather [hbm4b:s4+s12], $0x80, s21, s12, $0xb8;
	[tilespmem:$0x1A000] =	vst v63  }
0x106: {  	_ =	swait.ge [sflag:s16], $0x2800  }
0x107: {  	[sflag:s16] =	ssyncset.done $0x0  }
0x108: {  	[sflag:s16] =	ssyncadd.s32 $0xFFFFD800  }
0x109: {  	[spmem:s2] =	stream.indirect.scatter.add.f32 [tilespmem:s14], [sflag:$0x3], $0x80, s22, s12, $0xb8;
	[tilespmem:$0x1A000] =	vst v63  }
0x10a: {  	_ =	swait.ge [sflag:s10], $0x2800  }
0x10b: {  	[sflag:s10] =	ssyncset.done $0x0  }
0x10c: {  	[sflag:s10] =	ssyncadd.s32 $0xFFFFD800  }
0x10d: {  	[tilespmem:s14], [sflag:$0x2] =	stream.indirect.gather [hbm4b:s4+s12], $0x80, s23, s12, $0xb8;
	[tilespmem:$0x1A000] =	vst v63  }
0x10e: {  	_ =	swait.ge [sflag:s15], $0x2800  }
0x10f: {  	[sflag:s15] =	ssyncset.done $0x0  }
0x110: {  	[sflag:s15] =	ssyncadd.s32 $0xFFFFD800  }
0x111: {  	[spmem:s2] =	stream.indirect.scatter.add.f32 [tilespmem:s13], [sflag:$0x3], $0x80, s24, s12, $0xb8;
	[tilespmem:$0x1A000] =	vst v63  }
0x112: {  	_ =	swait.ge [sflag:s10], $0x2800  }
0x113: {  	[sflag:s10] =	ssyncset.done $0x0  }
0x114: {  	[sflag:s10] =	ssyncadd.s32 $0xFFFFD800  }
0x115: {  	[tilespmem:s13], [sflag:$0x1] =	stream.indirect.gather [hbm4b:s4+s12], $0x80, s25, s12, $0xb8;
	[tilespmem:$0x1A000] =	vst v63  }
0x116: {  	_ =	swait.ge [sflag:s16], $0x2800  }
0x117: {  	[sflag:s16] =	ssyncset.done $0x0  }
0x118: {  	[sflag:s16] =	ssyncadd.s32 $0xFFFFD800  }
0x119: {  	[spmem:s2] =	stream.indirect.scatter.add.f32 [tilespmem:s14], [sflag:$0x3], $0x80, s26, s12, $0xb8;
	[tilespmem:$0x1A000] =	vst v63  }
0x11a: {  	_ =	swait.ge [sflag:s10], $0x2800  }
0x11b: {  	[sflag:s10] =	ssyncset.done $0x0  }
0x11c: {  	[sflag:s10] =	ssyncadd.s32 $0xFFFFD800  }
0x11d: {  	[tilespmem:s14], [sflag:$0x2] =	stream.indirect.gather [hbm4b:s4+s12], $0x80, s28, s12, $0xb8;
	[tilespmem:$0x1A000] =	vst v63  }
0x11e: {  	_ =	swait.ge [sflag:s15], $0x2800  }
0x11f: {  	[sflag:s15] =	ssyncset.done $0x0  }
0x120: {  	[sflag:s15] =	ssyncadd.s32 $0xFFFFD800  }
0x121: {  	[spmem:s2] =	stream.indirect.scatter.add.f32 [tilespmem:s13], [sflag:$0x3], $0x80, s29, s12, $0xb8;
	[tilespmem:$0x1A000] =	vst v63  }
0x122: {  	_ =	swait.ge [sflag:s10], $0x2800  }
0x123: {  	[sflag:s10] =	ssyncset.done $0x0  }
0x124: {  	[sflag:s10] =	ssyncadd.s32 $0xFFFFD800  }
0x125: {  	[tilespmem:s13], [sflag:$0x1] =	stream.indirect.gather [hbm4b:s4+s12], $0x80, s30, s12, $0xb8;
	[tilespmem:$0x1A000] =	vst v63  }
0x126: {  	_ =	swait.ge [sflag:s16], $0x2800  }
0x127: {  	[sflag:s16] =	ssyncset.done $0x0  }
0x128: {  	[sflag:s16] =	ssyncadd.s32 $0xFFFFD800  }
0x129: {  	[spmem:s2] =	stream.indirect.scatter.add.f32 [tilespmem:s14], [sflag:$0x3], $0x80, s31, s12, $0xb8;
	[tilespmem:$0x1A000] =	vst v63  }
0x12a: {  	_ =	swait.ge [sflag:s10], $0x2800  }
0x12b: {  	[sflag:s10] =	ssyncset.done $0x0  }
0x12c: {  	[sflag:s10] =	ssyncadd.s32 $0xFFFFD800  }
0x12d: {  	[tilespmem:s14], [sflag:$0x2] =	stream.indirect.gather [hbm4b:s4+s12], $0x80, s1, s12, $0xb8;
	[tilespmem:$0x1A000] =	vst v63  }
0x12e: {  	_ =	swait.ge [sflag:s15], $0x2800  }
0x12f: {  	[sflag:s15] =	ssyncset.done $0x0  }
0x130: {  	[sflag:s15] =	ssyncadd.s32 $0xFFFFD800  }
0x131: {  	[spmem:s2] =	stream.indirect.scatter.add.f32 [tilespmem:s13], [sflag:$0x3], $0x80, s0, s12, $0xb8;
	[tilespmem:$0x1A000] =	vst v63  }
0x132: {  	_ =	swait.ge [sflag:s10], $0x2800  }
0x133: {  	[sflag:s10] =	ssyncset.done $0x0  }
0x134: {  	[sflag:s10] =	ssyncadd.s32 $0xFFFFD800  }
0x135: {  	p0 =	sne.s32 s6, $0x700;
	_ =	swait.ge [sflag:s16], $0x2800  }
.Ltmp0:
0x136: {  	[sflag:s16] =	ssyncset.done $0x0;
	(pc) =	sbr.rel @p0 .LBB2_2-.Ltmp0, $4  }
0x137: {  	[sflag:s16] =	ssyncadd.s32 $0xFFFFD800  }
0x138: {  	[spmem:s2] =	stream.indirect.scatter.add.f32 [tilespmem:s14], [sflag:$0x3], $0x80, s5, s12, $0xb8;
	[tilespmem:$0x1A000] =	vst v63  }
0x139: {  	s7 =	smov.u32 s6;
	s6 =	sadd.s32 $0x100, s6;
	_ =	swait.ge [sflag:s10], $0x2800  }
0x13a: {  	s8 =	smov.u32 s7;
	s9 =	rddreg [dreg:$0x5];
	[sflag:s10] =	ssyncset.done $0x0  }
0x13b: {  	[sflag:s10] =	ssyncadd.s32 $0xFFFFD800;
	s6 =	sadd.s32 s8, s9  }
0x13c: {  	[tilespmem:s3], [sflag:$0x3] =	stream.linear.gather [hbm4b:s6+s3], $0x800, $0x38;
	[tilespmem:$0x1A000] =	vst v63  }
0x13d: {  	_ =	swait.ge [sflag:s10], $0x800  }
0x13e: {  	s7 =	rddreg [dreg:$0x4];
	[sflag:s10] =	ssyncset.done $0x0  }
0x13f: {  	s6 =	sadd.s32 s8, s7;
	[sflag:s10] =	ssyncadd.s32 $0xFFFFF800  }
0x140: {  	[tilespmem:s11], [sflag:$0x3] =	stream.linear.gather [hbm4b:s6+s3], $0x800, $0x38;
	[tilespmem:$0x1A000] =	vst v63  }
0x141: {  	_ =	swait.ge [sflag:s10], $0x800  }
0x142: {  	[sflag:s10] =	ssyncset.done $0x0  }
0x143: {  	[sflag:s10] =	ssyncadd.s32 $0xFFFFF800  }
0x144: {  	[tilespmem:s13], [sflag:$0x1] =	stream.indirect.gather [hbm4b:s4+s12], $0x80, s3, s12, $0xb8;
	[tilespmem:$0x1A000] =	vst v63  }
0x145: {  	s8 =	rddreg [dreg:$0x6]  }
0x146: {  	[tilespmem:s14], [sflag:$0x2] =	stream.indirect.gather [hbm4b:s4+s12], $0x80, s8, s12, $0xb8;
	[tilespmem:$0x1A000] =	vst v63  }
0x147: {  	_ =	swait.ge [sflag:s15], $0x2800  }
0x148: {  	[sflag:s15] =	ssyncset.done $0x0  }
0x149: {  	[sflag:s15] =	ssyncadd.s32 $0xFFFFD800  }
0x14a: {  	[spmem:s2] =	stream.indirect.scatter.add.f32 [tilespmem:s13], [sflag:$0x3], $0x80, s11, s12, $0xb8;
	[tilespmem:$0x1A000] =	vst v63  }
0x14b: {  	_ =	swait.ge [sflag:s10], $0x2800  }
0x14c: {  	[sflag:s10] =	ssyncset.done $0x0  }
0x14d: {  	s9 =	rddreg [dreg:$0x7];
	[sflag:s10] =	ssyncadd.s32 $0xFFFFD800  }
0x14e: {  	[tilespmem:s13], [sflag:$0x1] =	stream.indirect.gather [hbm4b:s4+s12], $0x80, s9, s12, $0xb8;
	[tilespmem:$0x1A000] =	vst v63  }
0x14f: {  	_ =	swait.ge [sflag:s16], $0x2800  }
0x150: {  	[sflag:s16] =	ssyncset.done $0x0  }
0x151: {  	s7 =	rddreg [dreg:$0x8];
	[sflag:s16] =	ssyncadd.s32 $0xFFFFD800  }
0x152: {  	[spmem:s2] =	stream.indirect.scatter.add.f32 [tilespmem:s14], [sflag:$0x3], $0x80, s7, s12, $0xb8;
	[tilespmem:$0x1A000] =	vst v63  }
0x153: {  	_ =	swait.ge [sflag:s10], $0x2800  }
0x154: {  	[sflag:s10] =	ssyncset.done $0x0  }
0x155: {  	s8 =	rddreg [dreg:$0x9];
	[sflag:s10] =	ssyncadd.s32 $0xFFFFD800  }
0x156: {  	[tilespmem:s14], [sflag:$0x2] =	stream.indirect.gather [hbm4b:s4+s12], $0x80, s8, s12, $0xb8;
	[tilespmem:$0x1A000] =	vst v63  }
0x157: {  	_ =	swait.ge [sflag:s15], $0x2800  }
0x158: {  	[sflag:s15] =	ssyncset.done $0x0  }
0x159: {  	s9 =	rddreg [dreg:$0xa];
	[sflag:s15] =	ssyncadd.s32 $0xFFFFD800  }
0x15a: {  	[spmem:s2] =	stream.indirect.scatter.add.f32 [tilespmem:s13], [sflag:$0x3], $0x80, s9, s12, $0xb8;
	[tilespmem:$0x1A000] =	vst v63  }
0x15b: {  	_ =	swait.ge [sflag:s10], $0x2800  }
0x15c: {  	[sflag:s10] =	ssyncset.done $0x0  }
0x15d: {  	s7 =	rddreg [dreg:$0xb];
	[sflag:s10] =	ssyncadd.s32 $0xFFFFD800  }
0x15e: {  	[tilespmem:s13], [sflag:$0x1] =	stream.indirect.gather [hbm4b:s4+s12], $0x80, s7, s12, $0xb8;
	[tilespmem:$0x1A000] =	vst v63  }
0x15f: {  	_ =	swait.ge [sflag:s16], $0x2800  }
0x160: {  	[sflag:s16] =	ssyncset.done $0x0  }
0x161: {  	s8 =	rddreg [dreg:$0xc];
	[sflag:s16] =	ssyncadd.s32 $0xFFFFD800  }
0x162: {  	[spmem:s2] =	stream.indirect.scatter.add.f32 [tilespmem:s14], [sflag:$0x3], $0x80, s8, s12, $0xb8;
	[tilespmem:$0x1A000] =	vst v63  }
0x163: {  	_ =	swait.ge [sflag:s10], $0x2800  }
0x164: {  	[sflag:s10] =	ssyncset.done $0x0  }
0x165: {  	s9 =	rddreg [dreg:$0xd];
	[sflag:s10] =	ssyncadd.s32 $0xFFFFD800  }
0x166: {  	[tilespmem:s14], [sflag:$0x2] =	stream.indirect.gather [hbm4b:s4+s12], $0x80, s9, s12, $0xb8;
	[tilespmem:$0x1A000] =	vst v63  }
0x167: {  	_ =	swait.ge [sflag:s15], $0x2800  }
0x168: {  	[sflag:s15] =	ssyncset.done $0x0  }
0x169: {  	s7 =	rddreg [dreg:$0xe];
	[sflag:s15] =	ssyncadd.s32 $0xFFFFD800  }
0x16a: {  	[spmem:s2] =	stream.indirect.scatter.add.f32 [tilespmem:s13], [sflag:$0x3], $0x80, s7, s12, $0xb8;
	[tilespmem:$0x1A000] =	vst v63  }
0x16b: {  	_ =	swait.ge [sflag:s10], $0x2800  }
0x16c: {  	[sflag:s10] =	ssyncset.done $0x0  }
0x16d: {  	s8 =	rddreg [dreg:$0xf];
	[sflag:s10] =	ssyncadd.s32 $0xFFFFD800  }
0x16e: {  	[tilespmem:s13], [sflag:$0x1] =	stream.indirect.gather [hbm4b:s4+s12], $0x80, s8, s12, $0xb8;
	[tilespmem:$0x1A000] =	vst v63  }
0x16f: {  	_ =	swait.ge [sflag:s16], $0x2800  }
0x170: {  	[sflag:s16] =	ssyncset.done $0x0  }
0x171: {  	s9 =	rddreg [dreg:$0x10];
	[sflag:s16] =	ssyncadd.s32 $0xFFFFD800  }
0x172: {  	[spmem:s2] =	stream.indirect.scatter.add.f32 [tilespmem:s14], [sflag:$0x3], $0x80, s9, s12, $0xb8;
	[tilespmem:$0x1A000] =	vst v63  }
0x173: {  	_ =	swait.ge [sflag:s10], $0x2800  }
0x174: {  	[sflag:s10] =	ssyncset.done $0x0  }
0x175: {  	s7 =	rddreg [dreg:$0x11];
	[sflag:s10] =	ssyncadd.s32 $0xFFFFD800  }
0x176: {  	[tilespmem:s14], [sflag:$0x2] =	stream.indirect.gather [hbm4b:s4+s12], $0x80, s7, s12, $0xb8;
	[tilespmem:$0x1A000] =	vst v63  }
0x177: {  	_ =	swait.ge [sflag:s15], $0x2800  }
0x178: {  	[sflag:s15] =	ssyncset.done $0x0  }
0x179: {  	s8 =	rddreg [dreg:$0x12];
	[sflag:s15] =	ssyncadd.s32 $0xFFFFD800  }
0x17a: {  	[spmem:s2] =	stream.indirect.scatter.add.f32 [tilespmem:s13], [sflag:$0x3], $0x80, s8, s12, $0xb8;
	[tilespmem:$0x1A000] =	vst v63  }
0x17b: {  	_ =	swait.ge [sflag:s10], $0x2800  }
0x17c: {  	[sflag:s10] =	ssyncset.done $0x0  }
0x17d: {  	[sflag:s10] =	ssyncadd.s32 $0xFFFFD800  }
0x17e: {  	[tilespmem:s13], [sflag:$0x1] =	stream.indirect.gather [hbm4b:s4+s12], $0x80, s17, s12, $0xb8;
	[tilespmem:$0x1A000] =	vst v63  }
0x17f: {  	_ =	swait.ge [sflag:s16], $0x2800  }
0x180: {  	[sflag:s16] =	ssyncset.done $0x0  }
0x181: {  	[sflag:s16] =	ssyncadd.s32 $0xFFFFD800  }
0x182: {  	[spmem:s2] =	stream.indirect.scatter.add.f32 [tilespmem:s14], [sflag:$0x3], $0x80, s18, s12, $0xb8;
	[tilespmem:$0x1A000] =	vst v63  }
0x183: {  	_ =	swait.ge [sflag:s10], $0x2800  }
0x184: {  	[sflag:s10] =	ssyncset.done $0x0  }
0x185: {  	[sflag:s10] =	ssyncadd.s32 $0xFFFFD800  }
0x186: {  	[tilespmem:s14], [sflag:$0x2] =	stream.indirect.gather [hbm4b:s4+s12], $0x80, s19, s12, $0xb8;
	[tilespmem:$0x1A000] =	vst v63  }
0x187: {  	_ =	swait.ge [sflag:s15], $0x2800  }
0x188: {  	[sflag:s15] =	ssyncset.done $0x0  }
0x189: {  	[sflag:s15] =	ssyncadd.s32 $0xFFFFD800  }
0x18a: {  	[spmem:s2] =	stream.indirect.scatter.add.f32 [tilespmem:s13], [sflag:$0x3], $0x80, s20, s12, $0xb8;
	[tilespmem:$0x1A000] =	vst v63  }
0x18b: {  	_ =	swait.ge [sflag:s10], $0x2800  }
0x18c: {  	[sflag:s10] =	ssyncset.done $0x0  }
0x18d: {  	[sflag:s10] =	ssyncadd.s32 $0xFFFFD800  }
0x18e: {  	[tilespmem:s13], [sflag:$0x1] =	stream.indirect.gather [hbm4b:s4+s12], $0x80, s21, s12, $0xb8;
	[tilespmem:$0x1A000] =	vst v63  }
0x18f: {  	_ =	swait.ge [sflag:s16], $0x2800  }
0x190: {  	[sflag:s16] =	ssyncset.done $0x0  }
0x191: {  	[sflag:s16] =	ssyncadd.s32 $0xFFFFD800  }
0x192: {  	[spmem:s2] =	stream.indirect.scatter.add.f32 [tilespmem:s14], [sflag:$0x3], $0x80, s22, s12, $0xb8;
	[tilespmem:$0x1A000] =	vst v63  }
0x193: {  	_ =	swait.ge [sflag:s10], $0x2800  }
0x194: {  	[sflag:s10] =	ssyncset.done $0x0  }
0x195: {  	[sflag:s10] =	ssyncadd.s32 $0xFFFFD800  }
0x196: {  	[tilespmem:s14], [sflag:$0x2] =	stream.indirect.gather [hbm4b:s4+s12], $0x80, s23, s12, $0xb8;
	[tilespmem:$0x1A000] =	vst v63  }
0x197: {  	_ =	swait.ge [sflag:s15], $0x2800  }
0x198: {  	[sflag:s15] =	ssyncset.done $0x0  }
0x199: {  	[sflag:s15] =	ssyncadd.s32 $0xFFFFD800  }
0x19a: {  	[spmem:s2] =	stream.indirect.scatter.add.f32 [tilespmem:s13], [sflag:$0x3], $0x80, s24, s12, $0xb8;
	[tilespmem:$0x1A000] =	vst v63  }
0x19b: {  	_ =	swait.ge [sflag:s10], $0x2800  }
0x19c: {  	[sflag:s10] =	ssyncset.done $0x0  }
0x19d: {  	[sflag:s10] =	ssyncadd.s32 $0xFFFFD800  }
0x19e: {  	[tilespmem:s13], [sflag:$0x1] =	stream.indirect.gather [hbm4b:s4+s12], $0x80, s25, s12, $0xb8;
	[tilespmem:$0x1A000] =	vst v63  }
0x19f: {  	_ =	swait.ge [sflag:s16], $0x2800  }
0x1a0: {  	[sflag:s16] =	ssyncset.done $0x0  }
0x1a1: {  	[sflag:s16] =	ssyncadd.s32 $0xFFFFD800  }
0x1a2: {  	[spmem:s2] =	stream.indirect.scatter.add.f32 [tilespmem:s14], [sflag:$0x3], $0x80, s26, s12, $0xb8;
	[tilespmem:$0x1A000] =	vst v63  }
0x1a3: {  	_ =	swait.ge [sflag:s10], $0x2800  }
0x1a4: {  	[sflag:s10] =	ssyncset.done $0x0  }
0x1a5: {  	[sflag:s10] =	ssyncadd.s32 $0xFFFFD800  }
0x1a6: {  	[tilespmem:s14], [sflag:$0x2] =	stream.indirect.gather [hbm4b:s4+s12], $0x80, s28, s12, $0xb8;
	[tilespmem:$0x1A000] =	vst v63  }
0x1a7: {  	_ =	swait.ge [sflag:s15], $0x2800  }
0x1a8: {  	[sflag:s15] =	ssyncset.done $0x0  }
0x1a9: {  	[sflag:s15] =	ssyncadd.s32 $0xFFFFD800  }
0x1aa: {  	[spmem:s2] =	stream.indirect.scatter.add.f32 [tilespmem:s13], [sflag:$0x3], $0x80, s29, s12, $0xb8;
	[tilespmem:$0x1A000] =	vst v63  }
0x1ab: {  	_ =	swait.ge [sflag:s10], $0x2800  }
0x1ac: {  	[sflag:s10] =	ssyncset.done $0x0  }
0x1ad: {  	[sflag:s10] =	ssyncadd.s32 $0xFFFFD800  }
0x1ae: {  	[tilespmem:s13], [sflag:$0x1] =	stream.indirect.gather [hbm4b:s4+s12], $0x80, s30, s12, $0xb8;
	[tilespmem:$0x1A000] =	vst v63  }
0x1af: {  	_ =	swait.ge [sflag:s16], $0x2800  }
0x1b0: {  	[sflag:s16] =	ssyncset.done $0x0  }
0x1b1: {  	[sflag:s16] =	ssyncadd.s32 $0xFFFFD800  }
0x1b2: {  	[spmem:s2] =	stream.indirect.scatter.add.f32 [tilespmem:s14], [sflag:$0x3], $0x80, s31, s12, $0xb8;
	[tilespmem:$0x1A000] =	vst v63  }
0x1b3: {  	_ =	swait.ge [sflag:s10], $0x2800  }
0x1b4: {  	[sflag:s10] =	ssyncset.done $0x0  }
0x1b5: {  	[sflag:s10] =	ssyncadd.s32 $0xFFFFD800  }
0x1b6: {  	[tilespmem:s14], [sflag:$0x2] =	stream.indirect.gather [hbm4b:s4+s12], $0x80, s1, s12, $0xb8;
	[tilespmem:$0x1A000] =	vst v63  }
0x1b7: {  	_ =	swait.ge [sflag:s15], $0x2800  }
0x1b8: {  	[sflag:s15] =	ssyncset.done $0x0  }
0x1b9: {  	[sflag:s15] =	ssyncadd.s32 $0xFFFFD800  }
0x1ba: {  	[spmem:s2] =	stream.indirect.scatter.add.f32 [tilespmem:s13], [sflag:$0x3], $0x80, s0, s12, $0xb8;
	[tilespmem:$0x1A000] =	vst v63  }
0x1bb: {  	_ =	swait.ge [sflag:s10], $0x2800  }
0x1bc: {  	[sflag:s10] =	ssyncset.done $0x0  }
0x1bd: {  	[sflag:s10] =	ssyncadd.s32 $0xFFFFD800  }
0x1be: {  	_ =	swait.ge [sflag:s16], $0x2800  }
0x1bf: {  	[sflag:s16] =	ssyncset.done $0x0  }
0x1c0: {  	[sflag:s16] =	ssyncadd.s32 $0xFFFFD800  }
0x1c1: {  	[spmem:s2] =	stream.indirect.scatter.add.f32 [tilespmem:s14], [sflag:$0x3], $0x80, s5, s12, $0xb8;
	[tilespmem:$0x1A000] =	vst v63  }
0x1c2: {  	_ =	swait.ge [sflag:s10], $0x2800  }
0x1c3: {  	[sflag:s10] =	ssyncset.done $0x0  }
0x1c4: {  	[sflag:s10] =	ssyncadd.s32 $0xFFFFD800  }
0x1c5: {  	[bflag:$0x0] =	sbarrier.arrive $0xFFFF  }
0x1c6: {  	s8 =	rddreg [dreg:$0x14]  }
0x1c7: {  	s9 =	rddreg [dreg:$0x15]  }
0x1c8: {  	s7 =	rddreg [dreg:$0x17]  }
0x1c9: {  	[hbm:s9], [sflag:s8] =	dma.local [spmem:s7], $0x2800  }
0x1ca: {  	_ =	swait.ge [sflag:s10], $0x2800  }
0x1cb: {  	s6 =	rddreg [dreg:$0x18]  }
0x1cc: {  	s9 =	sadd.s32 $0x1, s6;
	s6 =	rddreg [dreg:$0x16]  }
0x1cd: {  	p0 =	sne.s32 s9, s6  }
.Ltmp1:
0x1ce: {  	_ = 	snop;
	(pc) =	sbr.rel @p0 .LBB2_1-.Ltmp1, $3  }
0x1cf: {  	_ =	sdelay $0x1  }
0x1d0: {  	[sflag:s10] =	ssyncset.done $0x0  }
0x1d1: {  	[sflag:s10] =	ssyncadd.s32 $0xFFFFD800  }
0x1d2: {  	_ =	sfence.sel $0x180000  }
0x1d3: {  	[bflag:$0x0] =	sbarrier.arrive $0xFFFF  }
0x1d4: {  	_ =	strace $0x9000004D  }
0x1d5: {  	s0 =	stileid.u32;
	[bflag:$0x2] =	sbarrier.arrive $0xFFFF  }
0x1d6: {  	p0 =	sne.s32 s0, $0x0;
	s0 =	rddreg [dreg:$0x3]  }
0x1d7: {  	s0 =	sadd.s32 @!p0 $0x100000, s0  }
0x1d8: {  	[sflag:s0] =	ssyncadd.tile.s32 @!p0 $0x1;
	_ =	shalt  }
.Lfunc_end2:
_tile_overlayer_lowered:
.L_overlay_start_2:
0x1d9: {  	(tag) =	ssettag $0x2  }
0x1da: {  	s0 =	rddreg [dreg:$0x0];
	s2 =	stileid.u32  }
0x1db: {  	s1 =	rddreg [dreg:$0x1];
	p0 =	sne.s32 s2, $0x0  }
0x1dc: {  	s3 =	rddreg [dreg:$0x2];
	[bflag:$0x3] =	sbarrier.arrive $0xFFFF;
	s2 =	simm.s32 @!p0 $0x1C03  }
0x1dd: {  	[timem:s3], [sflag:s2] =	dma.local @!p0 [hbm:s0], s1  }
0x1de: {  	s0 =	simm.s32 @!p0 $0x3  }
0x1df: {  	_ =	swait.ge @!p0 [sflag:s0], s1  }
0x1e0: {  	s1 =	ssub.s32 @!p0 $0x0, s1;
	[sflag:s0] =	ssyncset.done @!p0 $0x0  }
0x1e1: {  	[sflag:s0] =	ssyncadd.s32 @!p0 s1  }
0x1e2: {  	[bflag:$0x3] =	sbarrier.arrive $0xFFFF  }
0x1e3: {  	_ =	shalt  }

// kernel: kernel.20.cloned.1.call-start
scs
__scs_entry_jumppad:
0x0: {  	(pc) =	sbr.rel $0x88, $3  }
0x1: {  	(tag) =	ssettag $0x0;
	lr =	simm.s32 $0x1  }
0x2: {  	[smem:$0x3F95] =	sst lr;
	_ =	strace $0xD0000000  }
0x3: {  	_ = 	snop  }
0x4: {  	_ = 	snop  }
0x5: {  	_ = 	snop  }
0x6: {  	_ = 	snop  }
0x7: {  	_ = 	snop  }
__scs_overlays_trampoline_lowered:
0x8: {  	[smem:$0x3FA4] =	sst s0  }
0x9: {  	[smem:$0x3FA5] =	sst s1  }
0xa: {  	[smem:$0x3FA6] =	sst s2  }
0xb: {  	[smem:$0x3FA7] =	sst s3  }
0xc: {  	[smem:$0x3FA8] =	sst s4  }
0xd: {  	[smem:$0x3FA9] =	sst s5  }
0xe: {  	[smem:$0x3FAA] =	sst s6  }
0xf: {  	[smem:$0x3FAB] =	sst s7  }
0x10: {  	[smem:$0x3FAC] =	sst s8  }
0x11: {  	[smem:$0x3FAD] =	sst s9;
	s0 =	simm.s32 @!p0 $0x0  }
0x12: {  	s1 =	sld [smem:$0x3F93];
	s0 =	simm.s32 @p0 $0x1  }
0x13: {  	[smem:$0x3FAE] =	sst s0;
	s0 =	simm.s32 @!p1 $0x0  }
0x14: {  	s2 =	sld [smem:$0x3F92];
	s0 =	simm.s32 @p1 $0x1  }
0x15: {  	[smem:$0x3FAF] =	sst s0;
	s0 =	simm.s32 @!p2 $0x0  }
0x16: {  	s3 =	sld [smem:$0x3FDB];
	s0 =	simm.s32 @p2 $0x1  }
0x17: {  	s4 =	simm.s32 $0x1BF5;
	[smem:$0x3FB1] =	sst s0  }
0x18: {  	s0 =	sld [smem:$0x3F94];
	_ =	swait.ge [sflag:s4], $0x0  }
0x19: {  	s7 =	sld [smem:$0x3F95]  }
0x1a: {  	s8 =	sadd.s32 $0xFFFFE003, lr  }
0x1b: {  	s9 =	sadd.s32 $0xFFFFFEF7, lr;
	s5 =	simm.s32 $0xFFFFFFFF;
	p2 =	slt.u32 s8, $0xFFFFF086  }
0x1c: {  	p1 =	slt.u32 s9, $0xF7A;
	s5 =	simm.s32 @!p2 $0x0  }
0x1d: {  	s5 =	simm.s32 @p1 $0x1;
	p0 =	seq.s32 s7, s2  }
0x1e: {  	s7 =	smul.u32 @!p0 $0xF7A, s2;
	p2 =	seq.s32 @!p0 s5, $0x0  }
0x1f: {  	s9 =	smul.u32 $0xF7A, s1;
	s8 =	simm.s32 @!p0 $0x1BF5;
	p2 =	por !p2, p0  }
0x20: {  	[sflag:s8] =	ssyncset.s32 @!p0 $0xFFFFF086;
	s6 =	sadd.s32 @!p0 s3, s7;
	s7 =	simm.s32 @!p0 $0x108  }
0x21: {  	s3 =	sadd.s32 s3, s9;
	s6 =	sadd.s32 @!p0 $0x88, s6;
	s7 =	simm.s32 @p2 $0x1082  }
0x22: {  	[simem:s7], [sflag:s8] =	dma.local @!p0 [hbm:s6], $0xF7A  }
0x23: {  	s9 =	sor.u32 $0xD0000000, s2;
	s6 =	simm.s32 $0x108;
	_ =	swait.ge @!p0 [sflag:s8], $0x0  }
0x24: {  	s3 =	sadd.s32 $0x88, s3;
	s6 =	simm.s32 @!p1 $0x1082;
	[sflag:s4] =	ssyncset.s32 $0xFFFFF086  }
0x25: {  	[simem:s6], [sflag:s4] =	dma.local [hbm:s3], $0xF7A  }
0x26: {  	[smem:$0x3F95] =	sst s1;
	(tag) =	ssettag s2;
	_ =	strace s9  }
0x27: {  	s1 =	sld [smem:$0x3FA5]  }
0x28: {  	s2 =	sld [smem:$0x3FA6]  }
0x29: {  	s4 =	sld [smem:$0x3FA8]  }
0x2a: {  	p0 =	seq.s32 s5, $0x0;
	s5 =	sld [smem:$0x3FA9]  }
0x2b: {  	s6 =	sld [smem:$0x3FAA]  }
0x2c: {  	s7 =	sld [smem:$0x3FAB]  }
0x2d: {  	s3 =	simm.s32 $0x108;
	s8 =	sld [smem:$0x3FAC]  }
0x2e: {  	s3 =	simm.s32 @!p0 $0x1082;
	s9 =	sld [smem:$0x3FAD]  }
0x2f: {  	lr =	sadd.s32 s0, s3;
	s0 =	sld [smem:$0x3FA4]  }
0x30: {  	s3 =	sld [smem:$0x3FA7]  }
0x31: {  	[smem:$0x3FB0] =	sst s10  }
0x32: {  	s10 =	sld [smem:$0x3FAE];
	_ =	sdelay $0x3  }
0x33: {  	p0 =	seq.s32 s10, $0x1;
	s10 =	sld [smem:$0x3FB0];
	_ =	sdelay $0x3  }
0x34: {  	[smem:$0x3FB0] =	sst s10  }
0x35: {  	s10 =	sld [smem:$0x3FAF];
	_ =	sdelay $0x3  }
0x36: {  	p1 =	seq.s32 s10, $0x1;
	s10 =	sld [smem:$0x3FB0];
	_ =	sdelay $0x3  }
0x37: {  	[smem:$0x3FB0] =	sst s10  }
0x38: {  	s10 =	sld [smem:$0x3FB1]  }
0x39: {  	_ = 	snop;
	(pc) =	sbr.ind lr, $3  }
0x3a: {  	_ = 	snop  }
0x3b: {  	_ = 	snop  }
0x3c: {  	p2 =	seq.s32 s10, $0x1;
	s10 =	sld [smem:$0x3FB0]  }
0x3d: {  	_ =	shalt  }
0x3e: {  	_ =	shalt  }
0x3f: {  	_ =	shalt  }
0x40: {  	_ =	shalt  }
0x41: {  	_ =	shalt  }
0x42: {  	_ =	shalt  }
0x43: {  	_ =	shalt  }
0x44: {  	_ =	shalt  }
0x45: {  	_ =	shalt  }
0x46: {  	_ =	shalt  }
0x47: {  	_ =	shalt  }
0x48: {  	_ =	shalt  }
0x49: {  	_ =	shalt  }
0x4a: {  	_ =	shalt  }
0x4b: {  	_ =	shalt  }
0x4c: {  	_ =	shalt  }
0x4d: {  	_ =	shalt  }
0x4e: {  	_ =	shalt  }
0x4f: {  	_ =	shalt  }
0x50: {  	_ =	shalt  }
0x51: {  	_ =	shalt  }
0x52: {  	_ =	shalt  }
0x53: {  	_ =	shalt  }
0x54: {  	_ =	shalt  }
0x55: {  	_ =	shalt  }
0x56: {  	_ =	shalt  }
0x57: {  	_ =	shalt  }
0x58: {  	_ =	shalt  }
0x59: {  	_ =	shalt  }
0x5a: {  	_ =	shalt  }
0x5b: {  	_ =	shalt  }
0x5c: {  	_ =	shalt  }
0x5d: {  	_ =	shalt  }
0x5e: {  	_ =	shalt  }
0x5f: {  	_ =	shalt  }
0x60: {  	_ =	shalt  }
0x61: {  	_ =	shalt  }
0x62: {  	_ =	shalt  }
0x63: {  	_ =	shalt  }
0x64: {  	_ =	shalt  }
0x65: {  	_ =	shalt  }
0x66: {  	_ =	shalt  }
0x67: {  	_ =	shalt  }
0x68: {  	_ =	shalt  }
0x69: {  	_ =	shalt  }
0x6a: {  	_ =	shalt  }
0x6b: {  	_ =	shalt  }
0x6c: {  	_ =	shalt  }
0x6d: {  	_ =	shalt  }
0x6e: {  	_ =	shalt  }
0x6f: {  	_ =	shalt  }
0x70: {  	_ =	shalt  }
0x71: {  	_ =	shalt  }
0x72: {  	_ =	shalt  }
0x73: {  	_ =	shalt  }
0x74: {  	_ =	shalt  }
0x75: {  	_ =	shalt  }
0x76: {  	_ =	shalt  }
0x77: {  	_ =	shalt  }
0x78: {  	_ =	shalt  }
0x79: {  	_ =	shalt  }
0x7a: {  	_ =	shalt  }
0x7b: {  	_ =	shalt  }
0x7c: {  	_ =	shalt  }
0x7d: {  	_ =	shalt  }
0x7e: {  	_ =	shalt  }
0x7f: {  	_ =	shalt  }
0x80: {  	_ =	shalt  }
0x81: {  	_ =	shalt  }
0x82: {  	_ =	shalt  }
0x83: {  	_ =	shalt  }
0x84: {  	_ =	shalt  }
0x85: {  	_ =	shalt  }
0x86: {  	_ =	shalt  }
0x87: {  	_ =	shalt  }
.Lfunc_end0:
.L_simem_size_0:
called_computation.3_lowered:
.L_overlay_start_0:
0x88: {  	s2 =	sld [smem:$0x3FD9]  }
0x89: {  	s3 =	sld [smem:$0x3FFE];
	_ =	sdelay $0x1  }
0x8a: {  	s1 =	srdreg.scid  }
0x8b: {  	s0 =	sand.u32 $0x1, s1  }
0x8c: {  	s17 =	sshll.u32 s0, $0xA;
	s2 =	sadd.s32 s3, s2  }
0x8d: {  	s2 =	sadd.s32 s2, s17  }
0x8e: {  	[smem:$0x3FBC] =	sst s2  }
0x8f: {  	_ = 	snop  }
0x90: {  	s2 =	sld [smem:$0x3FD0];
	(tm) =	ssettm $0x1  }
0x91: {  	s18 =	sld [smem:$0x3FFB];
	_ =	sdelay $0x3  }
0x92: {  	_ =	strace s18  }
0x93: {  	s3 =	sld [smem:$0x3FFC];
	_ =	sdelay $0x3  }
0x94: {  	_ =	strace s3  }
0x95: {  	s3 =	sld [smem:$0x3FFD];
	_ =	sdelay $0x3  }
0x96: {  	_ =	strace s3  }
0x97: {  	_ =	strace $0x8FFFFFFF  }
0x98: {  	s19 =	sld [smem:$0x3FDB];
	_ =	sdelay $0x1  }
0x99: {  	s4 =	simm.s32 $_scs_section_size  }
0x9a: {  	s5 =	simm.s32 $_size__tile_overlayer_lowered;
	s6 =	simm.s32 $_tile_overlayer_lowered  }
0x9b: {  	s22 =	simm.s32 $0x1BFF;
	s21 =	sshll.u32 s6, $0x1;
	s3 =	sadd.s32 s4, s19  }
0x9c: {  	s7 =	simm.s32 $0x0;
	s20 =	sshll.u32 s5, $0x1;
	s5 =	sadd.s32 s21, s3  }
0x9d: {  	[timem:s7], [sflag:s22] =	dma.local [hbm:s5], s20  }
0x9e: {  	_ =	swait.ge [sflag:s22], s20  }
0x9f: {  	s4 =	ssub.s32 $0x0, s20;
	[sflag:s22] =	ssyncset.done $0x0  }
0xa0: {  	[sflag:s22] =	ssyncadd.s32 s4;
	_ =	sdelay $0x1  }
0xa1: {  	s23 =	simm.s32 $0x1B8B  }
0xa2: {  	_ =	swait.ge [sflag:s23], $0x1  }
0xa3: {  	[sflag:s23] =	ssyncset.done $0x0  }
0xa4: {  	s25 =	simm.s32 $0x1B8E;
	s24 =	sld [smem:$0x3FFE];
	[sflag:s23] =	ssyncadd.s32 $0xFFFFFFFF  }
0xa5: {  	s26 =	simm.s32 $execute0_lowered;
	[smem:$0x3FD2] =	sst s25  }
0xa6: {  	s5 =	sshll.u32 s26, $0x1;
	_ =	strace $0x8000004F;
	[dreg:$0x1] =	wrdreg $0xFFFFFFFF  }
0xa7: {  	s28 =	simm.s32 $_size_execute0_lowered;
	s3 =	sadd.s32 s3, s5;
	[dreg:$0x0] =	wrdreg $0x0  }
0xa8: {  	s5 =	sshll.u32 s28, $0x1;
	[dreg:$0x2] =	wrdreg s3  }
0xa9: {  	[dreg:$0x3] =	wrdreg s5  }
0xaa: {  	[dreg:$0x4] =	wrdreg $0xC0  }
0xab: {  	_ =	task [dreg:s7], $0x5FFFF  }
0xac: {  	[dreg:$0x1] =	wrdreg $0xFFFFFFFF  }
0xad: {  	[dreg:$0x0] =	wrdreg $0x60  }
0xae: {  	[dreg:$0x2] =	wrdreg s24  }
0xaf: {  	[dreg:$0x3] =	wrdreg s2  }
0xb0: {  	[dreg:$0x4] =	wrdreg $0x60000  }
0xb1: {  	[dreg:$0x5] =	wrdreg $0x9  }
0xb2: {  	_ =	task.clear_ibuf [dreg:s7], $0x6FFFF;
	_ =	strace $0x9000004F  }
0xb3: {  	s29 =	simm.s32 $0x9;
	_ =	strace $0x80000051  }
0xb4: {  	_ =	swait.ge [sflag:s29], $0x1  }
0xb5: {  	[sflag:s29] =	ssyncadd.s32 $0xFFFFFFFF  }
0xb6: {  	_ =	strace $0x90000051  }
0xb7: {  	_ =	sfence  }
0xb8: {  	s30 =	sld [smem:$0x0];
	_ =	sdelay $0x2  }
0xb9: {  	s31 =	sshll.u32 s1, $0xD;
	s1 =	sshrl.u32 s1, $0x2  }
0xba: {  	s3 =	sand.u32 $0x4000, s31;
	s1 =	sadd.s32 s1, s30  }
0xbb: {  	s0 =	sor.u32 s3, s0;
	s1 =	sshll.u32 s1, $0x11  }
0xbc: {  	s0 =	sor.u32 s1, s0  }
0xbd: {  	s0 =	sadd.s32 $0x8F2B, s0  }
0xbe: {  	[sflag:s0] =	ssyncadd.remote.s32 $0x1  }
0xbf: {  	_ =	sfence.sel $0xFFFF  }
0xc0: {  	[dreg:$0x0] =	wrdreg $0xFFFFFFFF;
	(pc) =	sbr.abs _section_cstart, $3  }
0xc1: {  	[dreg:$0x1] =	wrdreg $0xFFFFFFFF  }
0xc2: {  	_ =	task.clear_ibuf [dreg:s7], $0x2FFFF;
	_ =	strace $0x9FFFFFFF  }
0xc3: {  	(tm) =	ssettm $0x7FFFFFFF  }
tec
execute0_lowered:
.L_overlay_start_1:
0x0: {  	(tag) =	ssettag $0x1  }
0x1: {  	s0 =	rddreg [dreg:$0x0]  }
0x2: {  	s1 =	rddreg [dreg:$0x1];
	s12 =	stileid.u32  }
0x3: {  	s3 =	srdreg.scid;
	s2 =	rddreg [dreg:$0x2];
	s13 =	simm.s32 $0x100  }
0x4: {  	s14 =	simm.s32 $0x880;
	s16 =	simm.s32 $0x180;
	s17 =	simm.s32 $0x900  }
0x5: {  	s18 =	simm.s32 $0x200;
	s20 =	simm.s32 $0x980;
	s21 =	simm.s32 $0x280  }
0x6: {  	s22 =	simm.s32 $0xA00;
	s23 =	simm.s32 $0x300;
	s24 =	simm.s32 $0xA80  }
0x7: {  	s28 =	simm.s32 $0x680;
	s29 =	simm.s32 $0xE00;
	s30 =	simm.s32 $0x700  }
0x8: {  	s31 =	simm.s32 $0xE80;
	s5 =	sand.u32 $0x1, s3;
	s3 =	simm.s32 $0x0  }
0x9: {  	s6 =	smul.u32 $0x14000, s12;
	s4 =	sadd.s32 $0x79200, s0;
	[smem:$0x7FF] =	sst s3  }
0xa: {  	s8 =	sshll.u32 s12, $0xC;
	_ =	strace $0x80000050;
	[dreg:$0x7] =	wrdreg s13  }
0xb: {  	s11 =	smul.u32 $0x50000, s12;
	s15 =	sshll.u32 s12, $0x6;
	[dreg:$0x8] =	wrdreg s14  }
0xc: {  	s12 =	simm.s32 $0x50;
	s7 =	smul.u32 $0x140000, s5;
	[dreg:$0x9] =	wrdreg s16  }
0xd: {  	s9 =	ssub.s32 $0x2, s5;
	s10 =	sadd.s32 s8, s0;
	[dreg:$0xa] =	wrdreg s17  }
0xe: {  	s5 =	sshll.u32 s5, $0xB;
	s1 =	sadd.s32 s8, s1;
	[dreg:$0xb] =	wrdreg s18  }
0xf: {  	s8 =	sor.u32 $0x1C03, s15;
	s15 =	simm.s32 $0x1;
	[dreg:$0xc] =	wrdreg s20  }
0x10: {  	s25 =	sshrl.u32 s9, $0x1;
	s1 =	sadd.s32 s5, s1;
	[dreg:$0xd] =	wrdreg s21  }
0x11: {  	s5 =	sadd.s32 s5, s10;
	s26 =	sshrl.u32 s11, $0x2;
	[dreg:$0xe] =	wrdreg s22  }
0x12: {  	s11 =	simm.s32 $0x80;
	[dreg:$0xf] =	wrdreg s23;
	s13 =	simm.s32 $0x1000  }
0x13: {  	[dreg:$0x10] =	wrdreg s24;
	s14 =	simm.s32 $0x3800;
	s16 =	simm.s32 $0x2  }
0x14: {  	s17 =	simm.s32 $0x400;
	s18 =	simm.s32 $0xB80;
	s20 =	simm.s32 $0xC00  }
0x15: {  	s21 =	simm.s32 $0x500;
	s22 =	simm.s32 $0xC80;
	s23 =	simm.s32 $0x580  }
0x16: {  	s24 =	simm.s32 $0xD00;
	[dreg:$0x14] =	wrdreg s8;
	s7 =	sadd.s32 s6, s7  }
0x17: {  	[dreg:$0x4] =	wrdreg s1;
	s10 =	sadd.s32 s26, s2;
	s6 =	sshrl.u32 s6, $0x3  }
0x18: {  	[dreg:$0x6] =	wrdreg s11;
	s11 =	simm.s32 $0x800;
	s26 =	simm.s32 $0xB00  }
0x19: {  	s1 =	simm.s32 $0x780;
	s7 =	sshrl.u32 s7, $0x3;
	s6 =	sadd.s32 s4, s6  }
0x1a: {  	[dreg:$0x12] =	wrdreg s26;
	s26 =	simm.s32 $0xD80;
	s0 =	sadd.s32 s7, s0  }
0x1b: {  	s7 =	ssub.s32 s9, s25;
	s9 =	sadd.s32 $0xA1800, s5;
	[dreg:$0x13] =	wrdreg s6  }
0x1c: {  	s25 =	simm.s32 $0x380;
	s5 =	simm.s32 $0xF80;
	[dreg:$0x5] =	wrdreg s9  }
0x1d: {  	s0 =	sadd.s32 $0x29200, s0;
	s19 =	smax.u32 s7, $0x1;
	[dreg:$0x11] =	wrdreg s25  }
0x1e: {  	s7 =	sshrl.u32 s10, $0x3;
	s10 =	simm.s32 $0x3;
	[dreg:$0x15] =	wrdreg s0  }
0x1f: {  	s25 =	simm.s32 $0x600;
	s9 =	simm.s32 $0x0;
	[dreg:$0x16] =	wrdreg s19  }
0x20: {  	s19 =	simm.s32 $0x480;
	s0 =	simm.s32 $0xF00;
	[dreg:$0x17] =	wrdreg s7  }
.LBB2_1:
0x21: {  	[dreg:$0x18] =	wrdreg s9  }
0x22: {  	s6 =	rddreg [dreg:$0x13]  }
0x23: {  	[spmem:s7], [sflag:s8] =	dma.local [hbm:s6], $0x2800  }
0x24: {  	_ =	swait.ge [sflag:s10], $0x2800  }
0x25: {  	[sflag:s10] =	ssyncset.done $0x0  }
0x26: {  	[sflag:s10] =	ssyncadd.s32 $0xFFFFD800  }
0x27: {  	[bflag:$0x0] =	sbarrier.arrive $0xFFFF  }
0x28: {  	s7 =	rddreg [dreg:$0x5]  }
0x29: {  	s6 =	sadd.s32 $0x0, s7  }
0x2a: {  	[tilespmem:s3], [sflag:$0x3] =	stream.linear.gather [hbm4b:s6+s3], $0x800, $0x38;
	[tilespmem:$0x1A000] =	vst v63  }
0x2b: {  	_ =	swait.ge [sflag:s10], $0x800  }
0x2c: {  	s8 =	rddreg [dreg:$0x4];
	[sflag:s10] =	ssyncset.done $0x0  }
0x2d: {  	[sflag:s10] =	ssyncadd.s32 $0xFFFFF800;
	s6 =	sadd.s32 $0x0, s8  }
0x2e: {  	[tilespmem:s11], [sflag:$0x3] =	stream.linear.gather [hbm4b:s6+s3], $0x800, $0x38;
	[tilespmem:$0x1A000] =	vst v63  }
0x2f: {  	_ =	swait.ge [sflag:s10], $0x800  }
0x30: {  	[sflag:s10] =	ssyncset.done $0x0  }
0x31: {  	[sflag:s10] =	ssyncadd.s32 $0xFFFFF800  }
0x32: {  	[tilespmem:s13], [sflag:$0x1] =	stream.indirect.gather [hbm4b:s4+s12], $0x80, s3, s12, $0xb8;
	[tilespmem:$0x1A000] =	vst v63  }
0x33: {  	s9 =	rddreg [dreg:$0x6]  }
0x34: {  	[tilespmem:s14], [sflag:$0x2] =	stream.indirect.gather [hbm4b:s4+s12], $0x80, s9, s12, $0xb8;
	[tilespmem:$0x1A000] =	vst v63  }
0x35: {  	_ =	swait.ge [sflag:s15], $0x2800  }
0x36: {  	[sflag:s15] =	ssyncset.done $0x0  }
0x37: {  	[sflag:s15] =	ssyncadd.s32 $0xFFFFD800  }
0x38: {  	[spmem:s2] =	stream.indirect.scatter.add.f32 [tilespmem:s13], [sflag:$0x3], $0x80, s11, s12, $0xb8;
	[tilespmem:$0x1A000] =	vst v63  }
0x39: {  	_ =	swait.ge [sflag:s10], $0x2800  }
0x3a: {  	[sflag:s10] =	ssyncset.done $0x0  }
0x3b: {  	s7 =	rddreg [dreg:$0x7];
	[sflag:s10] =	ssyncadd.s32 $0xFFFFD800  }
0x3c: {  	[tilespmem:s13], [sflag:$0x1] =	stream.indirect.gather [hbm4b:s4+s12], $0x80, s7, s12, $0xb8;
	[tilespmem:$0x1A000] =	vst v63  }
0x3d: {  	_ =	swait.ge [sflag:s16], $0x2800  }
0x3e: {  	[sflag:s16] =	ssyncset.done $0x0  }
0x3f: {  	s8 =	rddreg [dreg:$0x8];
	[sflag:s16] =	ssyncadd.s32 $0xFFFFD800  }
0x40: {  	[spmem:s2] =	stream.indirect.scatter.add.f32 [tilespmem:s14], [sflag:$0x3], $0x80, s8, s12, $0xb8;
	[tilespmem:$0x1A000] =	vst v63  }
0x41: {  	_ =	swait.ge [sflag:s10], $0x2800  }
0x42: {  	[sflag:s10] =	ssyncset.done $0x0  }
0x43: {  	s9 =	rddreg [dreg:$0x9];
	[sflag:s10] =	ssyncadd.s32 $0xFFFFD800  }
0x44: {  	[tilespmem:s14], [sflag:$0x2] =	stream.indirect.gather [hbm4b:s4+s12], $0x80, s9, s12, $0xb8;
	[tilespmem:$0x1A000] =	vst v63  }
0x45: {  	_ =	swait.ge [sflag:s15], $0x2800  }
0x46: {  	[sflag:s15] =	ssyncset.done $0x0  }
0x47: {  	s7 =	rddreg [dreg:$0xa];
	[sflag:s15] =	ssyncadd.s32 $0xFFFFD800  }
0x48: {  	[spmem:s2] =	stream.indirect.scatter.add.f32 [tilespmem:s13], [sflag:$0x3], $0x80, s7, s12, $0xb8;
	[tilespmem:$0x1A000] =	vst v63  }
0x49: {  	_ =	swait.ge [sflag:s10], $0x2800  }
0x4a: {  	[sflag:s10] =	ssyncset.done $0x0  }
0x4b: {  	s8 =	rddreg [dreg:$0xb];
	[sflag:s10] =	ssyncadd.s32 $0xFFFFD800  }
0x4c: {  	[tilespmem:s13], [sflag:$0x1] =	stream.indirect.gather [hbm4b:s4+s12], $0x80, s8, s12, $0xb8;
	[tilespmem:$0x1A000] =	vst v63  }
0x4d: {  	_ =	swait.ge [sflag:s16], $0x2800  }
0x4e: {  	[sflag:s16] =	ssyncset.done $0x0  }
0x4f: {  	s9 =	rddreg [dreg:$0xc];
	[sflag:s16] =	ssyncadd.s32 $0xFFFFD800  }
0x50: {  	[spmem:s2] =	stream.indirect.scatter.add.f32 [tilespmem:s14], [sflag:$0x3], $0x80, s9, s12, $0xb8;
	[tilespmem:$0x1A000] =	vst v63  }
0x51: {  	_ =	swait.ge [sflag:s10], $0x2800  }
0x52: {  	[sflag:s10] =	ssyncset.done $0x0  }
0x53: {  	s7 =	rddreg [dreg:$0xd];
	[sflag:s10] =	ssyncadd.s32 $0xFFFFD800  }
0x54: {  	[tilespmem:s14], [sflag:$0x2] =	stream.indirect.gather [hbm4b:s4+s12], $0x80, s7, s12, $0xb8;
	[tilespmem:$0x1A000] =	vst v63  }
0x55: {  	_ =	swait.ge [sflag:s15], $0x2800  }
0x56: {  	[sflag:s15] =	ssyncset.done $0x0  }
0x57: {  	s8 =	rddreg [dreg:$0xe];
	[sflag:s15] =	ssyncadd.s32 $0xFFFFD800  }
0x58: {  	[spmem:s2] =	stream.indirect.scatter.add.f32 [tilespmem:s13], [sflag:$0x3], $0x80, s8, s12, $0xb8;
	[tilespmem:$0x1A000] =	vst v63  }
0x59: {  	_ =	swait.ge [sflag:s10], $0x2800  }
0x5a: {  	[sflag:s10] =	ssyncset.done $0x0  }
0x5b: {  	s9 =	rddreg [dreg:$0xf];
	[sflag:s10] =	ssyncadd.s32 $0xFFFFD800  }
0x5c: {  	[tilespmem:s13], [sflag:$0x1] =	stream.indirect.gather [hbm4b:s4+s12], $0x80, s9, s12, $0xb8;
	[tilespmem:$0x1A000] =	vst v63  }
0x5d: {  	_ =	swait.ge [sflag:s16], $0x2800  }
0x5e: {  	[sflag:s16] =	ssyncset.done $0x0  }
0x5f: {  	s7 =	rddreg [dreg:$0x10];
	[sflag:s16] =	ssyncadd.s32 $0xFFFFD800  }
0x60: {  	[spmem:s2] =	stream.indirect.scatter.add.f32 [tilespmem:s14], [sflag:$0x3], $0x80, s7, s12, $0xb8;
	[tilespmem:$0x1A000] =	vst v63  }
0x61: {  	_ =	swait.ge [sflag:s10], $0x2800  }
0x62: {  	[sflag:s10] =	ssyncset.done $0x0  }
0x63: {  	s8 =	rddreg [dreg:$0x11];
	[sflag:s10] =	ssyncadd.s32 $0xFFFFD800  }
0x64: {  	[tilespmem:s14], [sflag:$0x2] =	stream.indirect.gather [hbm4b:s4+s12], $0x80, s8, s12, $0xb8;
	[tilespmem:$0x1A000] =	vst v63  }
0x65: {  	_ =	swait.ge [sflag:s15], $0x2800  }
0x66: {  	[sflag:s15] =	ssyncset.done $0x0  }
0x67: {  	s9 =	rddreg [dreg:$0x12];
	[sflag:s15] =	ssyncadd.s32 $0xFFFFD800  }
0x68: {  	[spmem:s2] =	stream.indirect.scatter.add.f32 [tilespmem:s13], [sflag:$0x3], $0x80, s9, s12, $0xb8;
	[tilespmem:$0x1A000] =	vst v63  }
0x69: {  	_ =	swait.ge [sflag:s10], $0x2800  }
0x6a: {  	[sflag:s10] =	ssyncset.done $0x0  }
0x6b: {  	[sflag:s10] =	ssyncadd.s32 $0xFFFFD800  }
0x6c: {  	[tilespmem:s13], [sflag:$0x1] =	stream.indirect.gather [hbm4b:s4+s12], $0x80, s17, s12, $0xb8;
	[tilespmem:$0x1A000] =	vst v63  }
0x6d: {  	_ =	swait.ge [sflag:s16], $0x2800  }
0x6e: {  	[sflag:s16] =	ssyncset.done $0x0  }
0x6f: {  	[sflag:s16] =	ssyncadd.s32 $0xFFFFD800  }
0x70: {  	[spmem:s2] =	stream.indirect.scatter.add.f32 [tilespmem:s14], [sflag:$0x3], $0x80, s18, s12, $0xb8;
	[tilespmem:$0x1A000] =	vst v63  }
0x71: {  	_ =	swait.ge [sflag:s10], $0x2800  }
0x72: {  	[sflag:s10] =	ssyncset.done $0x0  }
0x73: {  	[sflag:s10] =	ssyncadd.s32 $0xFFFFD800  }
0x74: {  	[tilespmem:s14], [sflag:$0x2] =	stream.indirect.gather [hbm4b:s4+s12], $0x80, s19, s12, $0xb8;
	[tilespmem:$0x1A000] =	vst v63  }
0x75: {  	_ =	swait.ge [sflag:s15], $0x2800  }
0x76: {  	[sflag:s15] =	ssyncset.done $0x0  }
0x77: {  	[sflag:s15] =	ssyncadd.s32 $0xFFFFD800  }
0x78: {  	[spmem:s2] =	stream.indirect.scatter.add.f32 [tilespmem:s13], [sflag:$0x3], $0x80, s20, s12, $0xb8;
	[tilespmem:$0x1A000] =	vst v63  }
0x79: {  	_ =	swait.ge [sflag:s10], $0x2800  }
0x7a: {  	[sflag:s10] =	ssyncset.done $0x0  }
0x7b: {  	[sflag:s10] =	ssyncadd.s32 $0xFFFFD800  }
0x7c: {  	[tilespmem:s13], [sflag:$0x1] =	stream.indirect.gather [hbm4b:s4+s12], $0x80, s21, s12, $0xb8;
	[tilespmem:$0x1A000] =	vst v63  }
0x7d: {  	_ =	swait.ge [sflag:s16], $0x2800  }
0x7e: {  	[sflag:s16] =	ssyncset.done $0x0  }
0x7f: {  	[sflag:s16] =	ssyncadd.s32 $0xFFFFD800  }
0x80: {  	[spmem:s2] =	stream.indirect.scatter.add.f32 [tilespmem:s14], [sflag:$0x3], $0x80, s22, s12, $0xb8;
	[tilespmem:$0x1A000] =	vst v63  }
0x81: {  	_ =	swait.ge [sflag:s10], $0x2800  }
0x82: {  	[sflag:s10] =	ssyncset.done $0x0  }
0x83: {  	[sflag:s10] =	ssyncadd.s32 $0xFFFFD800  }
0x84: {  	[tilespmem:s14], [sflag:$0x2] =	stream.indirect.gather [hbm4b:s4+s12], $0x80, s23, s12, $0xb8;
	[tilespmem:$0x1A000] =	vst v63  }
0x85: {  	_ =	swait.ge [sflag:s15], $0x2800  }
0x86: {  	[sflag:s15] =	ssyncset.done $0x0  }
0x87: {  	[sflag:s15] =	ssyncadd.s32 $0xFFFFD800  }
0x88: {  	[spmem:s2] =	stream.indirect.scatter.add.f32 [tilespmem:s13], [sflag:$0x3], $0x80, s24, s12, $0xb8;
	[tilespmem:$0x1A000] =	vst v63  }
0x89: {  	_ =	swait.ge [sflag:s10], $0x2800  }
0x8a: {  	[sflag:s10] =	ssyncset.done $0x0  }
0x8b: {  	[sflag:s10] =	ssyncadd.s32 $0xFFFFD800  }
0x8c: {  	[tilespmem:s13], [sflag:$0x1] =	stream.indirect.gather [hbm4b:s4+s12], $0x80, s25, s12, $0xb8;
	[tilespmem:$0x1A000] =	vst v63  }
0x8d: {  	_ =	swait.ge [sflag:s16], $0x2800  }
0x8e: {  	[sflag:s16] =	ssyncset.done $0x0  }
0x8f: {  	[sflag:s16] =	ssyncadd.s32 $0xFFFFD800  }
0x90: {  	[spmem:s2] =	stream.indirect.scatter.add.f32 [tilespmem:s14], [sflag:$0x3], $0x80, s26, s12, $0xb8;
	[tilespmem:$0x1A000] =	vst v63  }
0x91: {  	_ =	swait.ge [sflag:s10], $0x2800  }
0x92: {  	[sflag:s10] =	ssyncset.done $0x0  }
0x93: {  	[sflag:s10] =	ssyncadd.s32 $0xFFFFD800  }
0x94: {  	[tilespmem:s14], [sflag:$0x2] =	stream.indirect.gather [hbm4b:s4+s12], $0x80, s28, s12, $0xb8;
	[tilespmem:$0x1A000] =	vst v63  }
0x95: {  	_ =	swait.ge [sflag:s15], $0x2800  }
0x96: {  	[sflag:s15] =	ssyncset.done $0x0  }
0x97: {  	[sflag:s15] =	ssyncadd.s32 $0xFFFFD800  }
0x98: {  	[spmem:s2] =	stream.indirect.scatter.add.f32 [tilespmem:s13], [sflag:$0x3], $0x80, s29, s12, $0xb8;
	[tilespmem:$0x1A000] =	vst v63  }
0x99: {  	_ =	swait.ge [sflag:s10], $0x2800  }
0x9a: {  	[sflag:s10] =	ssyncset.done $0x0  }
0x9b: {  	[sflag:s10] =	ssyncadd.s32 $0xFFFFD800  }
0x9c: {  	[tilespmem:s13], [sflag:$0x1] =	stream.indirect.gather [hbm4b:s4+s12], $0x80, s30, s12, $0xb8;
	[tilespmem:$0x1A000] =	vst v63  }
0x9d: {  	_ =	swait.ge [sflag:s16], $0x2800  }
0x9e: {  	[sflag:s16] =	ssyncset.done $0x0  }
0x9f: {  	[sflag:s16] =	ssyncadd.s32 $0xFFFFD800  }
0xa0: {  	[spmem:s2] =	stream.indirect.scatter.add.f32 [tilespmem:s14], [sflag:$0x3], $0x80, s31, s12, $0xb8;
	[tilespmem:$0x1A000] =	vst v63  }
0xa1: {  	_ =	swait.ge [sflag:s10], $0x2800  }
0xa2: {  	[sflag:s10] =	ssyncset.done $0x0  }
0xa3: {  	[sflag:s10] =	ssyncadd.s32 $0xFFFFD800  }
0xa4: {  	[tilespmem:s14], [sflag:$0x2] =	stream.indirect.gather [hbm4b:s4+s12], $0x80, s1, s12, $0xb8;
	[tilespmem:$0x1A000] =	vst v63  }
0xa5: {  	_ =	swait.ge [sflag:s15], $0x2800  }
0xa6: {  	[sflag:s15] =	ssyncset.done $0x0  }
0xa7: {  	[sflag:s15] =	ssyncadd.s32 $0xFFFFD800  }
0xa8: {  	[spmem:s2] =	stream.indirect.scatter.add.f32 [tilespmem:s13], [sflag:$0x3], $0x80, s0, s12, $0xb8;
	[tilespmem:$0x1A000] =	vst v63  }
0xa9: {  	_ =	swait.ge [sflag:s10], $0x2800  }
0xaa: {  	[sflag:s10] =	ssyncset.done $0x0  }
0xab: {  	[sflag:s10] =	ssyncadd.s32 $0xFFFFD800  }
0xac: {  	_ =	swait.ge [sflag:s16], $0x2800  }
0xad: {  	[sflag:s16] =	ssyncset.done $0x0  }
0xae: {  	[sflag:s16] =	ssyncadd.s32 $0xFFFFD800  }
0xaf: {  	[spmem:s2] =	stream.indirect.scatter.add.f32 [tilespmem:s14], [sflag:$0x3], $0x80, s5, s12, $0xb8;
	[tilespmem:$0x1A000] =	vst v63  }
0xb0: {  	s6 =	simm.s32 $0x200;
	_ =	swait.ge [sflag:s10], $0x2800  }
0xb1: {  	s8 =	simm.s32 $0x100;
	s9 =	rddreg [dreg:$0x5];
	[sflag:s10] =	ssyncset.done $0x0  }
.LBB2_2:
0xb2: {  	[sflag:s10] =	ssyncadd.s32 $0xFFFFD800;
	s9 =	sadd.s32 s8, s9  }
0xb3: {  	[tilespmem:s3], [sflag:$0x3] =	stream.linear.gather [hbm4b:s9+s3], $0x800, $0x38;
	[tilespmem:$0x1A000] =	vst v63  }
0xb4: {  	_ =	swait.ge [sflag:s10], $0x800  }
0xb5: {  	s9 =	rddreg [dreg:$0x4];
	[sflag:s10] =	ssyncset.done $0x0  }
0xb6: {  	[sflag:s10] =	ssyncadd.s32 $0xFFFFF800;
	s9 =	sadd.s32 s8, s9  }
0xb7: {  	[tilespmem:s11], [sflag:$0x3] =	stream.linear.gather [hbm4b:s9+s3], $0x800, $0x38;
	[tilespmem:$0x1A000] =	vst v63  }
0xb8: {  	_ =	swait.ge [sflag:s10], $0x800  }
0xb9: {  	[sflag:s10] =	ssyncset.done $0x0  }
0xba: {  	[sflag:s10] =	ssyncadd.s32 $0xFFFFF800  }
0xbb: {  	[tilespmem:s13], [sflag:$0x1] =	stream.indirect.gather [hbm4b:s4+s12], $0x80, s3, s12, $0xb8;
	[tilespmem:$0x1A000] =	vst v63  }
0xbc: {  	s9 =	rddreg [dreg:$0x6]  }
0xbd: {  	[tilespmem:s14], [sflag:$0x2] =	stream.indirect.gather [hbm4b:s4+s12], $0x80, s9, s12, $0xb8;
	[tilespmem:$0x1A000] =	vst v63  }
0xbe: {  	_ =	swait.ge [sflag:s15], $0x2800  }
0xbf: {  	[sflag:s15] =	ssyncset.done $0x0  }
0xc0: {  	[sflag:s15] =	ssyncadd.s32 $0xFFFFD800  }
0xc1: {  	[spmem:s2] =	stream.indirect.scatter.add.f32 [tilespmem:s13], [sflag:$0x3], $0x80, s11, s12, $0xb8;
	[tilespmem:$0x1A000] =	vst v63  }
0xc2: {  	_ =	swait.ge [sflag:s10], $0x2800  }
0xc3: {  	[sflag:s10] =	ssyncset.done $0x0  }
0xc4: {  	s9 =	rddreg [dreg:$0x7];
	[sflag:s10] =	ssyncadd.s32 $0xFFFFD800  }
0xc5: {  	[tilespmem:s13], [sflag:$0x1] =	stream.indirect.gather [hbm4b:s4+s12], $0x80, s9, s12, $0xb8;
	[tilespmem:$0x1A000] =	vst v63  }
0xc6: {  	_ =	swait.ge [sflag:s16], $0x2800  }
0xc7: {  	[sflag:s16] =	ssyncset.done $0x0  }
0xc8: {  	s9 =	rddreg [dreg:$0x8];
	[sflag:s16] =	ssyncadd.s32 $0xFFFFD800  }
0xc9: {  	[spmem:s2] =	stream.indirect.scatter.add.f32 [tilespmem:s14], [sflag:$0x3], $0x80, s9, s12, $0xb8;
	[tilespmem:$0x1A000] =	vst v63  }
0xca: {  	_ =	swait.ge [sflag:s10], $0x2800  }
0xcb: {  	[sflag:s10] =	ssyncset.done $0x0  }
0xcc: {  	s9 =	rddreg [dreg:$0x9];
	[sflag:s10] =	ssyncadd.s32 $0xFFFFD800  }
0xcd: {  	[tilespmem:s14], [sflag:$0x2] =	stream.indirect.gather [hbm4b:s4+s12], $0x80, s9, s12, $0xb8;
	[tilespmem:$0x1A000] =	vst v63  }
0xce: {  	_ =	swait.ge [sflag:s15], $0x2800  }
0xcf: {  	[sflag:s15] =	ssyncset.done $0x0  }
0xd0: {  	s9 =	rddreg [dreg:$0xa];
	[sflag:s15] =	ssyncadd.s32 $0xFFFFD800  }
0xd1: {  	[spmem:s2] =	stream.indirect.scatter.add.f32 [tilespmem:s13], [sflag:$0x3], $0x80, s9, s12, $0xb8;
	[tilespmem:$0x1A000] =	vst v63  }
0xd2: {  	_ =	swait.ge [sflag:s10], $0x2800  }
0xd3: {  	[sflag:s10] =	ssyncset.done $0x0  }
0xd4: {  	s9 =	rddreg [dreg:$0xb];
	[sflag:s10] =	ssyncadd.s32 $0xFFFFD800  }
0xd5: {  	[tilespmem:s13], [sflag:$0x1] =	stream.indirect.gather [hbm4b:s4+s12], $0x80, s9, s12, $0xb8;
	[tilespmem:$0x1A000] =	vst v63  }
0xd6: {  	_ =	swait.ge [sflag:s16], $0x2800  }
0xd7: {  	[sflag:s16] =	ssyncset.done $0x0  }
0xd8: {  	s9 =	rddreg [dreg:$0xc];
	[sflag:s16] =	ssyncadd.s32 $0xFFFFD800  }
0xd9: {  	[spmem:s2] =	stream.indirect.scatter.add.f32 [tilespmem:s14], [sflag:$0x3], $0x80, s9, s12, $0xb8;
	[tilespmem:$0x1A000] =	vst v63  }
0xda: {  	_ =	swait.ge [sflag:s10], $0x2800  }
0xdb: {  	[sflag:s10] =	ssyncset.done $0x0  }
0xdc: {  	s9 =	rddreg [dreg:$0xd];
	[sflag:s10] =	ssyncadd.s32 $0xFFFFD800  }
0xdd: {  	[tilespmem:s14], [sflag:$0x2] =	stream.indirect.gather [hbm4b:s4+s12], $0x80, s9, s12, $0xb8;
	[tilespmem:$0x1A000] =	vst v63  }
0xde: {  	_ =	swait.ge [sflag:s15], $0x2800  }
0xdf: {  	[sflag:s15] =	ssyncset.done $0x0  }
0xe0: {  	s9 =	rddreg [dreg:$0xe];
	[sflag:s15] =	ssyncadd.s32 $0xFFFFD800  }
0xe1: {  	[spmem:s2] =	stream.indirect.scatter.add.f32 [tilespmem:s13], [sflag:$0x3], $0x80, s9, s12, $0xb8;
	[tilespmem:$0x1A000] =	vst v63  }
0xe2: {  	_ =	swait.ge [sflag:s10], $0x2800  }
0xe3: {  	[sflag:s10] =	ssyncset.done $0x0  }
0xe4: {  	s9 =	rddreg [dreg:$0xf];
	[sflag:s10] =	ssyncadd.s32 $0xFFFFD800  }
0xe5: {  	[tilespmem:s13], [sflag:$0x1] =	stream.indirect.gather [hbm4b:s4+s12], $0x80, s9, s12, $0xb8;
	[tilespmem:$0x1A000] =	vst v63  }
0xe6: {  	_ =	swait.ge [sflag:s16], $0x2800  }
0xe7: {  	[sflag:s16] =	ssyncset.done $0x0  }
0xe8: {  	s9 =	rddreg [dreg:$0x10];
	[sflag:s16] =	ssyncadd.s32 $0xFFFFD800  }
0xe9: {  	[spmem:s2] =	stream.indirect.scatter.add.f32 [tilespmem:s14], [sflag:$0x3], $0x80, s9, s12, $0xb8;
	[tilespmem:$0x1A000] =	vst v63  }
0xea: {  	_ =	swait.ge [sflag:s10], $0x2800  }
0xeb: {  	[sflag:s10] =	ssyncset.done $0x0  }
0xec: {  	s9 =	rddreg [dreg:$0x11];
	[sflag:s10] =	ssyncadd.s32 $0xFFFFD800  }
0xed: {  	[tilespmem:s14], [sflag:$0x2] =	stream.indirect.gather [hbm4b:s4+s12], $0x80, s9, s12, $0xb8;
	[tilespmem:$0x1A000] =	vst v63  }
0xee: {  	_ =	swait.ge [sflag:s15], $0x2800  }
0xef: {  	[sflag:s15] =	ssyncset.done $0x0  }
0xf0: {  	s9 =	rddreg [dreg:$0x12];
	[sflag:s15] =	ssyncadd.s32 $0xFFFFD800  }
0xf1: {  	[spmem:s2] =	stream.indirect.scatter.add.f32 [tilespmem:s13], [sflag:$0x3], $0x80, s9, s12, $0xb8;
	[tilespmem:$0x1A000] =	vst v63  }
0xf2: {  	_ =	swait.ge [sflag:s10], $0x2800  }
0xf3: {  	[sflag:s10] =	ssyncset.done $0x0  }
0xf4: {  	[sflag:s10] =	ssyncadd.s32 $0xFFFFD800  }
0xf5: {  	[tilespmem:s13], [sflag:$0x1] =	stream.indirect.gather [hbm4b:s4+s12], $0x80, s17, s12, $0xb8;
	[tilespmem:$0x1A000] =	vst v63  }
0xf6: {  	_ =	swait.ge [sflag:s16], $0x2800  }
0xf7: {  	[sflag:s16] =	ssyncset.done $0x0  }
0xf8: {  	[sflag:s16] =	ssyncadd.s32 $0xFFFFD800  }
0xf9: {  	[spmem:s2] =	stream.indirect.scatter.add.f32 [tilespmem:s14], [sflag:$0x3], $0x80, s18, s12, $0xb8;
	[tilespmem:$0x1A000] =	vst v63  }
0xfa: {  	_ =	swait.ge [sflag:s10], $0x2800  }
0xfb: {  	[sflag:s10] =	ssyncset.done $0x0  }
0xfc: {  	[sflag:s10] =	ssyncadd.s32 $0xFFFFD800  }
0xfd: {  	[tilespmem:s14], [sflag:$0x2] =	stream.indirect.gather [hbm4b:s4+s12], $0x80, s19, s12, $0xb8;
	[tilespmem:$0x1A000] =	vst v63  }
0xfe: {  	_ =	swait.ge [sflag:s15], $0x2800  }
0xff: {  	[sflag:s15] =	ssyncset.done $0x0  }
0x100: {  	[sflag:s15] =	ssyncadd.s32 $0xFFFFD800  }
0x101: {  	[spmem:s2] =	stream.indirect.scatter.add.f32 [tilespmem:s13], [sflag:$0x3], $0x80, s20, s12, $0xb8;
	[tilespmem:$0x1A000] =	vst v63  }
0x102: {  	_ =	swait.ge [sflag:s10], $0x2800  }
0x103: {  	[sflag:s10] =	ssyncset.done $0x0  }
0x104: {  	[sflag:s10] =	ssyncadd.s32 $0xFFFFD800  }
0x105: {  	[tilespmem:s13], [sflag:$0x1] =	stream.indirect.gather [hbm4b:s4+s12], $0x80, s21, s12, $0xb8;
	[tilespmem:$0x1A000] =	vst v63  }
0x106: {  	_ =	swait.ge [sflag:s16], $0x2800  }
0x107: {  	[sflag:s16] =	ssyncset.done $0x0  }
0x108: {  	[sflag:s16] =	ssyncadd.s32 $0xFFFFD800  }
0x109: {  	[spmem:s2] =	stream.indirect.scatter.add.f32 [tilespmem:s14], [sflag:$0x3], $0x80, s22, s12, $0xb8;
	[tilespmem:$0x1A000] =	vst v63  }
0x10a: {  	_ =	swait.ge [sflag:s10], $0x2800  }
0x10b: {  	[sflag:s10] =	ssyncset.done $0x0  }
0x10c: {  	[sflag:s10] =	ssyncadd.s32 $0xFFFFD800  }
0x10d: {  	[tilespmem:s14], [sflag:$0x2] =	stream.indirect.gather [hbm4b:s4+s12], $0x80, s23, s12, $0xb8;
	[tilespmem:$0x1A000] =	vst v63  }
0x10e: {  	_ =	swait.ge [sflag:s15], $0x2800  }
0x10f: {  	[sflag:s15] =	ssyncset.done $0x0  }
0x110: {  	[sflag:s15] =	ssyncadd.s32 $0xFFFFD800  }
0x111: {  	[spmem:s2] =	stream.indirect.scatter.add.f32 [tilespmem:s13], [sflag:$0x3], $0x80, s24, s12, $0xb8;
	[tilespmem:$0x1A000] =	vst v63  }
0x112: {  	_ =	swait.ge [sflag:s10], $0x2800  }
0x113: {  	[sflag:s10] =	ssyncset.done $0x0  }
0x114: {  	[sflag:s10] =	ssyncadd.s32 $0xFFFFD800  }
0x115: {  	[tilespmem:s13], [sflag:$0x1] =	stream.indirect.gather [hbm4b:s4+s12], $0x80, s25, s12, $0xb8;
	[tilespmem:$0x1A000] =	vst v63  }
0x116: {  	_ =	swait.ge [sflag:s16], $0x2800  }
0x117: {  	[sflag:s16] =	ssyncset.done $0x0  }
0x118: {  	[sflag:s16] =	ssyncadd.s32 $0xFFFFD800  }
0x119: {  	[spmem:s2] =	stream.indirect.scatter.add.f32 [tilespmem:s14], [sflag:$0x3], $0x80, s26, s12, $0xb8;
	[tilespmem:$0x1A000] =	vst v63  }
0x11a: {  	_ =	swait.ge [sflag:s10], $0x2800  }
0x11b: {  	[sflag:s10] =	ssyncset.done $0x0  }
0x11c: {  	[sflag:s10] =	ssyncadd.s32 $0xFFFFD800  }
0x11d: {  	[tilespmem:s14], [sflag:$0x2] =	stream.indirect.gather [hbm4b:s4+s12], $0x80, s28, s12, $0xb8;
	[tilespmem:$0x1A000] =	vst v63  }
0x11e: {  	_ =	swait.ge [sflag:s15], $0x2800  }
0x11f: {  	[sflag:s15] =	ssyncset.done $0x0  }
0x120: {  	[sflag:s15] =	ssyncadd.s32 $0xFFFFD800  }
0x121: {  	[spmem:s2] =	stream.indirect.scatter.add.f32 [tilespmem:s13], [sflag:$0x3], $0x80, s29, s12, $0xb8;
	[tilespmem:$0x1A000] =	vst v63  }
0x122: {  	_ =	swait.ge [sflag:s10], $0x2800  }
0x123: {  	[sflag:s10] =	ssyncset.done $0x0  }
0x124: {  	[sflag:s10] =	ssyncadd.s32 $0xFFFFD800  }
0x125: {  	[tilespmem:s13], [sflag:$0x1] =	stream.indirect.gather [hbm4b:s4+s12], $0x80, s30, s12, $0xb8;
	[tilespmem:$0x1A000] =	vst v63  }
0x126: {  	_ =	swait.ge [sflag:s16], $0x2800  }
0x127: {  	[sflag:s16] =	ssyncset.done $0x0  }
0x128: {  	[sflag:s16] =	ssyncadd.s32 $0xFFFFD800  }
0x129: {  	[spmem:s2] =	stream.indirect.scatter.add.f32 [tilespmem:s14], [sflag:$0x3], $0x80, s31, s12, $0xb8;
	[tilespmem:$0x1A000] =	vst v63  }
0x12a: {  	_ =	swait.ge [sflag:s10], $0x2800  }
0x12b: {  	[sflag:s10] =	ssyncset.done $0x0  }
0x12c: {  	[sflag:s10] =	ssyncadd.s32 $0xFFFFD800  }
0x12d: {  	[tilespmem:s14], [sflag:$0x2] =	stream.indirect.gather [hbm4b:s4+s12], $0x80, s1, s12, $0xb8;
	[tilespmem:$0x1A000] =	vst v63  }
0x12e: {  	_ =	swait.ge [sflag:s15], $0x2800  }
0x12f: {  	[sflag:s15] =	ssyncset.done $0x0  }
0x130: {  	[sflag:s15] =	ssyncadd.s32 $0xFFFFD800  }
0x131: {  	[spmem:s2] =	stream.indirect.scatter.add.f32 [tilespmem:s13], [sflag:$0x3], $0x80, s0, s12, $0xb8;
	[tilespmem:$0x1A000] =	vst v63  }
0x132: {  	_ =	swait.ge [sflag:s10], $0x2800  }
0x133: {  	[sflag:s10] =	ssyncset.done $0x0  }
0x134: {  	[sflag:s10] =	ssyncadd.s32 $0xFFFFD800  }
0x135: {  	p0 =	sne.s32 s6, $0x700;
	_ =	swait.ge [sflag:s16], $0x2800  }
.Ltmp0:
0x136: {  	[sflag:s16] =	ssyncset.done $0x0;
	(pc) =	sbr.rel @p0 .LBB2_2-.Ltmp0, $4  }
0x137: {  	[sflag:s16] =	ssyncadd.s32 $0xFFFFD800  }
0x138: {  	[spmem:s2] =	stream.indirect.scatter.add.f32 [tilespmem:s14], [sflag:$0x3], $0x80, s5, s12, $0xb8;
	[tilespmem:$0x1A000] =	vst v63  }
0x139: {  	s7 =	smov.u32 s6;
	s6 =	sadd.s32 $0x100, s6;
	_ =	swait.ge [sflag:s10], $0x2800  }
0x13a: {  	s8 =	smov.u32 s7;
	s9 =	rddreg [dreg:$0x5];
	[sflag:s10] =	ssyncset.done $0x0  }
0x13b: {  	[sflag:s10] =	ssyncadd.s32 $0xFFFFD800;
	s6 =	sadd.s32 s8, s9  }
0x13c: {  	[tilespmem:s3], [sflag:$0x3] =	stream.linear.gather [hbm4b:s6+s3], $0x800, $0x38;
	[tilespmem:$0x1A000] =	vst v63  }
0x13d: {  	_ =	swait.ge [sflag:s10], $0x800  }
0x13e: {  	s7 =	rddreg [dreg:$0x4];
	[sflag:s10] =	ssyncset.done $0x0  }
0x13f: {  	s6 =	sadd.s32 s8, s7;
	[sflag:s10] =	ssyncadd.s32 $0xFFFFF800  }
0x140: {  	[tilespmem:s11], [sflag:$0x3] =	stream.linear.gather [hbm4b:s6+s3], $0x800, $0x38;
	[tilespmem:$0x1A000] =	vst v63  }
0x141: {  	_ =	swait.ge [sflag:s10], $0x800  }
0x142: {  	[sflag:s10] =	ssyncset.done $0x0  }
0x143: {  	[sflag:s10] =	ssyncadd.s32 $0xFFFFF800  }
0x144: {  	[tilespmem:s13], [sflag:$0x1] =	stream.indirect.gather [hbm4b:s4+s12], $0x80, s3, s12, $0xb8;
	[tilespmem:$0x1A000] =	vst v63  }
0x145: {  	s8 =	rddreg [dreg:$0x6]  }
0x146: {  	[tilespmem:s14], [sflag:$0x2] =	stream.indirect.gather [hbm4b:s4+s12], $0x80, s8, s12, $0xb8;
	[tilespmem:$0x1A000] =	vst v63  }
0x147: {  	_ =	swait.ge [sflag:s15], $0x2800  }
0x148: {  	[sflag:s15] =	ssyncset.done $0x0  }
0x149: {  	[sflag:s15] =	ssyncadd.s32 $0xFFFFD800  }
0x14a: {  	[spmem:s2] =	stream.indirect.scatter.add.f32 [tilespmem:s13], [sflag:$0x3], $0x80, s11, s12, $0xb8;
	[tilespmem:$0x1A000] =	vst v63  }
0x14b: {  	_ =	swait.ge [sflag:s10], $0x2800  }
0x14c: {  	[sflag:s10] =	ssyncset.done $0x0  }
0x14d: {  	s9 =	rddreg [dreg:$0x7];
	[sflag:s10] =	ssyncadd.s32 $0xFFFFD800  }
0x14e: {  	[tilespmem:s13], [sflag:$0x1] =	stream.indirect.gather [hbm4b:s4+s12], $0x80, s9, s12, $0xb8;
	[tilespmem:$0x1A000] =	vst v63  }
0x14f: {  	_ =	swait.ge [sflag:s16], $0x2800  }
0x150: {  	[sflag:s16] =	ssyncset.done $0x0  }
0x151: {  	s7 =	rddreg [dreg:$0x8];
	[sflag:s16] =	ssyncadd.s32 $0xFFFFD800  }
0x152: {  	[spmem:s2] =	stream.indirect.scatter.add.f32 [tilespmem:s14], [sflag:$0x3], $0x80, s7, s12, $0xb8;
	[tilespmem:$0x1A000] =	vst v63  }
0x153: {  	_ =	swait.ge [sflag:s10], $0x2800  }
0x154: {  	[sflag:s10] =	ssyncset.done $0x0  }
0x155: {  	s8 =	rddreg [dreg:$0x9];
	[sflag:s10] =	ssyncadd.s32 $0xFFFFD800  }
0x156: {  	[tilespmem:s14], [sflag:$0x2] =	stream.indirect.gather [hbm4b:s4+s12], $0x80, s8, s12, $0xb8;
	[tilespmem:$0x1A000] =	vst v63  }
0x157: {  	_ =	swait.ge [sflag:s15], $0x2800  }
0x158: {  	[sflag:s15] =	ssyncset.done $0x0  }
0x159: {  	s9 =	rddreg [dreg:$0xa];
	[sflag:s15] =	ssyncadd.s32 $0xFFFFD800  }
0x15a: {  	[spmem:s2] =	stream.indirect.scatter.add.f32 [tilespmem:s13], [sflag:$0x3], $0x80, s9, s12, $0xb8;
	[tilespmem:$0x1A000] =	vst v63  }
0x15b: {  	_ =	swait.ge [sflag:s10], $0x2800  }
0x15c: {  	[sflag:s10] =	ssyncset.done $0x0  }
0x15d: {  	s7 =	rddreg [dreg:$0xb];
	[sflag:s10] =	ssyncadd.s32 $0xFFFFD800  }
0x15e: {  	[tilespmem:s13], [sflag:$0x1] =	stream.indirect.gather [hbm4b:s4+s12], $0x80, s7, s12, $0xb8;
	[tilespmem:$0x1A000] =	vst v63  }
0x15f: {  	_ =	swait.ge [sflag:s16], $0x2800  }
0x160: {  	[sflag:s16] =	ssyncset.done $0x0  }
0x161: {  	s8 =	rddreg [dreg:$0xc];
	[sflag:s16] =	ssyncadd.s32 $0xFFFFD800  }
0x162: {  	[spmem:s2] =	stream.indirect.scatter.add.f32 [tilespmem:s14], [sflag:$0x3], $0x80, s8, s12, $0xb8;
	[tilespmem:$0x1A000] =	vst v63  }
0x163: {  	_ =	swait.ge [sflag:s10], $0x2800  }
0x164: {  	[sflag:s10] =	ssyncset.done $0x0  }
0x165: {  	s9 =	rddreg [dreg:$0xd];
	[sflag:s10] =	ssyncadd.s32 $0xFFFFD800  }
0x166: {  	[tilespmem:s14], [sflag:$0x2] =	stream.indirect.gather [hbm4b:s4+s12], $0x80, s9, s12, $0xb8;
	[tilespmem:$0x1A000] =	vst v63  }
0x167: {  	_ =	swait.ge [sflag:s15], $0x2800  }
0x168: {  	[sflag:s15] =	ssyncset.done $0x0  }
0x169: {  	s7 =	rddreg [dreg:$0xe];
	[sflag:s15] =	ssyncadd.s32 $0xFFFFD800  }
0x16a: {  	[spmem:s2] =	stream.indirect.scatter.add.f32 [tilespmem:s13], [sflag:$0x3], $0x80, s7, s12, $0xb8;
	[tilespmem:$0x1A000] =	vst v63  }
0x16b: {  	_ =	swait.ge [sflag:s10], $0x2800  }
0x16c: {  	[sflag:s10] =	ssyncset.done $0x0  }
0x16d: {  	s8 =	rddreg [dreg:$0xf];
	[sflag:s10] =	ssyncadd.s32 $0xFFFFD800  }
0x16e: {  	[tilespmem:s13], [sflag:$0x1] =	stream.indirect.gather [hbm4b:s4+s12], $0x80, s8, s12, $0xb8;
	[tilespmem:$0x1A000] =	vst v63  }
0x16f: {  	_ =	swait.ge [sflag:s16], $0x2800  }
0x170: {  	[sflag:s16] =	ssyncset.done $0x0  }
0x171: {  	s9 =	rddreg [dreg:$0x10];
	[sflag:s16] =	ssyncadd.s32 $0xFFFFD800  }
0x172: {  	[spmem:s2] =	stream.indirect.scatter.add.f32 [tilespmem:s14], [sflag:$0x3], $0x80, s9, s12, $0xb8;
	[tilespmem:$0x1A000] =	vst v63  }
0x173: {  	_ =	swait.ge [sflag:s10], $0x2800  }
0x174: {  	[sflag:s10] =	ssyncset.done $0x0  }
0x175: {  	s7 =	rddreg [dreg:$0x11];
	[sflag:s10] =	ssyncadd.s32 $0xFFFFD800  }
0x176: {  	[tilespmem:s14], [sflag:$0x2] =	stream.indirect.gather [hbm4b:s4+s12], $0x80, s7, s12, $0xb8;
	[tilespmem:$0x1A000] =	vst v63  }
0x177: {  	_ =	swait.ge [sflag:s15], $0x2800  }
0x178: {  	[sflag:s15] =	ssyncset.done $0x0  }
0x179: {  	s8 =	rddreg [dreg:$0x12];
	[sflag:s15] =	ssyncadd.s32 $0xFFFFD800  }
0x17a: {  	[spmem:s2] =	stream.indirect.scatter.add.f32 [tilespmem:s13], [sflag:$0x3], $0x80, s8, s12, $0xb8;
	[tilespmem:$0x1A000] =	vst v63  }
0x17b: {  	_ =	swait.ge [sflag:s10], $0x2800  }
0x17c: {  	[sflag:s10] =	ssyncset.done $0x0  }
0x17d: {  	[sflag:s10] =	ssyncadd.s32 $0xFFFFD800  }
0x17e: {  	[tilespmem:s13], [sflag:$0x1] =	stream.indirect.gather [hbm4b:s4+s12], $0x80, s17, s12, $0xb8;
	[tilespmem:$0x1A000] =	vst v63  }
0x17f: {  	_ =	swait.ge [sflag:s16], $0x2800  }
0x180: {  	[sflag:s16] =	ssyncset.done $0x0  }
0x181: {  	[sflag:s16] =	ssyncadd.s32 $0xFFFFD800  }
0x182: {  	[spmem:s2] =	stream.indirect.scatter.add.f32 [tilespmem:s14], [sflag:$0x3], $0x80, s18, s12, $0xb8;
	[tilespmem:$0x1A000] =	vst v63  }
0x183: {  	_ =	swait.ge [sflag:s10], $0x2800  }
0x184: {  	[sflag:s10] =	ssyncset.done $0x0  }
0x185: {  	[sflag:s10] =	ssyncadd.s32 $0xFFFFD800  }
0x186: {  	[tilespmem:s14], [sflag:$0x2] =	stream.indirect.gather [hbm4b:s4+s12], $0x80, s19, s12, $0xb8;
	[tilespmem:$0x1A000] =	vst v63  }
0x187: {  	_ =	swait.ge [sflag:s15], $0x2800  }
0x188: {  	[sflag:s15] =	ssyncset.done $0x0  }
0x189: {  	[sflag:s15] =	ssyncadd.s32 $0xFFFFD800  }
0x18a: {  	[spmem:s2] =	stream.indirect.scatter.add.f32 [tilespmem:s13], [sflag:$0x3], $0x80, s20, s12, $0xb8;
	[tilespmem:$0x1A000] =	vst v63  }
0x18b: {  	_ =	swait.ge [sflag:s10], $0x2800  }
0x18c: {  	[sflag:s10] =	ssyncset.done $0x0  }
0x18d: {  	[sflag:s10] =	ssyncadd.s32 $0xFFFFD800  }
0x18e: {  	[tilespmem:s13], [sflag:$0x1] =	stream.indirect.gather [hbm4b:s4+s12], $0x80, s21, s12, $0xb8;
	[tilespmem:$0x1A000] =	vst v63  }
0x18f: {  	_ =	swait.ge [sflag:s16], $0x2800  }
0x190: {  	[sflag:s16] =	ssyncset.done $0x0  }
0x191: {  	[sflag:s16] =	ssyncadd.s32 $0xFFFFD800  }
0x192: {  	[spmem:s2] =	stream.indirect.scatter.add.f32 [tilespmem:s14], [sflag:$0x3], $0x80, s22, s12, $0xb8;
	[tilespmem:$0x1A000] =	vst v63  }
0x193: {  	_ =	swait.ge [sflag:s10], $0x2800  }
0x194: {  	[sflag:s10] =	ssyncset.done $0x0  }
0x195: {  	[sflag:s10] =	ssyncadd.s32 $0xFFFFD800  }
0x196: {  	[tilespmem:s14], [sflag:$0x2] =	stream.indirect.gather [hbm4b:s4+s12], $0x80, s23, s12, $0xb8;
	[tilespmem:$0x1A000] =	vst v63  }
0x197: {  	_ =	swait.ge [sflag:s15], $0x2800  }
0x198: {  	[sflag:s15] =	ssyncset.done $0x0  }
0x199: {  	[sflag:s15] =	ssyncadd.s32 $0xFFFFD800  }
0x19a: {  	[spmem:s2] =	stream.indirect.scatter.add.f32 [tilespmem:s13], [sflag:$0x3], $0x80, s24, s12, $0xb8;
	[tilespmem:$0x1A000] =	vst v63  }
0x19b: {  	_ =	swait.ge [sflag:s10], $0x2800  }
0x19c: {  	[sflag:s10] =	ssyncset.done $0x0  }
0x19d: {  	[sflag:s10] =	ssyncadd.s32 $0xFFFFD800  }
0x19e: {  	[tilespmem:s13], [sflag:$0x1] =	stream.indirect.gather [hbm4b:s4+s12], $0x80, s25, s12, $0xb8;
	[tilespmem:$0x1A000] =	vst v63  }
0x19f: {  	_ =	swait.ge [sflag:s16], $0x2800  }
0x1a0: {  	[sflag:s16] =	ssyncset.done $0x0  }
0x1a1: {  	[sflag:s16] =	ssyncadd.s32 $0xFFFFD800  }
0x1a2: {  	[spmem:s2] =	stream.indirect.scatter.add.f32 [tilespmem:s14], [sflag:$0x3], $0x80, s26, s12, $0xb8;
	[tilespmem:$0x1A000] =	vst v63  }
0x1a3: {  	_ =	swait.ge [sflag:s10], $0x2800  }
0x1a4: {  	[sflag:s10] =	ssyncset.done $0x0  }
0x1a5: {  	[sflag:s10] =	ssyncadd.s32 $0xFFFFD800  }
0x1a6: {  	[tilespmem:s14], [sflag:$0x2] =	stream.indirect.gather [hbm4b:s4+s12], $0x80, s28, s12, $0xb8;
	[tilespmem:$0x1A000] =	vst v63  }
0x1a7: {  	_ =	swait.ge [sflag:s15], $0x2800  }
0x1a8: {  	[sflag:s15] =	ssyncset.done $0x0  }
0x1a9: {  	[sflag:s15] =	ssyncadd.s32 $0xFFFFD800  }
0x1aa: {  	[spmem:s2] =	stream.indirect.scatter.add.f32 [tilespmem:s13], [sflag:$0x3], $0x80, s29, s12, $0xb8;
	[tilespmem:$0x1A000] =	vst v63  }
0x1ab: {  	_ =	swait.ge [sflag:s10], $0x2800  }
0x1ac: {  	[sflag:s10] =	ssyncset.done $0x0  }
0x1ad: {  	[sflag:s10] =	ssyncadd.s32 $0xFFFFD800  }
0x1ae: {  	[tilespmem:s13], [sflag:$0x1] =	stream.indirect.gather [hbm4b:s4+s12], $0x80, s30, s12, $0xb8;
	[tilespmem:$0x1A000] =	vst v63  }
0x1af: {  	_ =	swait.ge [sflag:s16], $0x2800  }
0x1b0: {  	[sflag:s16] =	ssyncset.done $0x0  }
0x1b1: {  	[sflag:s16] =	ssyncadd.s32 $0xFFFFD800  }
0x1b2: {  	[spmem:s2] =	stream.indirect.scatter.add.f32 [tilespmem:s14], [sflag:$0x3], $0x80, s31, s12, $0xb8;
	[tilespmem:$0x1A000] =	vst v63  }
0x1b3: {  	_ =	swait.ge [sflag:s10], $0x2800  }
0x1b4: {  	[sflag:s10] =	ssyncset.done $0x0  }
0x1b5: {  	[sflag:s10] =	ssyncadd.s32 $0xFFFFD800  }
0x1b6: {  	[tilespmem:s14], [sflag:$0x2] =	stream.indirect.gather [hbm4b:s4+s12], $0x80, s1, s12, $0xb8;
	[tilespmem:$0x1A000] =	vst v63  }
0x1b7: {  	_ =	swait.ge [sflag:s15], $0x2800  }
0x1b8: {  	[sflag:s15] =	ssyncset.done $0x0  }
0x1b9: {  	[sflag:s15] =	ssyncadd.s32 $0xFFFFD800  }
0x1ba: {  	[spmem:s2] =	stream.indirect.scatter.add.f32 [tilespmem:s13], [sflag:$0x3], $0x80, s0, s12, $0xb8;
	[tilespmem:$0x1A000] =	vst v63  }
0x1bb: {  	_ =	swait.ge [sflag:s10], $0x2800  }
0x1bc: {  	[sflag:s10] =	ssyncset.done $0x0  }
0x1bd: {  	[sflag:s10] =	ssyncadd.s32 $0xFFFFD800  }
0x1be: {  	_ =	swait.ge [sflag:s16], $0x2800  }
0x1bf: {  	[sflag:s16] =	ssyncset.done $0x0  }
0x1c0: {  	[sflag:s16] =	ssyncadd.s32 $0xFFFFD800  }
0x1c1: {  	[spmem:s2] =	stream.indirect.scatter.add.f32 [tilespmem:s14], [sflag:$0x3], $0x80, s5, s12, $0xb8;
	[tilespmem:$0x1A000] =	vst v63  }
0x1c2: {  	_ =	swait.ge [sflag:s10], $0x2800  }
0x1c3: {  	[sflag:s10] =	ssyncset.done $0x0  }
0x1c4: {  	[sflag:s10] =	ssyncadd.s32 $0xFFFFD800  }
0x1c5: {  	[bflag:$0x0] =	sbarrier.arrive $0xFFFF  }
0x1c6: {  	s8 =	rddreg [dreg:$0x14]  }
0x1c7: {  	s9 =	rddreg [dreg:$0x15]  }
0x1c8: {  	s7 =	rddreg [dreg:$0x17]  }
0x1c9: {  	[hbm:s9], [sflag:s8] =	dma.local [spmem:s7], $0x2800  }
0x1ca: {  	_ =	swait.ge [sflag:s10], $0x2800  }
0x1cb: {  	s6 =	rddreg [dreg:$0x18]  }
0x1cc: {  	s9 =	sadd.s32 $0x1, s6;
	s6 =	rddreg [dreg:$0x16]  }
0x1cd: {  	p0 =	sne.s32 s9, s6  }
.Ltmp1:
0x1ce: {  	_ = 	snop;
	(pc) =	sbr.rel @p0 .LBB2_1-.Ltmp1, $3  }
0x1cf: {  	_ =	sdelay $0x1  }
0x1d0: {  	[sflag:s10] =	ssyncset.done $0x0  }
0x1d1: {  	[sflag:s10] =	ssyncadd.s32 $0xFFFFD800  }
0x1d2: {  	_ =	sfence.sel $0x180000  }
0x1d3: {  	[bflag:$0x0] =	sbarrier.arrive $0xFFFF  }
0x1d4: {  	_ =	strace $0x90000050  }
0x1d5: {  	s0 =	stileid.u32;
	[bflag:$0x2] =	sbarrier.arrive $0xFFFF  }
0x1d6: {  	p0 =	sne.s32 s0, $0x0;
	s0 =	rddreg [dreg:$0x3]  }
0x1d7: {  	s0 =	sadd.s32 @!p0 $0x100000, s0  }
0x1d8: {  	[sflag:s0] =	ssyncadd.tile.s32 @!p0 $0x1;
	_ =	shalt  }
.Lfunc_end2:
_tile_overlayer_lowered:
.L_overlay_start_2:
0x1d9: {  	(tag) =	ssettag $0x2  }
0x1da: {  	s0 =	rddreg [dreg:$0x0];
	s2 =	stileid.u32  }
0x1db: {  	s1 =	rddreg [dreg:$0x1];
	p0 =	sne.s32 s2, $0x0  }
0x1dc: {  	s3 =	rddreg [dreg:$0x2];
	[bflag:$0x3] =	sbarrier.arrive $0xFFFF;
	s2 =	simm.s32 @!p0 $0x1C03  }
0x1dd: {  	[timem:s3], [sflag:s2] =	dma.local @!p0 [hbm:s0], s1  }
0x1de: {  	s0 =	simm.s32 @!p0 $0x3  }
0x1df: {  	_ =	swait.ge @!p0 [sflag:s0], s1  }
0x1e0: {  	s1 =	ssub.s32 @!p0 $0x0, s1;
	[sflag:s0] =	ssyncset.done @!p0 $0x0  }
0x1e1: {  	[sflag:s0] =	ssyncadd.s32 @!p0 s1  }
0x1e2: {  	[bflag:$0x3] =	sbarrier.arrive $0xFFFF  }
0x1e3: {  	_ =	shalt  }

</sc_bundles>
